<compile_context>
chip_gen: v7x
topology: tpu7x:2x2x1
jax: 0.10.2.dev20260603
libtpu: 0.0.44.dev20260713+nightly
codegen_flags: <defaults>
</compile_context>

<pallas_src>
import functools

import jax
import jax.numpy as jnp
from jax import lax
from jax.experimental import pallas as pl
from jax.experimental.pallas import tpu as pltpu
from jax.experimental.pallas import tpu_sc as plsc

NC = 2
NS = 16
NW = NC * NS
LANES = 16
CHUNK = 256


@functools.partial(jax.jit, static_argnums=(3,))
def _sc_lookup(idx, weight_mu, weight_logvar, b_per_w):
    B = idx.shape[0]
    D = weight_mu.shape[1]
    mesh = plsc.VectorSubcoreMesh(
        core_axis_name="c", subcore_axis_name="s",
        num_cores=NC, num_subcores=NS)

    @functools.partial(
        pl.kernel,
        out_type=[
            jax.ShapeDtypeStruct((B, D), jnp.float32),
            jax.ShapeDtypeStruct((B, D), jnp.float32),
            jax.ShapeDtypeStruct((B, D), jnp.float32),
        ],
        mesh=mesh,
        scratch_types=[
            pltpu.VMEM((b_per_w,), jnp.int32),
            pltpu.VMEM((CHUNK, D), jnp.float32),
            pltpu.VMEM((CHUNK, D), jnp.float32),
            pltpu.VMEM((CHUNK, D), jnp.float32),
            pltpu.SemaphoreType.DMA,
            pltpu.SemaphoreType.DMA,
        ],
    )
    def k(idx_hbm, mu_hbm, lv_hbm, out_mu, out_lv, out_std,
          idx_v, bmu, blv, bstd, sem_mu, sem_lv):
        wid = lax.axis_index("s") * NC + lax.axis_index("c")
        base = wid * b_per_w

        pltpu.sync_copy(idx_hbm.at[pl.ds(base, b_per_w)], idx_v)

        n_vec = D // LANES

        for c in range(b_per_w // CHUNK):
            cb = c * CHUNK

            def fire(g, _):
                vec = idx_v[pl.ds(cb + g * 16, 16)]
                for j in range(16):
                    i = vec[j]
                    r = g * 16 + j
                    pltpu.async_copy(mu_hbm.at[i], bmu.at[r], sem_mu)
                    pltpu.async_copy(lv_hbm.at[i], blv.at[r], sem_lv)
                return 0

            lax.fori_loop(0, CHUNK // 16, fire, 0)

            pltpu.make_async_copy(
                mu_hbm.at[pl.ds(0, CHUNK)], bmu, sem_mu).wait()
            pltpu.make_async_copy(
                lv_hbm.at[pl.ds(0, CHUNK)], blv, sem_lv).wait()

            def body(t, _):
                r0 = t * 4
                for kk in range(4):
                    for j in range(n_vec):
                        v = blv[r0 + kk, pl.ds(j * LANES, LANES)]
                        bstd[r0 + kk, pl.ds(j * LANES, LANES)] = (
                            jnp.exp(0.5 * v))
                return 0

            lax.fori_loop(0, CHUNK // 4, body, 0)

            pltpu.sync_copy(bmu, out_mu.at[pl.ds(base + cb, CHUNK)])
            pltpu.sync_copy(blv, out_lv.at[pl.ds(base + cb, CHUNK)])
            pltpu.sync_copy(bstd, out_std.at[pl.ds(base + cb, CHUNK)])

    return k(idx, weight_mu, weight_logvar)


def kernel(idx, num_augment_pts, weight_mu, weight_logvar):
    del num_augment_pts
    B = idx.shape[0]
    assert B % NW == 0
    mu, logvar, std = _sc_lookup(idx.astype(jnp.int32), weight_mu,
                                 weight_logvar, B // NW)
    return (mu, mu, logvar, std)

# --- scband reference (transcript-rebuilt; emitter-appended) ---
"""Pipeline reference for scband-vadlog-var-21603685499567 (READ-ONLY COPY).

The authoritative reference and input builder live on the scoring server;
editing this copy changes nothing except your own understanding.
"""

import jax, jax.numpy as jnp
import numpy as np

N = 1000000
DIM = 64
BATCH = 16384

def setup_inputs(seed: int = 0) -> dict:
    key = jax.random.key(seed)
    k_idx, k_mu, k_lv = jax.random.split(key, 3)
    idx = jax.random.randint(k_idx, (BATCH,), 0, N, dtype=jnp.int64 if jax.config.jax_enable_x64 else jnp.int32)
    init_std = 1.0 / np.sqrt(DIM)
    weight_mu = jax.random.normal(k_mu, (N, DIM), dtype=jnp.float32) * init_std
    weight_logvar = jax.random.normal(k_lv, (N, DIM), dtype=jnp.float32) * init_std
    return {"idx": idx, "num_augment_pts": 1, "weight_mu": weight_mu, "weight_logvar": weight_logvar}

def reference(idx, num_augment_pts, weight_mu, weight_logvar):
    # Faithful to VADLogVar.forward in eval (test) mode:
    #   mu = weight_mu[idx]; logvar = weight_logvar[idx].detach();
    #   std = exp(0.5*logvar); batch_latent = mu
    mu = jnp.take(weight_mu, idx, axis=0)
    logvar = jax.lax.stop_gradient(jnp.take(weight_logvar, idx, axis=0))
    std = jnp.exp(0.5 * logvar)
    batch_latent = mu
    return (batch_latent, mu, logvar, std)

if __name__ == "__main__":
    import jax
    _d = setup_inputs()
    print(jax.jit(kernel)(*tuple(_d.values())))

</pallas_src>

<mosaic_0001>
#map = affine_map<(d0, d1) -> (0)>
#map1 = affine_map<(d0, d1) -> (0, 0)>
module attributes {stable_mosaic.version = 14 : i64} {
  func.func @k(%arg0: i32, %arg1: i32, %arg2: memref<16384xi32, #tpu.memory_space<hbm>>, %arg3: memref<1000000x64xf32, #tpu.memory_space<hbm>>, %arg4: memref<1000000x64xf32, #tpu.memory_space<hbm>>, %arg5: memref<16384x64xf32, #tpu.memory_space<hbm>>, %arg6: memref<16384x64xf32, #tpu.memory_space<hbm>>, %arg7: memref<16384x64xf32, #tpu.memory_space<hbm>>, %arg8: memref<512xi32, #tpu.memory_space<vmem>>, %arg9: memref<256x64xf32, #tpu.memory_space<vmem>>, %arg10: memref<256x64xf32, #tpu.memory_space<vmem>>, %arg11: memref<256x64xf32, #tpu.memory_space<vmem>>, %arg12: memref<!tpu.dma_semaphore, #tpu.memory_space<semaphore_mem>>, %arg13: memref<!tpu.dma_semaphore, #tpu.memory_space<semaphore_mem>>) attributes {dimension_semantics = [#tpu.dimension_semantics<core_parallel>, #tpu.dimension_semantics<subcore_parallel>], iteration_bounds = array<i64: 2, 16>, scalar_prefetch = 0 : i64, scratch_operands = 6 : i64, tpu.core_type = #tpu.core_type<sc_vector_subcore>, window_params = [{transform_indices = #map}, {transform_indices = #map1}, {transform_indices = #map1}, {transform_indices = #map1}, {transform_indices = #map1}, {transform_indices = #map1}]} {
    %mul3A = arith.constant 2 : i32
    %mul3A_0 = arith.muli %arg1, %mul3A : i32
    %add3A = arith.addi %mul3A_0, %arg0 : i32
    %mul3A_1 = arith.constant 512 : i32
    %mul3A_2 = arith.muli %add3A, %mul3A_1 : i32
    "tpu.region"() ({
      %run_scoped3A = tpu.sem_alloc : memref<!tpu.dma_semaphore, #tpu.memory_space<semaphore_mem>>
      %dma_start3A = tpu.memref_slice %arg2[%mul3A_2] : memref<16384xi32, #tpu.memory_space<hbm>> -> memref<512xi32, #tpu.memory_space<hbm>>
      %dma_start3A_65 = tpu.memref_slice %arg2[%mul3A_2] : memref<16384xi32, #tpu.memory_space<hbm>> -> memref<512xi32, #tpu.memory_space<hbm>>
      tpu.enqueue_dma source(%dma_start3A_65 : memref<512xi32, #tpu.memory_space<hbm>>) target(%arg8 : memref<512xi32, #tpu.memory_space<vmem>>) target_semaphore(%run_scoped3A : memref<!tpu.dma_semaphore, #tpu.memory_space<semaphore_mem>>)
      %dma_wait3A_66 = tpu.memref_slice %arg2[%mul3A_2] : memref<16384xi32, #tpu.memory_space<hbm>> -> memref<512xi32, #tpu.memory_space<hbm>>
      %dma_wait3A_67 = tpu.memref_slice %arg2[%mul3A_2] : memref<16384xi32, #tpu.memory_space<hbm>> -> memref<512xi32, #tpu.memory_space<hbm>>
      tpu.wait_dma2 semaphore(%run_scoped3A : memref<!tpu.dma_semaphore, #tpu.memory_space<semaphore_mem>>) src(%dma_wait3A_67 : memref<512xi32, #tpu.memory_space<hbm>>) dst(%arg8 : memref<512xi32, #tpu.memory_space<vmem>>)
      tpu.yield
    }) : () -> ()
    %scan3A = arith.constant 0 : i32
    %scan3A_3 = arith.constant 0 : i32
    %scan3A_4 = arith.constant 16 : i32
    %scan3A_5 = arith.addi %scan3A_3, %scan3A_4 : i32
    %scan3A_6 = arith.constant 1 : i32
    %scan3A_7 = scf.for %scan3A_65 = %scan3A_3 to %scan3A_5 step %scan3A_6 iter_args(%scan3A_66 = %scan3A) -> (i32)  : i32 {
      %mul3A_67 = arith.constant 16 : i32
      %mul3A_68 = arith.muli %scan3A_65, %mul3A_67 : i32
      %add3A_69 = arith.constant 0 : i32
      %add3A_70 = arith.addi %add3A_69, %mul3A_68 : i32
      %get3A = arith.index_cast %add3A_70 : i32 to index
      %get3A_71 = tpu.vector_load %arg8[%get3A] {strides = array<i32>} : memref<512xi32, #tpu.memory_space<vmem>>, vector<16xi32>,
      %get3A_72 = vector.shape_cast %get3A_71 : vector<16xi32> to vector<16xi32>
      %slice3A = vector.extract_strided_slice %get3A_72 {offsets = [0], sizes = [1], strides = [1]} : vector<16xi32> to vector<1xi32>
      %squeeze3A = vector.extract %slice3A[0] : i32 from vector<1xi32>
      %mul3A_73 = arith.constant 16 : i32
      %mul3A_74 = arith.muli %scan3A_65, %mul3A_73 : i32
      %add3A_75 = arith.constant 0 : i32
      %add3A_76 = arith.addi %mul3A_74, %add3A_75 : i32
      %dma_start3A = arith.constant 0 : i32
      %dma_start3A_77 = tpu.memref_slice %arg9[%add3A_76, %dma_start3A] : memref<256x64xf32, #tpu.memory_space<vmem>> -> memref<1x64xf32, #tpu.memory_space<vmem>>
      %dma_start3A_78 = tpu.memref_squeeze %dma_start3A_77 : memref<1x64xf32, #tpu.memory_space<vmem>> -> memref<64xf32, #tpu.memory_space<vmem>>
      %dma_start3A_79 = arith.constant 0 : i32
      %dma_start3A_80 = tpu.memref_slice %arg3[%squeeze3A, %dma_start3A_79] : memref<1000000x64xf32, #tpu.memory_space<hbm>> -> memref<1x64xf32, #tpu.memory_space<hbm>>
      %dma_start3A_81 = tpu.memref_squeeze %dma_start3A_80 : memref<1x64xf32, #tpu.memory_space<hbm>> -> memref<64xf32, #tpu.memory_space<hbm>>
      %dma_start3A_82 = arith.constant 0 : i32
      %dma_start3A_83 = tpu.memref_slice %arg9[%add3A_76, %dma_start3A_82] : memref<256x64xf32, #tpu.memory_space<vmem>> -> memref<1x64xf32, #tpu.memory_space<vmem>>
      %dma_start3A_84 = tpu.memref_squeeze %dma_start3A_83 : memref<1x64xf32, #tpu.memory_space<vmem>> -> memref<64xf32, #tpu.memory_space<vmem>>
      %dma_start3A_85 = arith.constant 0 : i32
      %dma_start3A_86 = tpu.memref_slice %arg3[%squeeze3A, %dma_start3A_85] : memref<1000000x64xf32, #tpu.memory_space<hbm>> -> memref<1x64xf32, #tpu.memory_space<hbm>>
      %dma_start3A_87 = tpu.memref_squeeze %dma_start3A_86 : memref<1x64xf32, #tpu.memory_space<hbm>> -> memref<64xf32, #tpu.memory_space<hbm>>
      tpu.enqueue_dma source(%dma_start3A_87 : memref<64xf32, #tpu.memory_space<hbm>>) target(%dma_start3A_84 : memref<64xf32, #tpu.memory_space<vmem>>) target_semaphore(%arg12 : memref<!tpu.dma_semaphore, #tpu.memory_space<semaphore_mem>>)
      %dma_start3A_88 = arith.constant 0 : i32
      %dma_start3A_89 = tpu.memref_slice %arg10[%add3A_76, %dma_start3A_88] : memref<256x64xf32, #tpu.memory_space<vmem>> -> memref<1x64xf32, #tpu.memory_space<vmem>>
      %dma_start3A_90 = tpu.memref_squeeze %dma_start3A_89 : memref<1x64xf32, #tpu.memory_space<vmem>> -> memref<64xf32, #tpu.memory_space<vmem>>
      %dma_start3A_91 = arith.constant 0 : i32
      %dma_start3A_92 = tpu.memref_slice %arg4[%squeeze3A, %dma_start3A_91] : memref<1000000x64xf32, #tpu.memory_space<hbm>> -> memref<1x64xf32, #tpu.memory_space<hbm>>
      %dma_start3A_93 = tpu.memref_squeeze %dma_start3A_92 : memref<1x64xf32, #tpu.memory_space<hbm>> -> memref<64xf32, #tpu.memory_space<hbm>>
      %dma_start3A_94 = arith.constant 0 : i32
      %dma_start3A_95 = tpu.memref_slice %arg10[%add3A_76, %dma_start3A_94] : memref<256x64xf32, #tpu.memory_space<vmem>> -> memref<1x64xf32, #tpu.memory_space<vmem>>
      %dma_start3A_96 = tpu.memref_squeeze %dma_start3A_95 : memref<1x64xf32, #tpu.memory_space<vmem>> -> memref<64xf32, #tpu.memory_space<vmem>>
      %dma_start3A_97 = arith.constant 0 : i32
      %dma_start3A_98 = tpu.memref_slice %arg4[%squeeze3A, %dma_start3A_97] : memref<1000000x64xf32, #tpu.memory_space<hbm>> -> memref<1x64xf32, #tpu.memory_space<hbm>>
      %dma_start3A_99 = tpu.memref_squeeze %dma_start3A_98 : memref<1x64xf32, #tpu.memory_space<hbm>> -> memref<64xf32, #tpu.memory_space<hbm>>
      tpu.enqueue_dma source(%dma_start3A_99 : memref<64xf32, #tpu.memory_space<hbm>>) target(%dma_start3A_96 : memref<64xf32, #tpu.memory_space<vmem>>) target_semaphore(%arg13 : memref<!tpu.dma_semaphore, #tpu.memory_space<semaphore_mem>>)
      %slice3A_100 = vector.extract_strided_slice %get3A_72 {offsets = [1], sizes = [1], strides = [1]} : vector<16xi32> to vector<1xi32>
      %squeeze3A_101 = vector.extract %slice3A_100[0] : i32 from vector<1xi32>
      %mul3A_102 = arith.constant 16 : i32
      %mul3A_103 = arith.muli %scan3A_65, %mul3A_102 : i32
      %add3A_104 = arith.constant 1 : i32
      %add3A_105 = arith.addi %mul3A_103, %add3A_104 : i32
      %dma_start3A_106 = arith.constant 0 : i32
      %dma_start3A_107 = tpu.memref_slice %arg9[%add3A_105, %dma_start3A_106] : memref<256x64xf32, #tpu.memory_space<vmem>> -> memref<1x64xf32, #tpu.memory_space<vmem>>
      %dma_start3A_108 = tpu.memref_squeeze %dma_start3A_107 : memref<1x64xf32, #tpu.memory_space<vmem>> -> memref<64xf32, #tpu.memory_space<vmem>>
      %dma_start3A_109 = arith.constant 0 : i32
      %dma_start3A_110 = tpu.memref_slice %arg3[%squeeze3A_101, %dma_start3A_109] : memref<1000000x64xf32, #tpu.memory_space<hbm>> -> memref<1x64xf32, #tpu.memory_space<hbm>>
      %dma_start3A_111 = tpu.memref_squeeze %dma_start3A_110 : memref<1x64xf32, #tpu.memory_space<hbm>> -> memref<64xf32, #tpu.memory_space<hbm>>
      %dma_start3A_112 = arith.constant 0 : i32
      %dma_start3A_113 = tpu.memref_slice %arg9[%add3A_105, %dma_start3A_112] : memref<256x64xf32, #tpu.memory_space<vmem>> -> memref<1x64xf32, #tpu.memory_space<vmem>>
      %dma_start3A_114 = tpu.memref_squeeze %dma_start3A_113 : memref<1x64xf32, #tpu.memory_space<vmem>> -> memref<64xf32, #tpu.memory_space<vmem>>
      %dma_start3A_115 = arith.constant 0 : i32
      %dma_start3A_116 = tpu.memref_slice %arg3[%squeeze3A_101, %dma_start3A_115] : memref<1000000x64xf32, #tpu.memory_space<hbm>> -> memref<1x64xf32, #tpu.memory_space<hbm>>
      %dma_start3A_117 = tpu.memref_squeeze %dma_start3A_116 : memref<1x64xf32, #tpu.memory_space<hbm>> -> memref<64xf32, #tpu.memory_space<hbm>>
      tpu.enqueue_dma source(%dma_start3A_117 : memref<64xf32, #tpu.memory_space<hbm>>) target(%dma_start3A_114 : memref<64xf32, #tpu.memory_space<vmem>>) target_semaphore(%arg12 : memref<!tpu.dma_semaphore, #tpu.memory_space<semaphore_mem>>)
      %dma_start3A_118 = arith.constant 0 : i32
      %dma_start3A_119 = tpu.memref_slice %arg10[%add3A_105, %dma_start3A_118] : memref<256x64xf32, #tpu.memory_space<vmem>> -> memref<1x64xf32, #tpu.memory_space<vmem>>
      %dma_start3A_120 = tpu.memref_squeeze %dma_start3A_119 : memref<1x64xf32, #tpu.memory_space<vmem>> -> memref<64xf32, #tpu.memory_space<vmem>>
      %dma_start3A_121 = arith.constant 0 : i32
      %dma_start3A_122 = tpu.memref_slice %arg4[%squeeze3A_101, %dma_start3A_121] : memref<1000000x64xf32, #tpu.memory_space<hbm>> -> memref<1x64xf32, #tpu.memory_space<hbm>>
      %dma_start3A_123 = tpu.memref_squeeze %dma_start3A_122 : memref<1x64xf32, #tpu.memory_space<hbm>> -> memref<64xf32, #tpu.memory_space<hbm>>
      %dma_start3A_124 = arith.constant 0 : i32
      %dma_start3A_125 = tpu.memref_slice %arg10[%add3A_105, %dma_start3A_124] : memref<256x64xf32, #tpu.memory_space<vmem>> -> memref<1x64xf32, #tpu.memory_space<vmem>>
      %dma_start3A_126 = tpu.memref_squeeze %dma_start3A_125 : memref<1x64xf32, #tpu.memory_space<vmem>> -> memref<64xf32, #tpu.memory_space<vmem>>
      %dma_start3A_127 = arith.constant 0 : i32
      %dma_start3A_128 = tpu.memref_slice %arg4[%squeeze3A_101, %dma_start3A_127] : memref<1000000x64xf32, #tpu.memory_space<hbm>> -> memref<1x64xf32, #tpu.memory_space<hbm>>
      %dma_start3A_129 = tpu.memref_squeeze %dma_start3A_128 : memref<1x64xf32, #tpu.memory_space<hbm>> -> memref<64xf32, #tpu.memory_space<hbm>>
      tpu.enqueue_dma source(%dma_start3A_129 : memref<64xf32, #tpu.memory_space<hbm>>) target(%dma_start3A_126 : memref<64xf32, #tpu.memory_space<vmem>>) target_semaphore(%arg13 : memref<!tpu.dma_semaphore, #tpu.memory_space<semaphore_mem>>)
      %slice3A_130 = vector.extract_strided_slice %get3A_72 {offsets = [2], sizes = [1], strides = [1]} : vector<16xi32> to vector<1xi32>
      %squeeze3A_131 = vector.extract %slice3A_130[0] : i32 from vector<1xi32>
      %mul3A_132 = arith.constant 16 : i32
      %mul3A_133 = arith.muli %scan3A_65, %mul3A_132 : i32
      %add3A_134 = arith.constant 2 : i32
      %add3A_135 = arith.addi %mul3A_133, %add3A_134 : i32
      %dma_start3A_136 = arith.constant 0 : i32
      %dma_start3A_137 = tpu.memref_slice %arg9[%add3A_135, %dma_start3A_136] : memref<256x64xf32, #tpu.memory_space<vmem>> -> memref<1x64xf32, #tpu.memory_space<vmem>>
      %dma_start3A_138 = tpu.memref_squeeze %dma_start3A_137 : memref<1x64xf32, #tpu.memory_space<vmem>> -> memref<64xf32, #tpu.memory_space<vmem>>
      %dma_start3A_139 = arith.constant 0 : i32
      %dma_start3A_140 = tpu.memref_slice %arg3[%squeeze3A_131, %dma_start3A_139] : memref<1000000x64xf32, #tpu.memory_space<hbm>> -> memref<1x64xf32, #tpu.memory_space<hbm>>
      %dma_start3A_141 = tpu.memref_squeeze %dma_start3A_140 : memref<1x64xf32, #tpu.memory_space<hbm>> -> memref<64xf32, #tpu.memory_space<hbm>>
      %dma_start3A_142 = arith.constant 0 : i32
      %dma_start3A_143 = tpu.memref_slice %arg9[%add3A_135, %dma_start3A_142] : memref<256x64xf32, #tpu.memory_space<vmem>> -> memref<1x64xf32, #tpu.memory_space<vmem>>
      %dma_start3A_144 = tpu.memref_squeeze %dma_start3A_143 : memref<1x64xf32, #tpu.memory_space<vmem>> -> memref<64xf32, #tpu.memory_space<vmem>>
      %dma_start3A_145 = arith.constant 0 : i32
      %dma_start3A_146 = tpu.memref_slice %arg3[%squeeze3A_131, %dma_start3A_145] : memref<1000000x64xf32, #tpu.memory_space<hbm>> -> memref<1x64xf32, #tpu.memory_space<hbm>>
      %dma_start3A_147 = tpu.memref_squeeze %dma_start3A_146 : memref<1x64xf32, #tpu.memory_space<hbm>> -> memref<64xf32, #tpu.memory_space<hbm>>
      tpu.enqueue_dma source(%dma_start3A_147 : memref<64xf32, #tpu.memory_space<hbm>>) target(%dma_start3A_144 : memref<64xf32, #tpu.memory_space<vmem>>) target_semaphore(%arg12 : memref<!tpu.dma_semaphore, #tpu.memory_space<semaphore_mem>>)
      %dma_start3A_148 = arith.constant 0 : i32
      %dma_start3A_149 = tpu.memref_slice %arg10[%add3A_135, %dma_start3A_148] : memref<256x64xf32, #tpu.memory_space<vmem>> -> memref<1x64xf32, #tpu.memory_space<vmem>>
      %dma_start3A_150 = tpu.memref_squeeze %dma_start3A_149 : memref<1x64xf32, #tpu.memory_space<vmem>> -> memref<64xf32, #tpu.memory_space<vmem>>
      %dma_start3A_151 = arith.constant 0 : i32
      %dma_start3A_152 = tpu.memref_slice %arg4[%squeeze3A_131, %dma_start3A_151] : memref<1000000x64xf32, #tpu.memory_space<hbm>> -> memref<1x64xf32, #tpu.memory_space<hbm>>
      %dma_start3A_153 = tpu.memref_squeeze %dma_start3A_152 : memref<1x64xf32, #tpu.memory_space<hbm>> -> memref<64xf32, #tpu.memory_space<hbm>>
      %dma_start3A_154 = arith.constant 0 : i32
      %dma_start3A_155 = tpu.memref_slice %arg10[%add3A_135, %dma_start3A_154] : memref<256x64xf32, #tpu.memory_space<vmem>> -> memref<1x64xf32, #tpu.memory_space<vmem>>
      %dma_start3A_156 = tpu.memref_squeeze %dma_start3A_155 : memref<1x64xf32, #tpu.memory_space<vmem>> -> memref<64xf32, #tpu.memory_space<vmem>>
      %dma_start3A_157 = arith.constant 0 : i32
      %dma_start3A_158 = tpu.memref_slice %arg4[%squeeze3A_131, %dma_start3A_157] : memref<1000000x64xf32, #tpu.memory_space<hbm>> -> memref<1x64xf32, #tpu.memory_space<hbm>>
      %dma_start3A_159 = tpu.memref_squeeze %dma_start3A_158 : memref<1x64xf32, #tpu.memory_space<hbm>> -> memref<64xf32, #tpu.memory_space<hbm>>
      tpu.enqueue_dma source(%dma_start3A_159 : memref<64xf32, #tpu.memory_space<hbm>>) target(%dma_start3A_156 : memref<64xf32, #tpu.memory_space<vmem>>) target_semaphore(%arg13 : memref<!tpu.dma_semaphore, #tpu.memory_space<semaphore_mem>>)
      %slice3A_160 = vector.extract_strided_slice %get3A_72 {offsets = [3], sizes = [1], strides = [1]} : vector<16xi32> to vector<1xi32>
      %squeeze3A_161 = vector.extract %slice3A_160[0] : i32 from vector<1xi32>
      %mul3A_162 = arith.constant 16 : i32
      %mul3A_163 = arith.muli %scan3A_65, %mul3A_162 : i32
      %add3A_164 = arith.constant 3 : i32
      %add3A_165 = arith.addi %mul3A_163, %add3A_164 : i32
      %dma_start3A_166 = arith.constant 0 : i32
      %dma_start3A_167 = tpu.memref_slice %arg9[%add3A_165, %dma_start3A_166] : memref<256x64xf32, #tpu.memory_space<vmem>> -> memref<1x64xf32, #tpu.memory_space<vmem>>
      %dma_start3A_168 = tpu.memref_squeeze %dma_start3A_167 : memref<1x64xf32, #tpu.memory_space<vmem>> -> memref<64xf32, #tpu.memory_space<vmem>>
      %dma_start3A_169 = arith.constant 0 : i32
      %dma_start3A_170 = tpu.memref_slice %arg3[%squeeze3A_161, %dma_start3A_169] : memref<1000000x64xf32, #tpu.memory_space<hbm>> -> memref<1x64xf32, #tpu.memory_space<hbm>>
      %dma_start3A_171 = tpu.memref_squeeze %dma_start3A_170 : memref<1x64xf32, #tpu.memory_space<hbm>> -> memref<64xf32, #tpu.memory_space<hbm>>
      %dma_start3A_172 = arith.constant 0 : i32
      %dma_start3A_173 = tpu.memref_slice %arg9[%add3A_165, %dma_start3A_172] : memref<256x64xf32, #tpu.memory_space<vmem>> -> memref<1x64xf32, #tpu.memory_space<vmem>>
      %dma_start3A_174 = tpu.memref_squeeze %dma_start3A_173 : memref<1x64xf32, #tpu.memory_space<vmem>> -> memref<64xf32, #tpu.memory_space<vmem>>
      %dma_start3A_175 = arith.constant 0 : i32
      %dma_start3A_176 = tpu.memref_slice %arg3[%squeeze3A_161, %dma_start3A_175] : memref<1000000x64xf32, #tpu.memory_space<hbm>> -> memref<1x64xf32, #tpu.memory_space<hbm>>
      %dma_start3A_177 = tpu.memref_squeeze %dma_start3A_176 : memref<1x64xf32, #tpu.memory_space<hbm>> -> memref<64xf32, #tpu.memory_space<hbm>>
      tpu.enqueue_dma source(%dma_start3A_177 : memref<64xf32, #tpu.memory_space<hbm>>) target(%dma_start3A_174 : memref<64xf32, #tpu.memory_space<vmem>>) target_semaphore(%arg12 : memref<!tpu.dma_semaphore, #tpu.memory_space<semaphore_mem>>)
      %dma_start3A_178 = arith.constant 0 : i32
      %dma_start3A_179 = tpu.memref_slice %arg10[%add3A_165, %dma_start3A_178] : memref<256x64xf32, #tpu.memory_space<vmem>> -> memref<1x64xf32, #tpu.memory_space<vmem>>
      %dma_start3A_180 = tpu.memref_squeeze %dma_start3A_179 : memref<1x64xf32, #tpu.memory_space<vmem>> -> memref<64xf32, #tpu.memory_space<vmem>>
      %dma_start3A_181 = arith.constant 0 : i32
      %dma_start3A_182 = tpu.memref_slice %arg4[%squeeze3A_161, %dma_start3A_181] : memref<1000000x64xf32, #tpu.memory_space<hbm>> -> memref<1x64xf32, #tpu.memory_space<hbm>>
      %dma_start3A_183 = tpu.memref_squeeze %dma_start3A_182 : memref<1x64xf32, #tpu.memory_space<hbm>> -> memref<64xf32, #tpu.memory_space<hbm>>
      %dma_start3A_184 = arith.constant 0 : i32
      %dma_start3A_185 = tpu.memref_slice %arg10[%add3A_165, %dma_start3A_184] : memref<256x64xf32, #tpu.memory_space<vmem>> -> memref<1x64xf32, #tpu.memory_space<vmem>>
      %dma_start3A_186 = tpu.memref_squeeze %dma_start3A_185 : memref<1x64xf32, #tpu.memory_space<vmem>> -> memref<64xf32, #tpu.memory_space<vmem>>
      %dma_start3A_187 = arith.constant 0 : i32
      %dma_start3A_188 = tpu.memref_slice %arg4[%squeeze3A_161, %dma_start3A_187] : memref<1000000x64xf32, #tpu.memory_space<hbm>> -> memref<1x64xf32, #tpu.memory_space<hbm>>
      %dma_start3A_189 = tpu.memref_squeeze %dma_start3A_188 : memref<1x64xf32, #tpu.memory_space<hbm>> -> memref<64xf32, #tpu.memory_space<hbm>>
      tpu.enqueue_dma source(%dma_start3A_189 : memref<64xf32, #tpu.memory_space<hbm>>) target(%dma_start3A_186 : memref<64xf32, #tpu.memory_space<vmem>>) target_semaphore(%arg13 : memref<!tpu.dma_semaphore, #tpu.memory_space<semaphore_mem>>)
      %slice3A_190 = vector.extract_strided_slice %get3A_72 {offsets = [4], sizes = [1], strides = [1]} : vector<16xi32> to vector<1xi32>
      %squeeze3A_191 = vector.extract %slice3A_190[0] : i32 from vector<1xi32>
      %mul3A_192 = arith.constant 16 : i32
      %mul3A_193 = arith.muli %scan3A_65, %mul3A_192 : i32
      %add3A_194 = arith.constant 4 : i32
      %add3A_195 = arith.addi %mul3A_193, %add3A_194 : i32
      %dma_start3A_196 = arith.constant 0 : i32
      %dma_start3A_197 = tpu.memref_slice %arg9[%add3A_195, %dma_start3A_196] : memref<256x64xf32, #tpu.memory_space<vmem>> -> memref<1x64xf32, #tpu.memory_space<vmem>>
      %dma_start3A_198 = tpu.memref_squeeze %dma_start3A_197 : memref<1x64xf32, #tpu.memory_space<vmem>> -> memref<64xf32, #tpu.memory_space<vmem>>
      %dma_start3A_199 = arith.constant 0 : i32
      %dma_start3A_200 = tpu.memref_slice %arg3[%squeeze3A_191, %dma_start3A_199] : memref<1000000x64xf32, #tpu.memory_space<hbm>> -> memref<1x64xf32, #tpu.memory_space<hbm>>
      %dma_start3A_201 = tpu.memref_squeeze %dma_start3A_200 : memref<1x64xf32, #tpu.memory_space<hbm>> -> memref<64xf32, #tpu.memory_space<hbm>>
      %dma_start3A_202 = arith.constant 0 : i32
      %dma_start3A_203 = tpu.memref_slice %arg9[%add3A_195, %dma_start3A_202] : memref<256x64xf32, #tpu.memory_space<vmem>> -> memref<1x64xf32, #tpu.memory_space<vmem>>
      %dma_start3A_204 = tpu.memref_squeeze %dma_start3A_203 : memref<1x64xf32, #tpu.memory_space<vmem>> -> memref<64xf32, #tpu.memory_space<vmem>>
      %dma_start3A_205 = arith.constant 0 : i32
      %dma_start3A_206 = tpu.memref_slice %arg3[%squeeze3A_191, %dma_start3A_205] : memref<1000000x64xf32, #tpu.memory_space<hbm>> -> memref<1x64xf32, #tpu.memory_space<hbm>>
      %dma_start3A_207 = tpu.memref_squeeze %dma_start3A_206 : memref<1x64xf32, #tpu.memory_space<hbm>> -> memref<64xf32, #tpu.memory_space<hbm>>
      tpu.enqueue_dma source(%dma_start3A_207 : memref<64xf32, #tpu.memory_space<hbm>>) target(%dma_start3A_204 : memref<64xf32, #tpu.memory_space<vmem>>) target_semaphore(%arg12 : memref<!tpu.dma_semaphore, #tpu.memory_space<semaphore_mem>>)
      %dma_start3A_208 = arith.constant 0 : i32
      %dma_start3A_209 = tpu.memref_slice %arg10[%add3A_195, %dma_start3A_208] : memref<256x64xf32, #tpu.memory_space<vmem>> -> memref<1x64xf32, #tpu.memory_space<vmem>>
      %dma_start3A_210 = tpu.memref_squeeze %dma_start3A_209 : memref<1x64xf32, #tpu.memory_space<vmem>> -> memref<64xf32, #tpu.memory_space<vmem>>
      %dma_start3A_211 = arith.constant 0 : i32
      %dma_start3A_212 = tpu.memref_slice %arg4[%squeeze3A_191, %dma_start3A_211] : memref<1000000x64xf32, #tpu.memory_space<hbm>> -> memref<1x64xf32, #tpu.memory_space<hbm>>
      %dma_start3A_213 = tpu.memref_squeeze %dma_start3A_212 : memref<1x64xf32, #tpu.memory_space<hbm>> -> memref<64xf32, #tpu.memory_space<hbm>>
      %dma_start3A_214 = arith.constant 0 : i32
      %dma_start3A_215 = tpu.memref_slice %arg10[%add3A_195, %dma_start3A_214] : memref<256x64xf32, #tpu.memory_space<vmem>> -> memref<1x64xf32, #tpu.memory_space<vmem>>
      %dma_start3A_216 = tpu.memref_squeeze %dma_start3A_215 : memref<1x64xf32, #tpu.memory_space<vmem>> -> memref<64xf32, #tpu.memory_space<vmem>>
      %dma_start3A_217 = arith.constant 0 : i32
      %dma_start3A_218 = tpu.memref_slice %arg4[%squeeze3A_191, %dma_start3A_217] : memref<1000000x64xf32, #tpu.memory_space<hbm>> -> memref<1x64xf32, #tpu.memory_space<hbm>>
      %dma_start3A_219 = tpu.memref_squeeze %dma_start3A_218 : memref<1x64xf32, #tpu.memory_space<hbm>> -> memref<64xf32, #tpu.memory_space<hbm>>
      tpu.enqueue_dma source(%dma_start3A_219 : memref<64xf32, #tpu.memory_space<hbm>>) target(%dma_start3A_216 : memref<64xf32, #tpu.memory_space<vmem>>) target_semaphore(%arg13 : memref<!tpu.dma_semaphore, #tpu.memory_space<semaphore_mem>>)
      %slice3A_220 = vector.extract_strided_slice %get3A_72 {offsets = [5], sizes = [1], strides = [1]} : vector<16xi32> to vector<1xi32>
      %squeeze3A_221 = vector.extract %slice3A_220[0] : i32 from vector<1xi32>
      %mul3A_222 = arith.constant 16 : i32
      %mul3A_223 = arith.muli %scan3A_65, %mul3A_222 : i32
      %add3A_224 = arith.constant 5 : i32
      %add3A_225 = arith.addi %mul3A_223, %add3A_224 : i32
      %dma_start3A_226 = arith.constant 0 : i32
      %dma_start3A_227 = tpu.memref_slice %arg9[%add3A_225, %dma_start3A_226] : memref<256x64xf32, #tpu.memory_space<vmem>> -> memref<1x64xf32, #tpu.memory_space<vmem>>
      %dma_start3A_228 = tpu.memref_squeeze %dma_start3A_227 : memref<1x64xf32, #tpu.memory_space<vmem>> -> memref<64xf32, #tpu.memory_space<vmem>>
      %dma_start3A_229 = arith.constant 0 : i32
      %dma_start3A_230 = tpu.memref_slice %arg3[%squeeze3A_221, %dma_start3A_229] : memref<1000000x64xf32, #tpu.memory_space<hbm>> -> memref<1x64xf32, #tpu.memory_space<hbm>>
      %dma_start3A_231 = tpu.memref_squeeze %dma_start3A_230 : memref<1x64xf32, #tpu.memory_space<hbm>> -> memref<64xf32, #tpu.memory_space<hbm>>
      %dma_start3A_232 = arith.constant 0 : i32
      %dma_start3A_233 = tpu.memref_slice %arg9[%add3A_225, %dma_start3A_232] : memref<256x64xf32, #tpu.memory_space<vmem>> -> memref<1x64xf32, #tpu.memory_space<vmem>>
      %dma_start3A_234 = tpu.memref_squeeze %dma_start3A_233 : memref<1x64xf32, #tpu.memory_space<vmem>> -> memref<64xf32, #tpu.memory_space<vmem>>
      %dma_start3A_235 = arith.constant 0 : i32
      %dma_start3A_236 = tpu.memref_slice %arg3[%squeeze3A_221, %dma_start3A_235] : memref<1000000x64xf32, #tpu.memory_space<hbm>> -> memref<1x64xf32, #tpu.memory_space<hbm>>
      %dma_start3A_237 = tpu.memref_squeeze %dma_start3A_236 : memref<1x64xf32, #tpu.memory_space<hbm>> -> memref<64xf32, #tpu.memory_space<hbm>>
      tpu.enqueue_dma source(%dma_start3A_237 : memref<64xf32, #tpu.memory_space<hbm>>) target(%dma_start3A_234 : memref<64xf32, #tpu.memory_space<vmem>>) target_semaphore(%arg12 : memref<!tpu.dma_semaphore, #tpu.memory_space<semaphore_mem>>)
      %dma_start3A_238 = arith.constant 0 : i32
      %dma_start3A_239 = tpu.memref_slice %arg10[%add3A_225, %dma_start3A_238] : memref<256x64xf32, #tpu.memory_space<vmem>> -> memref<1x64xf32, #tpu.memory_space<vmem>>
      %dma_start3A_240 = tpu.memref_squeeze %dma_start3A_239 : memref<1x64xf32, #tpu.memory_space<vmem>> -> memref<64xf32, #tpu.memory_space<vmem>>
      %dma_start3A_241 = arith.constant 0 : i32
      %dma_start3A_242 = tpu.memref_slice %arg4[%squeeze3A_221, %dma_start3A_241] : memref<1000000x64xf32, #tpu.memory_space<hbm>> -> memref<1x64xf32, #tpu.memory_space<hbm>>
      %dma_start3A_243 = tpu.memref_squeeze %dma_start3A_242 : memref<1x64xf32, #tpu.memory_space<hbm>> -> memref<64xf32, #tpu.memory_space<hbm>>
      %dma_start3A_244 = arith.constant 0 : i32
      %dma_start3A_245 = tpu.memref_slice %arg10[%add3A_225, %dma_start3A_244] : memref<256x64xf32, #tpu.memory_space<vmem>> -> memref<1x64xf32, #tpu.memory_space<vmem>>
      %dma_start3A_246 = tpu.memref_squeeze %dma_start3A_245 : memref<1x64xf32, #tpu.memory_space<vmem>> -> memref<64xf32, #tpu.memory_space<vmem>>
      %dma_start3A_247 = arith.constant 0 : i32
      %dma_start3A_248 = tpu.memref_slice %arg4[%squeeze3A_221, %dma_start3A_247] : memref<1000000x64xf32, #tpu.memory_space<hbm>> -> memref<1x64xf32, #tpu.memory_space<hbm>>
      %dma_start3A_249 = tpu.memref_squeeze %dma_start3A_248 : memref<1x64xf32, #tpu.memory_space<hbm>> -> memref<64xf32, #tpu.memory_space<hbm>>
      tpu.enqueue_dma source(%dma_start3A_249 : memref<64xf32, #tpu.memory_space<hbm>>) target(%dma_start3A_246 : memref<64xf32, #tpu.memory_space<vmem>>) target_semaphore(%arg13 : memref<!tpu.dma_semaphore, #tpu.memory_space<semaphore_mem>>)
      %slice3A_250 = vector.extract_strided_slice %get3A_72 {offsets = [6], sizes = [1], strides = [1]} : vector<16xi32> to vector<1xi32>
      %squeeze3A_251 = vector.extract %slice3A_250[0] : i32 from vector<1xi32>
      %mul3A_252 = arith.constant 16 : i32
      %mul3A_253 = arith.muli %scan3A_65, %mul3A_252 : i32
      %add3A_254 = arith.constant 6 : i32
      %add3A_255 = arith.addi %mul3A_253, %add3A_254 : i32
      %dma_start3A_256 = arith.constant 0 : i32
      %dma_start3A_257 = tpu.memref_slice %arg9[%add3A_255, %dma_start3A_256] : memref<256x64xf32, #tpu.memory_space<vmem>> -> memref<1x64xf32, #tpu.memory_space<vmem>>
      %dma_start3A_258 = tpu.memref_squeeze %dma_start3A_257 : memref<1x64xf32, #tpu.memory_space<vmem>> -> memref<64xf32, #tpu.memory_space<vmem>>
      %dma_start3A_259 = arith.constant 0 : i32
      %dma_start3A_260 = tpu.memref_slice %arg3[%squeeze3A_251, %dma_start3A_259] : memref<1000000x64xf32, #tpu.memory_space<hbm>> -> memref<1x64xf32, #tpu.memory_space<hbm>>
      %dma_start3A_261 = tpu.memref_squeeze %dma_start3A_260 : memref<1x64xf32, #tpu.memory_space<hbm>> -> memref<64xf32, #tpu.memory_space<hbm>>
      %dma_start3A_262 = arith.constant 0 : i32
      %dma_start3A_263 = tpu.memref_slice %arg9[%add3A_255, %dma_start3A_262] : memref<256x64xf32, #tpu.memory_space<vmem>> -> memref<1x64xf32, #tpu.memory_space<vmem>>
      %dma_start3A_264 = tpu.memref_squeeze %dma_start3A_263 : memref<1x64xf32, #tpu.memory_space<vmem>> -> memref<64xf32, #tpu.memory_space<vmem>>
      %dma_start3A_265 = arith.constant 0 : i32
      %dma_start3A_266 = tpu.memref_slice %arg3[%squeeze3A_251, %dma_start3A_265] : memref<1000000x64xf32, #tpu.memory_space<hbm>> -> memref<1x64xf32, #tpu.memory_space<hbm>>
      %dma_start3A_267 = tpu.memref_squeeze %dma_start3A_266 : memref<1x64xf32, #tpu.memory_space<hbm>> -> memref<64xf32, #tpu.memory_space<hbm>>
      tpu.enqueue_dma source(%dma_start3A_267 : memref<64xf32, #tpu.memory_space<hbm>>) target(%dma_start3A_264 : memref<64xf32, #tpu.memory_space<vmem>>) target_semaphore(%arg12 : memref<!tpu.dma_semaphore, #tpu.memory_space<semaphore_mem>>)
      %dma_start3A_268 = arith.constant 0 : i32
      %dma_start3A_269 = tpu.memref_slice %arg10[%add3A_255, %dma_start3A_268] : memref<256x64xf32, #tpu.memory_space<vmem>> -> memref<1x64xf32, #tpu.memory_space<vmem>>
      %dma_start3A_270 = tpu.memref_squeeze %dma_start3A_269 : memref<1x64xf32, #tpu.memory_space<vmem>> -> memref<64xf32, #tpu.memory_space<vmem>>
      %dma_start3A_271 = arith.constant 0 : i32
      %dma_start3A_272 = tpu.memref_slice %arg4[%squeeze3A_251, %dma_start3A_271] : memref<1000000x64xf32, #tpu.memory_space<hbm>> -> memref<1x64xf32, #tpu.memory_space<hbm>>
      %dma_start3A_273 = tpu.memref_squeeze %dma_start3A_272 : memref<1x64xf32, #tpu.memory_space<hbm>> -> memref<64xf32, #tpu.memory_space<hbm>>
      %dma_start3A_274 = arith.constant 0 : i32
      %dma_start3A_275 = tpu.memref_slice %arg10[%add3A_255, %dma_start3A_274] : memref<256x64xf32, #tpu.memory_space<vmem>> -> memref<1x64xf32, #tpu.memory_space<vmem>>
      %dma_start3A_276 = tpu.memref_squeeze %dma_start3A_275 : memref<1x64xf32, #tpu.memory_space<vmem>> -> memref<64xf32, #tpu.memory_space<vmem>>
      %dma_start3A_277 = arith.constant 0 : i32
      %dma_start3A_278 = tpu.memref_slice %arg4[%squeeze3A_251, %dma_start3A_277] : memref<1000000x64xf32, #tpu.memory_space<hbm>> -> memref<1x64xf32, #tpu.memory_space<hbm>>
      %dma_start3A_279 = tpu.memref_squeeze %dma_start3A_278 : memref<1x64xf32, #tpu.memory_space<hbm>> -> memref<64xf32, #tpu.memory_space<hbm>>
      tpu.enqueue_dma source(%dma_start3A_279 : memref<64xf32, #tpu.memory_space<hbm>>) target(%dma_start3A_276 : memref<64xf32, #tpu.memory_space<vmem>>) target_semaphore(%arg13 : memref<!tpu.dma_semaphore, #tpu.memory_space<semaphore_mem>>)
      %slice3A_280 = vector.extract_strided_slice %get3A_72 {offsets = [7], sizes = [1], strides = [1]} : vector<16xi32> to vector<1xi32>
      %squeeze3A_281 = vector.extract %slice3A_280[0] : i32 from vector<1xi32>
      %mul3A_282 = arith.constant 16 : i32
      %mul3A_283 = arith.muli %scan3A_65, %mul3A_282 : i32
      %add3A_284 = arith.constant 7 : i32
      %add3A_285 = arith.addi %mul3A_283, %add3A_284 : i32
      %dma_start3A_286 = arith.constant 0 : i32
      %dma_start3A_287 = tpu.memref_slice %arg9[%add3A_285, %dma_start3A_286] : memref<256x64xf32, #tpu.memory_space<vmem>> -> memref<1x64xf32, #tpu.memory_space<vmem>>
      %dma_start3A_288 = tpu.memref_squeeze %dma_start3A_287 : memref<1x64xf32, #tpu.memory_space<vmem>> -> memref<64xf32, #tpu.memory_space<vmem>>
      %dma_start3A_289 = arith.constant 0 : i32
      %dma_start3A_290 = tpu.memref_slice %arg3[%squeeze3A_281, %dma_start3A_289] : memref<1000000x64xf32, #tpu.memory_space<hbm>> -> memref<1x64xf32, #tpu.memory_space<hbm>>
      %dma_start3A_291 = tpu.memref_squeeze %dma_start3A_290 : memref<1x64xf32, #tpu.memory_space<hbm>> -> memref<64xf32, #tpu.memory_space<hbm>>
      %dma_start3A_292 = arith.constant 0 : i32
      %dma_start3A_293 = tpu.memref_slice %arg9[%add3A_285, %dma_start3A_292] : memref<256x64xf32, #tpu.memory_space<vmem>> -> memref<1x64xf32, #tpu.memory_space<vmem>>
      %dma_start3A_294 = tpu.memref_squeeze %dma_start3A_293 : memref<1x64xf32, #tpu.memory_space<vmem>> -> memref<64xf32, #tpu.memory_space<vmem>>
      %dma_start3A_295 = arith.constant 0 : i32
      %dma_start3A_296 = tpu.memref_slice %arg3[%squeeze3A_281, %dma_start3A_295] : memref<1000000x64xf32, #tpu.memory_space<hbm>> -> memref<1x64xf32, #tpu.memory_space<hbm>>
      %dma_start3A_297 = tpu.memref_squeeze %dma_start3A_296 : memref<1x64xf32, #tpu.memory_space<hbm>> -> memref<64xf32, #tpu.memory_space<hbm>>
      tpu.enqueue_dma source(%dma_start3A_297 : memref<64xf32, #tpu.memory_space<hbm>>) target(%dma_start3A_294 : memref<64xf32, #tpu.memory_space<vmem>>) target_semaphore(%arg12 : memref<!tpu.dma_semaphore, #tpu.memory_space<semaphore_mem>>)
      %dma_start3A_298 = arith.constant 0 : i32
      %dma_start3A_299 = tpu.memref_slice %arg10[%add3A_285, %dma_start3A_298] : memref<256x64xf32, #tpu.memory_space<vmem>> -> memref<1x64xf32, #tpu.memory_space<vmem>>
      %dma_start3A_300 = tpu.memref_squeeze %dma_start3A_299 : memref<1x64xf32, #tpu.memory_space<vmem>> -> memref<64xf32, #tpu.memory_space<vmem>>
      %dma_start3A_301 = arith.constant 0 : i32
      %dma_start3A_302 = tpu.memref_slice %arg4[%squeeze3A_281, %dma_start3A_301] : memref<1000000x64xf32, #tpu.memory_space<hbm>> -> memref<1x64xf32, #tpu.memory_space<hbm>>
      %dma_start3A_303 = tpu.memref_squeeze %dma_start3A_302 : memref<1x64xf32, #tpu.memory_space<hbm>> -> memref<64xf32, #tpu.memory_space<hbm>>
      %dma_start3A_304 = arith.constant 0 : i32
      %dma_start3A_305 = tpu.memref_slice %arg10[%add3A_285, %dma_start3A_304] : memref<256x64xf32, #tpu.memory_space<vmem>> -> memref<1x64xf32, #tpu.memory_space<vmem>>
      %dma_start3A_306 = tpu.memref_squeeze %dma_start3A_305 : memref<1x64xf32, #tpu.memory_space<vmem>> -> memref<64xf32, #tpu.memory_space<vmem>>
      %dma_start3A_307 = arith.constant 0 : i32
      %dma_start3A_308 = tpu.memref_slice %arg4[%squeeze3A_281, %dma_start3A_307] : memref<1000000x64xf32, #tpu.memory_space<hbm>> -> memref<1x64xf32, #tpu.memory_space<hbm>>
      %dma_start3A_309 = tpu.memref_squeeze %dma_start3A_308 : memref<1x64xf32, #tpu.memory_space<hbm>> -> memref<64xf32, #tpu.memory_space<hbm>>
      tpu.enqueue_dma source(%dma_start3A_309 : memref<64xf32, #tpu.memory_space<hbm>>) target(%dma_start3A_306 : memref<64xf32, #tpu.memory_space<vmem>>) target_semaphore(%arg13 : memref<!tpu.dma_semaphore, #tpu.memory_space<semaphore_mem>>)
      %slice3A_310 = vector.extract_strided_slice %get3A_72 {offsets = [8], sizes = [1], strides = [1]} : vector<16xi32> to vector<1xi32>
      %squeeze3A_311 = vector.extract %slice3A_310[0] : i32 from vector<1xi32>
      %mul3A_312 = arith.constant 16 : i32
      %mul3A_313 = arith.muli %scan3A_65, %mul3A_312 : i32
      %add3A_314 = arith.constant 8 : i32
      %add3A_315 = arith.addi %mul3A_313, %add3A_314 : i32
      %dma_start3A_316 = arith.constant 0 : i32
      %dma_start3A_317 = tpu.memref_slice %arg9[%add3A_315, %dma_start3A_316] : memref<256x64xf32, #tpu.memory_space<vmem>> -> memref<1x64xf32, #tpu.memory_space<vmem>>
      %dma_start3A_318 = tpu.memref_squeeze %dma_start3A_317 : memref<1x64xf32, #tpu.memory_space<vmem>> -> memref<64xf32, #tpu.memory_space<vmem>>
      %dma_start3A_319 = arith.constant 0 : i32
      %dma_start3A_320 = tpu.memref_slice %arg3[%squeeze3A_311, %dma_start3A_319] : memref<1000000x64xf32, #tpu.memory_space<hbm>> -> memref<1x64xf32, #tpu.memory_space<hbm>>
      %dma_start3A_321 = tpu.memref_squeeze %dma_start3A_320 : memref<1x64xf32, #tpu.memory_space<hbm>> -> memref<64xf32, #tpu.memory_space<hbm>>
      %dma_start3A_322 = arith.constant 0 : i32
      %dma_start3A_323 = tpu.memref_slice %arg9[%add3A_315, %dma_start3A_322] : memref<256x64xf32, #tpu.memory_space<vmem>> -> memref<1x64xf32, #tpu.memory_space<vmem>>
      %dma_start3A_324 = tpu.memref_squeeze %dma_start3A_323 : memref<1x64xf32, #tpu.memory_space<vmem>> -> memref<64xf32, #tpu.memory_space<vmem>>
      %dma_start3A_325 = arith.constant 0 : i32
      %dma_start3A_326 = tpu.memref_slice %arg3[%squeeze3A_311, %dma_start3A_325] : memref<1000000x64xf32, #tpu.memory_space<hbm>> -> memref<1x64xf32, #tpu.memory_space<hbm>>
      %dma_start3A_327 = tpu.memref_squeeze %dma_start3A_326 : memref<1x64xf32, #tpu.memory_space<hbm>> -> memref<64xf32, #tpu.memory_space<hbm>>
      tpu.enqueue_dma source(%dma_start3A_327 : memref<64xf32, #tpu.memory_space<hbm>>) target(%dma_start3A_324 : memref<64xf32, #tpu.memory_space<vmem>>) target_semaphore(%arg12 : memref<!tpu.dma_semaphore, #tpu.memory_space<semaphore_mem>>)
      %dma_start3A_328 = arith.constant 0 : i32
      %dma_start3A_329 = tpu.memref_slice %arg10[%add3A_315, %dma_start3A_328] : memref<256x64xf32, #tpu.memory_space<vmem>> -> memref<1x64xf32, #tpu.memory_space<vmem>>
      %dma_start3A_330 = tpu.memref_squeeze %dma_start3A_329 : memref<1x64xf32, #tpu.memory_space<vmem>> -> memref<64xf32, #tpu.memory_space<vmem>>
      %dma_start3A_331 = arith.constant 0 : i32
      %dma_start3A_332 = tpu.memref_slice %arg4[%squeeze3A_311, %dma_start3A_331] : memref<1000000x64xf32, #tpu.memory_space<hbm>> -> memref<1x64xf32, #tpu.memory_space<hbm>>
      %dma_start3A_333 = tpu.memref_squeeze %dma_start3A_332 : memref<1x64xf32, #tpu.memory_space<hbm>> -> memref<64xf32, #tpu.memory_space<hbm>>
      %dma_start3A_334 = arith.constant 0 : i32
      %dma_start3A_335 = tpu.memref_slice %arg10[%add3A_315, %dma_start3A_334] : memref<256x64xf32, #tpu.memory_space<vmem>> -> memref<1x64xf32, #tpu.memory_space<vmem>>
      %dma_start3A_336 = tpu.memref_squeeze %dma_start3A_335 : memref<1x64xf32, #tpu.memory_space<vmem>> -> memref<64xf32, #tpu.memory_space<vmem>>
      %dma_start3A_337 = arith.constant 0 : i32
      %dma_start3A_338 = tpu.memref_slice %arg4[%squeeze3A_311, %dma_start3A_337] : memref<1000000x64xf32, #tpu.memory_space<hbm>> -> memref<1x64xf32, #tpu.memory_space<hbm>>
      %dma_start3A_339 = tpu.memref_squeeze %dma_start3A_338 : memref<1x64xf32, #tpu.memory_space<hbm>> -> memref<64xf32, #tpu.memory_space<hbm>>
      tpu.enqueue_dma source(%dma_start3A_339 : memref<64xf32, #tpu.memory_space<hbm>>) target(%dma_start3A_336 : memref<64xf32, #tpu.memory_space<vmem>>) target_semaphore(%arg13 : memref<!tpu.dma_semaphore, #tpu.memory_space<semaphore_mem>>)
      %slice3A_340 = vector.extract_strided_slice %get3A_72 {offsets = [9], sizes = [1], strides = [1]} : vector<16xi32> to vector<1xi32>
      %squeeze3A_341 = vector.extract %slice3A_340[0] : i32 from vector<1xi32>
      %mul3A_342 = arith.constant 16 : i32
      %mul3A_343 = arith.muli %scan3A_65, %mul3A_342 : i32
      %add3A_344 = arith.constant 9 : i32
      %add3A_345 = arith.addi %mul3A_343, %add3A_344 : i32
      %dma_start3A_346 = arith.constant 0 : i32
      %dma_start3A_347 = tpu.memref_slice %arg9[%add3A_345, %dma_start3A_346] : memref<256x64xf32, #tpu.memory_space<vmem>> -> memref<1x64xf32, #tpu.memory_space<vmem>>
      %dma_start3A_348 = tpu.memref_squeeze %dma_start3A_347 : memref<1x64xf32, #tpu.memory_space<vmem>> -> memref<64xf32, #tpu.memory_space<vmem>>
      %dma_start3A_349 = arith.constant 0 : i32
      %dma_start3A_350 = tpu.memref_slice %arg3[%squeeze3A_341, %dma_start3A_349] : memref<1000000x64xf32, #tpu.memory_space<hbm>> -> memref<1x64xf32, #tpu.memory_space<hbm>>
      %dma_start3A_351 = tpu.memref_squeeze %dma_start3A_350 : memref<1x64xf32, #tpu.memory_space<hbm>> -> memref<64xf32, #tpu.memory_space<hbm>>
      %dma_start3A_352 = arith.constant 0 : i32
      %dma_start3A_353 = tpu.memref_slice %arg9[%add3A_345, %dma_start3A_352] : memref<256x64xf32, #tpu.memory_space<vmem>> -> memref<1x64xf32, #tpu.memory_space<vmem>>
      %dma_start3A_354 = tpu.memref_squeeze %dma_start3A_353 : memref<1x64xf32, #tpu.memory_space<vmem>> -> memref<64xf32, #tpu.memory_space<vmem>>
      %dma_start3A_355 = arith.constant 0 : i32
      %dma_start3A_356 = tpu.memref_slice %arg3[%squeeze3A_341, %dma_start3A_355] : memref<1000000x64xf32, #tpu.memory_space<hbm>> -> memref<1x64xf32, #tpu.memory_space<hbm>>
      %dma_start3A_357 = tpu.memref_squeeze %dma_start3A_356 : memref<1x64xf32, #tpu.memory_space<hbm>> -> memref<64xf32, #tpu.memory_space<hbm>>
      tpu.enqueue_dma source(%dma_start3A_357 : memref<64xf32, #tpu.memory_space<hbm>>) target(%dma_start3A_354 : memref<64xf32, #tpu.memory_space<vmem>>) target_semaphore(%arg12 : memref<!tpu.dma_semaphore, #tpu.memory_space<semaphore_mem>>)
      %dma_start3A_358 = arith.constant 0 : i32
      %dma_start3A_359 = tpu.memref_slice %arg10[%add3A_345, %dma_start3A_358] : memref<256x64xf32, #tpu.memory_space<vmem>> -> memref<1x64xf32, #tpu.memory_space<vmem>>
      %dma_start3A_360 = tpu.memref_squeeze %dma_start3A_359 : memref<1x64xf32, #tpu.memory_space<vmem>> -> memref<64xf32, #tpu.memory_space<vmem>>
      %dma_start3A_361 = arith.constant 0 : i32
      %dma_start3A_362 = tpu.memref_slice %arg4[%squeeze3A_341, %dma_start3A_361] : memref<1000000x64xf32, #tpu.memory_space<hbm>> -> memref<1x64xf32, #tpu.memory_space<hbm>>
      %dma_start3A_363 = tpu.memref_squeeze %dma_start3A_362 : memref<1x64xf32, #tpu.memory_space<hbm>> -> memref<64xf32, #tpu.memory_space<hbm>>
      %dma_start3A_364 = arith.constant 0 : i32
      %dma_start3A_365 = tpu.memref_slice %arg10[%add3A_345, %dma_start3A_364] : memref<256x64xf32, #tpu.memory_space<vmem>> -> memref<1x64xf32, #tpu.memory_space<vmem>>
      %dma_start3A_366 = tpu.memref_squeeze %dma_start3A_365 : memref<1x64xf32, #tpu.memory_space<vmem>> -> memref<64xf32, #tpu.memory_space<vmem>>
      %dma_start3A_367 = arith.constant 0 : i32
      %dma_start3A_368 = tpu.memref_slice %arg4[%squeeze3A_341, %dma_start3A_367] : memref<1000000x64xf32, #tpu.memory_space<hbm>> -> memref<1x64xf32, #tpu.memory_space<hbm>>
      %dma_start3A_369 = tpu.memref_squeeze %dma_start3A_368 : memref<1x64xf32, #tpu.memory_space<hbm>> -> memref<64xf32, #tpu.memory_space<hbm>>
      tpu.enqueue_dma source(%dma_start3A_369 : memref<64xf32, #tpu.memory_space<hbm>>) target(%dma_start3A_366 : memref<64xf32, #tpu.memory_space<vmem>>) target_semaphore(%arg13 : memref<!tpu.dma_semaphore, #tpu.memory_space<semaphore_mem>>)
      %slice3A_370 = vector.extract_strided_slice %get3A_72 {offsets = [10], sizes = [1], strides = [1]} : vector<16xi32> to vector<1xi32>
      %squeeze3A_371 = vector.extract %slice3A_370[0] : i32 from vector<1xi32>
      %mul3A_372 = arith.constant 16 : i32
      %mul3A_373 = arith.muli %scan3A_65, %mul3A_372 : i32
      %add3A_374 = arith.constant 10 : i32
      %add3A_375 = arith.addi %mul3A_373, %add3A_374 : i32
      %dma_start3A_376 = arith.constant 0 : i32
      %dma_start3A_377 = tpu.memref_slice %arg9[%add3A_375, %dma_start3A_376] : memref<256x64xf32, #tpu.memory_space<vmem>> -> memref<1x64xf32, #tpu.memory_space<vmem>>
      %dma_start3A_378 = tpu.memref_squeeze %dma_start3A_377 : memref<1x64xf32, #tpu.memory_space<vmem>> -> memref<64xf32, #tpu.memory_space<vmem>>
      %dma_start3A_379 = arith.constant 0 : i32
      %dma_start3A_380 = tpu.memref_slice %arg3[%squeeze3A_371, %dma_start3A_379] : memref<1000000x64xf32, #tpu.memory_space<hbm>> -> memref<1x64xf32, #tpu.memory_space<hbm>>
      %dma_start3A_381 = tpu.memref_squeeze %dma_start3A_380 : memref<1x64xf32, #tpu.memory_space<hbm>> -> memref<64xf32, #tpu.memory_space<hbm>>
      %dma_start3A_382 = arith.constant 0 : i32
      %dma_start3A_383 = tpu.memref_slice %arg9[%add3A_375, %dma_start3A_382] : memref<256x64xf32, #tpu.memory_space<vmem>> -> memref<1x64xf32, #tpu.memory_space<vmem>>
      %dma_start3A_384 = tpu.memref_squeeze %dma_start3A_383 : memref<1x64xf32, #tpu.memory_space<vmem>> -> memref<64xf32, #tpu.memory_space<vmem>>
      %dma_start3A_385 = arith.constant 0 : i32
      %dma_start3A_386 = tpu.memref_slice %arg3[%squeeze3A_371, %dma_start3A_385] : memref<1000000x64xf32, #tpu.memory_space<hbm>> -> memref<1x64xf32, #tpu.memory_space<hbm>>
      %dma_start3A_387 = tpu.memref_squeeze %dma_start3A_386 : memref<1x64xf32, #tpu.memory_space<hbm>> -> memref<64xf32, #tpu.memory_space<hbm>>
      tpu.enqueue_dma source(%dma_start3A_387 : memref<64xf32, #tpu.memory_space<hbm>>) target(%dma_start3A_384 : memref<64xf32, #tpu.memory_space<vmem>>) target_semaphore(%arg12 : memref<!tpu.dma_semaphore, #tpu.memory_space<semaphore_mem>>)
      %dma_start3A_388 = arith.constant 0 : i32
      %dma_start3A_389 = tpu.memref_slice %arg10[%add3A_375, %dma_start3A_388] : memref<256x64xf32, #tpu.memory_space<vmem>> -> memref<1x64xf32, #tpu.memory_space<vmem>>
      %dma_start3A_390 = tpu.memref_squeeze %dma_start3A_389 : memref<1x64xf32, #tpu.memory_space<vmem>> -> memref<64xf32, #tpu.memory_space<vmem>>
      %dma_start3A_391 = arith.constant 0 : i32
      %dma_start3A_392 = tpu.memref_slice %arg4[%squeeze3A_371, %dma_start3A_391] : memref<1000000x64xf32, #tpu.memory_space<hbm>> -> memref<1x64xf32, #tpu.memory_space<hbm>>
      %dma_start3A_393 = tpu.memref_squeeze %dma_start3A_392 : memref<1x64xf32, #tpu.memory_space<hbm>> -> memref<64xf32, #tpu.memory_space<hbm>>
      %dma_start3A_394 = arith.constant 0 : i32
      %dma_start3A_395 = tpu.memref_slice %arg10[%add3A_375, %dma_start3A_394] : memref<256x64xf32, #tpu.memory_space<vmem>> -> memref<1x64xf32, #tpu.memory_space<vmem>>
      %dma_start3A_396 = tpu.memref_squeeze %dma_start3A_395 : memref<1x64xf32, #tpu.memory_space<vmem>> -> memref<64xf32, #tpu.memory_space<vmem>>
      %dma_start3A_397 = arith.constant 0 : i32
      %dma_start3A_398 = tpu.memref_slice %arg4[%squeeze3A_371, %dma_start3A_397] : memref<1000000x64xf32, #tpu.memory_space<hbm>> -> memref<1x64xf32, #tpu.memory_space<hbm>>
      %dma_start3A_399 = tpu.memref_squeeze %dma_start3A_398 : memref<1x64xf32, #tpu.memory_space<hbm>> -> memref<64xf32, #tpu.memory_space<hbm>>
      tpu.enqueue_dma source(%dma_start3A_399 : memref<64xf32, #tpu.memory_space<hbm>>) target(%dma_start3A_396 : memref<64xf32, #tpu.memory_space<vmem>>) target_semaphore(%arg13 : memref<!tpu.dma_semaphore, #tpu.memory_space<semaphore_mem>>)
      %slice3A_400 = vector.extract_strided_slice %get3A_72 {offsets = [11], sizes = [1], strides = [1]} : vector<16xi32> to vector<1xi32>
      %squeeze3A_401 = vector.extract %slice3A_400[0] : i32 from vector<1xi32>
      %mul3A_402 = arith.constant 16 : i32
      %mul3A_403 = arith.muli %scan3A_65, %mul3A_402 : i32
      %add3A_404 = arith.constant 11 : i32
      %add3A_405 = arith.addi %mul3A_403, %add3A_404 : i32
      %dma_start3A_406 = arith.constant 0 : i32
      %dma_start3A_407 = tpu.memref_slice %arg9[%add3A_405, %dma_start3A_406] : memref<256x64xf32, #tpu.memory_space<vmem>> -> memref<1x64xf32, #tpu.memory_space<vmem>>
      %dma_start3A_408 = tpu.memref_squeeze %dma_start3A_407 : memref<1x64xf32, #tpu.memory_space<vmem>> -> memref<64xf32, #tpu.memory_space<vmem>>
      %dma_start3A_409 = arith.constant 0 : i32
      %dma_start3A_410 = tpu.memref_slice %arg3[%squeeze3A_401, %dma_start3A_409] : memref<1000000x64xf32, #tpu.memory_space<hbm>> -> memref<1x64xf32, #tpu.memory_space<hbm>>
      %dma_start3A_411 = tpu.memref_squeeze %dma_start3A_410 : memref<1x64xf32, #tpu.memory_space<hbm>> -> memref<64xf32, #tpu.memory_space<hbm>>
      %dma_start3A_412 = arith.constant 0 : i32
      %dma_start3A_413 = tpu.memref_slice %arg9[%add3A_405, %dma_start3A_412] : memref<256x64xf32, #tpu.memory_space<vmem>> -> memref<1x64xf32, #tpu.memory_space<vmem>>
      %dma_start3A_414 = tpu.memref_squeeze %dma_start3A_413 : memref<1x64xf32, #tpu.memory_space<vmem>> -> memref<64xf32, #tpu.memory_space<vmem>>
      %dma_start3A_415 = arith.constant 0 : i32
      %dma_start3A_416 = tpu.memref_slice %arg3[%squeeze3A_401, %dma_start3A_415] : memref<1000000x64xf32, #tpu.memory_space<hbm>> -> memref<1x64xf32, #tpu.memory_space<hbm>>
      %dma_start3A_417 = tpu.memref_squeeze %dma_start3A_416 : memref<1x64xf32, #tpu.memory_space<hbm>> -> memref<64xf32, #tpu.memory_space<hbm>>
      tpu.enqueue_dma source(%dma_start3A_417 : memref<64xf32, #tpu.memory_space<hbm>>) target(%dma_start3A_414 : memref<64xf32, #tpu.memory_space<vmem>>) target_semaphore(%arg12 : memref<!tpu.dma_semaphore, #tpu.memory_space<semaphore_mem>>)
      %dma_start3A_418 = arith.constant 0 : i32
      %dma_start3A_419 = tpu.memref_slice %arg10[%add3A_405, %dma_start3A_418] : memref<256x64xf32, #tpu.memory_space<vmem>> -> memref<1x64xf32, #tpu.memory_space<vmem>>
      %dma_start3A_420 = tpu.memref_squeeze %dma_start3A_419 : memref<1x64xf32, #tpu.memory_space<vmem>> -> memref<64xf32, #tpu.memory_space<vmem>>
      %dma_start3A_421 = arith.constant 0 : i32
      %dma_start3A_422 = tpu.memref_slice %arg4[%squeeze3A_401, %dma_start3A_421] : memref<1000000x64xf32, #tpu.memory_space<hbm>> -> memref<1x64xf32, #tpu.memory_space<hbm>>
      %dma_start3A_423 = tpu.memref_squeeze %dma_start3A_422 : memref<1x64xf32, #tpu.memory_space<hbm>> -> memref<64xf32, #tpu.memory_space<hbm>>
      %dma_start3A_424 = arith.constant 0 : i32
      %dma_start3A_425 = tpu.memref_slice %arg10[%add3A_405, %dma_start3A_424] : memref<256x64xf32, #tpu.memory_space<vmem>> -> memref<1x64xf32, #tpu.memory_space<vmem>>
      %dma_start3A_426 = tpu.memref_squeeze %dma_start3A_425 : memref<1x64xf32, #tpu.memory_space<vmem>> -> memref<64xf32, #tpu.memory_space<vmem>>
      %dma_start3A_427 = arith.constant 0 : i32
      %dma_start3A_428 = tpu.memref_slice %arg4[%squeeze3A_401, %dma_start3A_427] : memref<1000000x64xf32, #tpu.memory_space<hbm>> -> memref<1x64xf32, #tpu.memory_space<hbm>>
      %dma_start3A_429 = tpu.memref_squeeze %dma_start3A_428 : memref<1x64xf32, #tpu.memory_space<hbm>> -> memref<64xf32, #tpu.memory_space<hbm>>
      tpu.enqueue_dma source(%dma_start3A_429 : memref<64xf32, #tpu.memory_space<hbm>>) target(%dma_start3A_426 : memref<64xf32, #tpu.memory_space<vmem>>) target_semaphore(%arg13 : memref<!tpu.dma_semaphore, #tpu.memory_space<semaphore_mem>>)
      %slice3A_430 = vector.extract_strided_slice %get3A_72 {offsets = [12], sizes = [1], strides = [1]} : vector<16xi32> to vector<1xi32>
      %squeeze3A_431 = vector.extract %slice3A_430[0] : i32 from vector<1xi32>
      %mul3A_432 = arith.constant 16 : i32
      %mul3A_433 = arith.muli %scan3A_65, %mul3A_432 : i32
      %add3A_434 = arith.constant 12 : i32
      %add3A_435 = arith.addi %mul3A_433, %add3A_434 : i32
      %dma_start3A_436 = arith.constant 0 : i32
      %dma_start3A_437 = tpu.memref_slice %arg9[%add3A_435, %dma_start3A_436] : memref<256x64xf32, #tpu.memory_space<vmem>> -> memref<1x64xf32, #tpu.memory_space<vmem>>
      %dma_start3A_438 = tpu.memref_squeeze %dma_start3A_437 : memref<1x64xf32, #tpu.memory_space<vmem>> -> memref<64xf32, #tpu.memory_space<vmem>>
      %dma_start3A_439 = arith.constant 0 : i32
      %dma_start3A_440 = tpu.memref_slice %arg3[%squeeze3A_431, %dma_start3A_439] : memref<1000000x64xf32, #tpu.memory_space<hbm>> -> memref<1x64xf32, #tpu.memory_space<hbm>>
      %dma_start3A_441 = tpu.memref_squeeze %dma_start3A_440 : memref<1x64xf32, #tpu.memory_space<hbm>> -> memref<64xf32, #tpu.memory_space<hbm>>
      %dma_start3A_442 = arith.constant 0 : i32
      %dma_start3A_443 = tpu.memref_slice %arg9[%add3A_435, %dma_start3A_442] : memref<256x64xf32, #tpu.memory_space<vmem>> -> memref<1x64xf32, #tpu.memory_space<vmem>>
      %dma_start3A_444 = tpu.memref_squeeze %dma_start3A_443 : memref<1x64xf32, #tpu.memory_space<vmem>> -> memref<64xf32, #tpu.memory_space<vmem>>
      %dma_start3A_445 = arith.constant 0 : i32
      %dma_start3A_446 = tpu.memref_slice %arg3[%squeeze3A_431, %dma_start3A_445] : memref<1000000x64xf32, #tpu.memory_space<hbm>> -> memref<1x64xf32, #tpu.memory_space<hbm>>
      %dma_start3A_447 = tpu.memref_squeeze %dma_start3A_446 : memref<1x64xf32, #tpu.memory_space<hbm>> -> memref<64xf32, #tpu.memory_space<hbm>>
      tpu.enqueue_dma source(%dma_start3A_447 : memref<64xf32, #tpu.memory_space<hbm>>) target(%dma_start3A_444 : memref<64xf32, #tpu.memory_space<vmem>>) target_semaphore(%arg12 : memref<!tpu.dma_semaphore, #tpu.memory_space<semaphore_mem>>)
      %dma_start3A_448 = arith.constant 0 : i32
      %dma_start3A_449 = tpu.memref_slice %arg10[%add3A_435, %dma_start3A_448] : memref<256x64xf32, #tpu.memory_space<vmem>> -> memref<1x64xf32, #tpu.memory_space<vmem>>
      %dma_start3A_450 = tpu.memref_squeeze %dma_start3A_449 : memref<1x64xf32, #tpu.memory_space<vmem>> -> memref<64xf32, #tpu.memory_space<vmem>>
      %dma_start3A_451 = arith.constant 0 : i32
      %dma_start3A_452 = tpu.memref_slice %arg4[%squeeze3A_431, %dma_start3A_451] : memref<1000000x64xf32, #tpu.memory_space<hbm>> -> memref<1x64xf32, #tpu.memory_space<hbm>>
      %dma_start3A_453 = tpu.memref_squeeze %dma_start3A_452 : memref<1x64xf32, #tpu.memory_space<hbm>> -> memref<64xf32, #tpu.memory_space<hbm>>
      %dma_start3A_454 = arith.constant 0 : i32
      %dma_start3A_455 = tpu.memref_slice %arg10[%add3A_435, %dma_start3A_454] : memref<256x64xf32, #tpu.memory_space<vmem>> -> memref<1x64xf32, #tpu.memory_space<vmem>>
      %dma_start3A_456 = tpu.memref_squeeze %dma_start3A_455 : memref<1x64xf32, #tpu.memory_space<vmem>> -> memref<64xf32, #tpu.memory_space<vmem>>
      %dma_start3A_457 = arith.constant 0 : i32
      %dma_start3A_458 = tpu.memref_slice %arg4[%squeeze3A_431, %dma_start3A_457] : memref<1000000x64xf32, #tpu.memory_space<hbm>> -> memref<1x64xf32, #tpu.memory_space<hbm>>
      %dma_start3A_459 = tpu.memref_squeeze %dma_start3A_458 : memref<1x64xf32, #tpu.memory_space<hbm>> -> memref<64xf32, #tpu.memory_space<hbm>>
      tpu.enqueue_dma source(%dma_start3A_459 : memref<64xf32, #tpu.memory_space<hbm>>) target(%dma_start3A_456 : memref<64xf32, #tpu.memory_space<vmem>>) target_semaphore(%arg13 : memref<!tpu.dma_semaphore, #tpu.memory_space<semaphore_mem>>)
      %slice3A_460 = vector.extract_strided_slice %get3A_72 {offsets = [13], sizes = [1], strides = [1]} : vector<16xi32> to vector<1xi32>
      %squeeze3A_461 = vector.extract %slice3A_460[0] : i32 from vector<1xi32>
      %mul3A_462 = arith.constant 16 : i32
      %mul3A_463 = arith.muli %scan3A_65, %mul3A_462 : i32
      %add3A_464 = arith.constant 13 : i32
      %add3A_465 = arith.addi %mul3A_463, %add3A_464 : i32
      %dma_start3A_466 = arith.constant 0 : i32
      %dma_start3A_467 = tpu.memref_slice %arg9[%add3A_465, %dma_start3A_466] : memref<256x64xf32, #tpu.memory_space<vmem>> -> memref<1x64xf32, #tpu.memory_space<vmem>>
      %dma_start3A_468 = tpu.memref_squeeze %dma_start3A_467 : memref<1x64xf32, #tpu.memory_space<vmem>> -> memref<64xf32, #tpu.memory_space<vmem>>
      %dma_start3A_469 = arith.constant 0 : i32
      %dma_start3A_470 = tpu.memref_slice %arg3[%squeeze3A_461, %dma_start3A_469] : memref<1000000x64xf32, #tpu.memory_space<hbm>> -> memref<1x64xf32, #tpu.memory_space<hbm>>
      %dma_start3A_471 = tpu.memref_squeeze %dma_start3A_470 : memref<1x64xf32, #tpu.memory_space<hbm>> -> memref<64xf32, #tpu.memory_space<hbm>>
      %dma_start3A_472 = arith.constant 0 : i32
      %dma_start3A_473 = tpu.memref_slice %arg9[%add3A_465, %dma_start3A_472] : memref<256x64xf32, #tpu.memory_space<vmem>> -> memref<1x64xf32, #tpu.memory_space<vmem>>
      %dma_start3A_474 = tpu.memref_squeeze %dma_start3A_473 : memref<1x64xf32, #tpu.memory_space<vmem>> -> memref<64xf32, #tpu.memory_space<vmem>>
      %dma_start3A_475 = arith.constant 0 : i32
      %dma_start3A_476 = tpu.memref_slice %arg3[%squeeze3A_461, %dma_start3A_475] : memref<1000000x64xf32, #tpu.memory_space<hbm>> -> memref<1x64xf32, #tpu.memory_space<hbm>>
      %dma_start3A_477 = tpu.memref_squeeze %dma_start3A_476 : memref<1x64xf32, #tpu.memory_space<hbm>> -> memref<64xf32, #tpu.memory_space<hbm>>
      tpu.enqueue_dma source(%dma_start3A_477 : memref<64xf32, #tpu.memory_space<hbm>>) target(%dma_start3A_474 : memref<64xf32, #tpu.memory_space<vmem>>) target_semaphore(%arg12 : memref<!tpu.dma_semaphore, #tpu.memory_space<semaphore_mem>>)
      %dma_start3A_478 = arith.constant 0 : i32
      %dma_start3A_479 = tpu.memref_slice %arg10[%add3A_465, %dma_start3A_478] : memref<256x64xf32, #tpu.memory_space<vmem>> -> memref<1x64xf32, #tpu.memory_space<vmem>>
      %dma_start3A_480 = tpu.memref_squeeze %dma_start3A_479 : memref<1x64xf32, #tpu.memory_space<vmem>> -> memref<64xf32, #tpu.memory_space<vmem>>
      %dma_start3A_481 = arith.constant 0 : i32
      %dma_start3A_482 = tpu.memref_slice %arg4[%squeeze3A_461, %dma_start3A_481] : memref<1000000x64xf32, #tpu.memory_space<hbm>> -> memref<1x64xf32, #tpu.memory_space<hbm>>
      %dma_start3A_483 = tpu.memref_squeeze %dma_start3A_482 : memref<1x64xf32, #tpu.memory_space<hbm>> -> memref<64xf32, #tpu.memory_space<hbm>>
      %dma_start3A_484 = arith.constant 0 : i32
      %dma_start3A_485 = tpu.memref_slice %arg10[%add3A_465, %dma_start3A_484] : memref<256x64xf32, #tpu.memory_space<vmem>> -> memref<1x64xf32, #tpu.memory_space<vmem>>
      %dma_start3A_486 = tpu.memref_squeeze %dma_start3A_485 : memref<1x64xf32, #tpu.memory_space<vmem>> -> memref<64xf32, #tpu.memory_space<vmem>>
      %dma_start3A_487 = arith.constant 0 : i32
      %dma_start3A_488 = tpu.memref_slice %arg4[%squeeze3A_461, %dma_start3A_487] : memref<1000000x64xf32, #tpu.memory_space<hbm>> -> memref<1x64xf32, #tpu.memory_space<hbm>>
      %dma_start3A_489 = tpu.memref_squeeze %dma_start3A_488 : memref<1x64xf32, #tpu.memory_space<hbm>> -> memref<64xf32, #tpu.memory_space<hbm>>
      tpu.enqueue_dma source(%dma_start3A_489 : memref<64xf32, #tpu.memory_space<hbm>>) target(%dma_start3A_486 : memref<64xf32, #tpu.memory_space<vmem>>) target_semaphore(%arg13 : memref<!tpu.dma_semaphore, #tpu.memory_space<semaphore_mem>>)
      %slice3A_490 = vector.extract_strided_slice %get3A_72 {offsets = [14], sizes = [1], strides = [1]} : vector<16xi32> to vector<1xi32>
      %squeeze3A_491 = vector.extract %slice3A_490[0] : i32 from vector<1xi32>
      %mul3A_492 = arith.constant 16 : i32
      %mul3A_493 = arith.muli %scan3A_65, %mul3A_492 : i32
      %add3A_494 = arith.constant 14 : i32
      %add3A_495 = arith.addi %mul3A_493, %add3A_494 : i32
      %dma_start3A_496 = arith.constant 0 : i32
      %dma_start3A_497 = tpu.memref_slice %arg9[%add3A_495, %dma_start3A_496] : memref<256x64xf32, #tpu.memory_space<vmem>> -> memref<1x64xf32, #tpu.memory_space<vmem>>
      %dma_start3A_498 = tpu.memref_squeeze %dma_start3A_497 : memref<1x64xf32, #tpu.memory_space<vmem>> -> memref<64xf32, #tpu.memory_space<vmem>>
      %dma_start3A_499 = arith.constant 0 : i32
      %dma_start3A_500 = tpu.memref_slice %arg3[%squeeze3A_491, %dma_start3A_499] : memref<1000000x64xf32, #tpu.memory_space<hbm>> -> memref<1x64xf32, #tpu.memory_space<hbm>>
      %dma_start3A_501 = tpu.memref_squeeze %dma_start3A_500 : memref<1x64xf32, #tpu.memory_space<hbm>> -> memref<64xf32, #tpu.memory_space<hbm>>
      %dma_start3A_502 = arith.constant 0 : i32
      %dma_start3A_503 = tpu.memref_slice %arg9[%add3A_495, %dma_start3A_502] : memref<256x64xf32, #tpu.memory_space<vmem>> -> memref<1x64xf32, #tpu.memory_space<vmem>>
      %dma_start3A_504 = tpu.memref_squeeze %dma_start3A_503 : memref<1x64xf32, #tpu.memory_space<vmem>> -> memref<64xf32, #tpu.memory_space<vmem>>
      %dma_start3A_505 = arith.constant 0 : i32
      %dma_start3A_506 = tpu.memref_slice %arg3[%squeeze3A_491, %dma_start3A_505] : memref<1000000x64xf32, #tpu.memory_space<hbm>> -> memref<1x64xf32, #tpu.memory_space<hbm>>
      %dma_start3A_507 = tpu.memref_squeeze %dma_start3A_506 : memref<1x64xf32, #tpu.memory_space<hbm>> -> memref<64xf32, #tpu.memory_space<hbm>>
      tpu.enqueue_dma source(%dma_start3A_507 : memref<64xf32, #tpu.memory_space<hbm>>) target(%dma_start3A_504 : memref<64xf32, #tpu.memory_space<vmem>>) target_semaphore(%arg12 : memref<!tpu.dma_semaphore, #tpu.memory_space<semaphore_mem>>)
      %dma_start3A_508 = arith.constant 0 : i32
      %dma_start3A_509 = tpu.memref_slice %arg10[%add3A_495, %dma_start3A_508] : memref<256x64xf32, #tpu.memory_space<vmem>> -> memref<1x64xf32, #tpu.memory_space<vmem>>
      %dma_start3A_510 = tpu.memref_squeeze %dma_start3A_509 : memref<1x64xf32, #tpu.memory_space<vmem>> -> memref<64xf32, #tpu.memory_space<vmem>>
      %dma_start3A_511 = arith.constant 0 : i32
      %dma_start3A_512 = tpu.memref_slice %arg4[%squeeze3A_491, %dma_start3A_511] : memref<1000000x64xf32, #tpu.memory_space<hbm>> -> memref<1x64xf32, #tpu.memory_space<hbm>>
      %dma_start3A_513 = tpu.memref_squeeze %dma_start3A_512 : memref<1x64xf32, #tpu.memory_space<hbm>> -> memref<64xf32, #tpu.memory_space<hbm>>
      %dma_start3A_514 = arith.constant 0 : i32
      %dma_start3A_515 = tpu.memref_slice %arg10[%add3A_495, %dma_start3A_514] : memref<256x64xf32, #tpu.memory_space<vmem>> -> memref<1x64xf32, #tpu.memory_space<vmem>>
      %dma_start3A_516 = tpu.memref_squeeze %dma_start3A_515 : memref<1x64xf32, #tpu.memory_space<vmem>> -> memref<64xf32, #tpu.memory_space<vmem>>
      %dma_start3A_517 = arith.constant 0 : i32
      %dma_start3A_518 = tpu.memref_slice %arg4[%squeeze3A_491, %dma_start3A_517] : memref<1000000x64xf32, #tpu.memory_space<hbm>> -> memref<1x64xf32, #tpu.memory_space<hbm>>
      %dma_start3A_519 = tpu.memref_squeeze %dma_start3A_518 : memref<1x64xf32, #tpu.memory_space<hbm>> -> memref<64xf32, #tpu.memory_space<hbm>>
      tpu.enqueue_dma source(%dma_start3A_519 : memref<64xf32, #tpu.memory_space<hbm>>) target(%dma_start3A_516 : memref<64xf32, #tpu.memory_space<vmem>>) target_semaphore(%arg13 : memref<!tpu.dma_semaphore, #tpu.memory_space<semaphore_mem>>)
      %slice3A_520 = vector.extract_strided_slice %get3A_72 {offsets = [15], sizes = [1], strides = [1]} : vector<16xi32> to vector<1xi32>
      %squeeze3A_521 = vector.extract %slice3A_520[0] : i32 from vector<1xi32>
      %mul3A_522 = arith.constant 16 : i32
      %mul3A_523 = arith.muli %scan3A_65, %mul3A_522 : i32
      %add3A_524 = arith.constant 15 : i32
      %add3A_525 = arith.addi %mul3A_523, %add3A_524 : i32
      %dma_start3A_526 = arith.constant 0 : i32
      %dma_start3A_527 = tpu.memref_slice %arg9[%add3A_525, %dma_start3A_526] : memref<256x64xf32, #tpu.memory_space<vmem>> -> memref<1x64xf32, #tpu.memory_space<vmem>>
      %dma_start3A_528 = tpu.memref_squeeze %dma_start3A_527 : memref<1x64xf32, #tpu.memory_space<vmem>> -> memref<64xf32, #tpu.memory_space<vmem>>
      %dma_start3A_529 = arith.constant 0 : i32
      %dma_start3A_530 = tpu.memref_slice %arg3[%squeeze3A_521, %dma_start3A_529] : memref<1000000x64xf32, #tpu.memory_space<hbm>> -> memref<1x64xf32, #tpu.memory_space<hbm>>
      %dma_start3A_531 = tpu.memref_squeeze %dma_start3A_530 : memref<1x64xf32, #tpu.memory_space<hbm>> -> memref<64xf32, #tpu.memory_space<hbm>>
      %dma_start3A_532 = arith.constant 0 : i32
      %dma_start3A_533 = tpu.memref_slice %arg9[%add3A_525, %dma_start3A_532] : memref<256x64xf32, #tpu.memory_space<vmem>> -> memref<1x64xf32, #tpu.memory_space<vmem>>
      %dma_start3A_534 = tpu.memref_squeeze %dma_start3A_533 : memref<1x64xf32, #tpu.memory_space<vmem>> -> memref<64xf32, #tpu.memory_space<vmem>>
      %dma_start3A_535 = arith.constant 0 : i32
      %dma_start3A_536 = tpu.memref_slice %arg3[%squeeze3A_521, %dma_start3A_535] : memref<1000000x64xf32, #tpu.memory_space<hbm>> -> memref<1x64xf32, #tpu.memory_space<hbm>>
      %dma_start3A_537 = tpu.memref_squeeze %dma_start3A_536 : memref<1x64xf32, #tpu.memory_space<hbm>> -> memref<64xf32, #tpu.memory_space<hbm>>
      tpu.enqueue_dma source(%dma_start3A_537 : memref<64xf32, #tpu.memory_space<hbm>>) target(%dma_start3A_534 : memref<64xf32, #tpu.memory_space<vmem>>) target_semaphore(%arg12 : memref<!tpu.dma_semaphore, #tpu.memory_space<semaphore_mem>>)
      %dma_start3A_538 = arith.constant 0 : i32
      %dma_start3A_539 = tpu.memref_slice %arg10[%add3A_525, %dma_start3A_538] : memref<256x64xf32, #tpu.memory_space<vmem>> -> memref<1x64xf32, #tpu.memory_space<vmem>>
      %dma_start3A_540 = tpu.memref_squeeze %dma_start3A_539 : memref<1x64xf32, #tpu.memory_space<vmem>> -> memref<64xf32, #tpu.memory_space<vmem>>
      %dma_start3A_541 = arith.constant 0 : i32
      %dma_start3A_542 = tpu.memref_slice %arg4[%squeeze3A_521, %dma_start3A_541] : memref<1000000x64xf32, #tpu.memory_space<hbm>> -> memref<1x64xf32, #tpu.memory_space<hbm>>
      %dma_start3A_543 = tpu.memref_squeeze %dma_start3A_542 : memref<1x64xf32, #tpu.memory_space<hbm>> -> memref<64xf32, #tpu.memory_space<hbm>>
      %dma_start3A_544 = arith.constant 0 : i32
      %dma_start3A_545 = tpu.memref_slice %arg10[%add3A_525, %dma_start3A_544] : memref<256x64xf32, #tpu.memory_space<vmem>> -> memref<1x64xf32, #tpu.memory_space<vmem>>
      %dma_start3A_546 = tpu.memref_squeeze %dma_start3A_545 : memref<1x64xf32, #tpu.memory_space<vmem>> -> memref<64xf32, #tpu.memory_space<vmem>>
      %dma_start3A_547 = arith.constant 0 : i32
      %dma_start3A_548 = tpu.memref_slice %arg4[%squeeze3A_521, %dma_start3A_547] : memref<1000000x64xf32, #tpu.memory_space<hbm>> -> memref<1x64xf32, #tpu.memory_space<hbm>>
      %dma_start3A_549 = tpu.memref_squeeze %dma_start3A_548 : memref<1x64xf32, #tpu.memory_space<hbm>> -> memref<64xf32, #tpu.memory_space<hbm>>
      tpu.enqueue_dma source(%dma_start3A_549 : memref<64xf32, #tpu.memory_space<hbm>>) target(%dma_start3A_546 : memref<64xf32, #tpu.memory_space<vmem>>) target_semaphore(%arg13 : memref<!tpu.dma_semaphore, #tpu.memory_space<semaphore_mem>>)
      %scan3A_550 = arith.constant 0 : i32
      scf.yield %scan3A_550 : i32
    }
    %scan3A_8 = arith.constant 16 : i32
    %dma_wait3A = arith.constant 0 : i32
    %dma_wait3A_9 = arith.constant 0 : i32
    %dma_wait3A_10 = tpu.memref_slice %arg3[%dma_wait3A, %dma_wait3A_9] : memref<1000000x64xf32, #tpu.memory_space<hbm>> -> memref<256x64xf32, #tpu.memory_space<hbm>>
    %dma_wait3A_11 = arith.constant 0 : i32
    %dma_wait3A_12 = arith.constant 0 : i32
    %dma_wait3A_13 = tpu.memref_slice %arg3[%dma_wait3A_11, %dma_wait3A_12] : memref<1000000x64xf32, #tpu.memory_space<hbm>> -> memref<256x64xf32, #tpu.memory_space<hbm>>
    tpu.wait_dma2 semaphore(%arg12 : memref<!tpu.dma_semaphore, #tpu.memory_space<semaphore_mem>>) src(%dma_wait3A_13 : memref<256x64xf32, #tpu.memory_space<hbm>>) dst(%arg9 : memref<256x64xf32, #tpu.memory_space<vmem>>)
    %dma_wait3A_14 = arith.constant 0 : i32
    %dma_wait3A_15 = arith.constant 0 : i32
    %dma_wait3A_16 = tpu.memref_slice %arg4[%dma_wait3A_14, %dma_wait3A_15] : memref<1000000x64xf32, #tpu.memory_space<hbm>> -> memref<256x64xf32, #tpu.memory_space<hbm>>
    %dma_wait3A_17 = arith.constant 0 : i32
    %dma_wait3A_18 = arith.constant 0 : i32
    %dma_wait3A_19 = tpu.memref_slice %arg4[%dma_wait3A_17, %dma_wait3A_18] : memref<1000000x64xf32, #tpu.memory_space<hbm>> -> memref<256x64xf32, #tpu.memory_space<hbm>>
    tpu.wait_dma2 semaphore(%arg13 : memref<!tpu.dma_semaphore, #tpu.memory_space<semaphore_mem>>) src(%dma_wait3A_19 : memref<256x64xf32, #tpu.memory_space<hbm>>) dst(%arg10 : memref<256x64xf32, #tpu.memory_space<vmem>>)
    %scan3A_20 = arith.constant 0 : i32
    %scan3A_21 = arith.constant 0 : i32
    %scan3A_22 = arith.constant 64 : i32
    %scan3A_23 = arith.addi %scan3A_21, %scan3A_22 : i32
    %scan3A_24 = arith.constant 1 : i32
    %scan3A_25 = scf.for %scan3A_65 = %scan3A_21 to %scan3A_23 step %scan3A_24 iter_args(%scan3A_66 = %scan3A_20) -> (i32)  : i32 {
      %mul3A_67 = arith.constant 4 : i32
      %mul3A_68 = arith.muli %scan3A_65, %mul3A_67 : i32
      %add3A_69 = arith.constant 0 : i32
      %add3A_70 = arith.addi %mul3A_68, %add3A_69 : i32
      %get3A = arith.index_cast %add3A_70 : i32 to index
      %get3A_71 = arith.constant 0 : index
      %get3A_72 = tpu.vector_load %arg10[%get3A, %get3A_71] {strides = array<i32>} : memref<256x64xf32, #tpu.memory_space<vmem>>, vector<1x16xf32>,
      %get3A_73 = vector.shape_cast %get3A_72 : vector<1x16xf32> to vector<16xf32>
      %mul3A_74 = arith.constant 5.000000e-01 : f32
      %mul3A_75 = vector.broadcast %mul3A_74 : f32 to vector<16xf32>
      %mul3A_76 = arith.mulf %mul3A_75, %get3A_73 : vector<16xf32>
      %exp3A = math.exp %mul3A_76 : vector<16xf32>
      %add3A_77 = arith.constant 0 : i32
      %add3A_78 = arith.addi %mul3A_68, %add3A_77 : i32
      %swap3A = arith.index_cast %add3A_78 : i32 to index
      %swap3A_79 = arith.constant 0 : index
      %swap3A_80 = tpu.vector_load %arg11[%swap3A, %swap3A_79] {strides = array<i32>} : memref<256x64xf32, #tpu.memory_space<vmem>>, vector<1x16xf32>,
      %swap3A_81 = vector.shape_cast %swap3A_80 : vector<1x16xf32> to vector<16xf32>
      %swap3A_82 = vector.shape_cast %exp3A : vector<16xf32> to vector<1x16xf32>
      tpu.vector_store %arg11[%swap3A, %swap3A_79], %swap3A_82 {strides = array<i32>} : memref<256x64xf32, #tpu.memory_space<vmem>>, vector<1x16xf32>,
      %add3A_83 = arith.constant 0 : i32
      %add3A_84 = arith.addi %mul3A_68, %add3A_83 : i32
      %get3A_85 = arith.index_cast %add3A_84 : i32 to index
      %get3A_86 = arith.constant 16 : index
      %get3A_87 = tpu.vector_load %arg10[%get3A_85, %get3A_86] {strides = array<i32>} : memref<256x64xf32, #tpu.memory_space<vmem>>, vector<1x16xf32>,
      %get3A_88 = vector.shape_cast %get3A_87 : vector<1x16xf32> to vector<16xf32>
      %mul3A_89 = arith.constant 5.000000e-01 : f32
      %mul3A_90 = vector.broadcast %mul3A_89 : f32 to vector<16xf32>
      %mul3A_91 = arith.mulf %mul3A_90, %get3A_88 : vector<16xf32>
      %exp3A_92 = math.exp %mul3A_91 : vector<16xf32>
      %add3A_93 = arith.constant 0 : i32
      %add3A_94 = arith.addi %mul3A_68, %add3A_93 : i32
      %swap3A_95 = arith.index_cast %add3A_94 : i32 to index
      %swap3A_96 = arith.constant 16 : index
      %swap3A_97 = tpu.vector_load %arg11[%swap3A_95, %swap3A_96] {strides = array<i32>} : memref<256x64xf32, #tpu.memory_space<vmem>>, vector<1x16xf32>,
      %swap3A_98 = vector.shape_cast %swap3A_97 : vector<1x16xf32> to vector<16xf32>
      %swap3A_99 = vector.shape_cast %exp3A_92 : vector<16xf32> to vector<1x16xf32>
      tpu.vector_store %arg11[%swap3A_95, %swap3A_96], %swap3A_99 {strides = array<i32>} : memref<256x64xf32, #tpu.memory_space<vmem>>, vector<1x16xf32>,
      %add3A_100 = arith.constant 0 : i32
      %add3A_101 = arith.addi %mul3A_68, %add3A_100 : i32
      %get3A_102 = arith.index_cast %add3A_101 : i32 to index
      %get3A_103 = arith.constant 32 : index
      %get3A_104 = tpu.vector_load %arg10[%get3A_102, %get3A_103] {strides = array<i32>} : memref<256x64xf32, #tpu.memory_space<vmem>>, vector<1x16xf32>,
      %get3A_105 = vector.shape_cast %get3A_104 : vector<1x16xf32> to vector<16xf32>
      %mul3A_106 = arith.constant 5.000000e-01 : f32
      %mul3A_107 = vector.broadcast %mul3A_106 : f32 to vector<16xf32>
      %mul3A_108 = arith.mulf %mul3A_107, %get3A_105 : vector<16xf32>
      %exp3A_109 = math.exp %mul3A_108 : vector<16xf32>
      %add3A_110 = arith.constant 0 : i32
      %add3A_111 = arith.addi %mul3A_68, %add3A_110 : i32
      %swap3A_112 = arith.index_cast %add3A_111 : i32 to index
      %swap3A_113 = arith.constant 32 : index
      %swap3A_114 = tpu.vector_load %arg11[%swap3A_112, %swap3A_113] {strides = array<i32>} : memref<256x64xf32, #tpu.memory_space<vmem>>, vector<1x16xf32>,
      %swap3A_115 = vector.shape_cast %swap3A_114 : vector<1x16xf32> to vector<16xf32>
      %swap3A_116 = vector.shape_cast %exp3A_109 : vector<16xf32> to vector<1x16xf32>
      tpu.vector_store %arg11[%swap3A_112, %swap3A_113], %swap3A_116 {strides = array<i32>} : memref<256x64xf32, #tpu.memory_space<vmem>>, vector<1x16xf32>,
      %add3A_117 = arith.constant 0 : i32
      %add3A_118 = arith.addi %mul3A_68, %add3A_117 : i32
      %get3A_119 = arith.index_cast %add3A_118 : i32 to index
      %get3A_120 = arith.constant 48 : index
      %get3A_121 = tpu.vector_load %arg10[%get3A_119, %get3A_120] {strides = array<i32>} : memref<256x64xf32, #tpu.memory_space<vmem>>, vector<1x16xf32>,
      %get3A_122 = vector.shape_cast %get3A_121 : vector<1x16xf32> to vector<16xf32>
      %mul3A_123 = arith.constant 5.000000e-01 : f32
      %mul3A_124 = vector.broadcast %mul3A_123 : f32 to vector<16xf32>
      %mul3A_125 = arith.mulf %mul3A_124, %get3A_122 : vector<16xf32>
      %exp3A_126 = math.exp %mul3A_125 : vector<16xf32>
      %add3A_127 = arith.constant 0 : i32
      %add3A_128 = arith.addi %mul3A_68, %add3A_127 : i32
      %swap3A_129 = arith.index_cast %add3A_128 : i32 to index
      %swap3A_130 = arith.constant 48 : index
      %swap3A_131 = tpu.vector_load %arg11[%swap3A_129, %swap3A_130] {strides = array<i32>} : memref<256x64xf32, #tpu.memory_space<vmem>>, vector<1x16xf32>,
      %swap3A_132 = vector.shape_cast %swap3A_131 : vector<1x16xf32> to vector<16xf32>
      %swap3A_133 = vector.shape_cast %exp3A_126 : vector<16xf32> to vector<1x16xf32>
      tpu.vector_store %arg11[%swap3A_129, %swap3A_130], %swap3A_133 {strides = array<i32>} : memref<256x64xf32, #tpu.memory_space<vmem>>, vector<1x16xf32>,
      %add3A_134 = arith.constant 1 : i32
      %add3A_135 = arith.addi %mul3A_68, %add3A_134 : i32
      %get3A_136 = arith.index_cast %add3A_135 : i32 to index
      %get3A_137 = arith.constant 0 : index
      %get3A_138 = tpu.vector_load %arg10[%get3A_136, %get3A_137] {strides = array<i32>} : memref<256x64xf32, #tpu.memory_space<vmem>>, vector<1x16xf32>,
      %get3A_139 = vector.shape_cast %get3A_138 : vector<1x16xf32> to vector<16xf32>
      %mul3A_140 = arith.constant 5.000000e-01 : f32
      %mul3A_141 = vector.broadcast %mul3A_140 : f32 to vector<16xf32>
      %mul3A_142 = arith.mulf %mul3A_141, %get3A_139 : vector<16xf32>
      %exp3A_143 = math.exp %mul3A_142 : vector<16xf32>
      %add3A_144 = arith.constant 1 : i32
      %add3A_145 = arith.addi %mul3A_68, %add3A_144 : i32
      %swap3A_146 = arith.index_cast %add3A_145 : i32 to index
      %swap3A_147 = arith.constant 0 : index
      %swap3A_148 = tpu.vector_load %arg11[%swap3A_146, %swap3A_147] {strides = array<i32>} : memref<256x64xf32, #tpu.memory_space<vmem>>, vector<1x16xf32>,
      %swap3A_149 = vector.shape_cast %swap3A_148 : vector<1x16xf32> to vector<16xf32>
      %swap3A_150 = vector.shape_cast %exp3A_143 : vector<16xf32> to vector<1x16xf32>
      tpu.vector_store %arg11[%swap3A_146, %swap3A_147], %swap3A_150 {strides = array<i32>} : memref<256x64xf32, #tpu.memory_space<vmem>>, vector<1x16xf32>,
      %add3A_151 = arith.constant 1 : i32
      %add3A_152 = arith.addi %mul3A_68, %add3A_151 : i32
      %get3A_153 = arith.index_cast %add3A_152 : i32 to index
      %get3A_154 = arith.constant 16 : index
      %get3A_155 = tpu.vector_load %arg10[%get3A_153, %get3A_154] {strides = array<i32>} : memref<256x64xf32, #tpu.memory_space<vmem>>, vector<1x16xf32>,
      %get3A_156 = vector.shape_cast %get3A_155 : vector<1x16xf32> to vector<16xf32>
      %mul3A_157 = arith.constant 5.000000e-01 : f32
      %mul3A_158 = vector.broadcast %mul3A_157 : f32 to vector<16xf32>
      %mul3A_159 = arith.mulf %mul3A_158, %get3A_156 : vector<16xf32>
      %exp3A_160 = math.exp %mul3A_159 : vector<16xf32>
      %add3A_161 = arith.constant 1 : i32
      %add3A_162 = arith.addi %mul3A_68, %add3A_161 : i32
      %swap3A_163 = arith.index_cast %add3A_162 : i32 to index
      %swap3A_164 = arith.constant 16 : index
      %swap3A_165 = tpu.vector_load %arg11[%swap3A_163, %swap3A_164] {strides = array<i32>} : memref<256x64xf32, #tpu.memory_space<vmem>>, vector<1x16xf32>,
      %swap3A_166 = vector.shape_cast %swap3A_165 : vector<1x16xf32> to vector<16xf32>
      %swap3A_167 = vector.shape_cast %exp3A_160 : vector<16xf32> to vector<1x16xf32>
      tpu.vector_store %arg11[%swap3A_163, %swap3A_164], %swap3A_167 {strides = array<i32>} : memref<256x64xf32, #tpu.memory_space<vmem>>, vector<1x16xf32>,
      %add3A_168 = arith.constant 1 : i32
      %add3A_169 = arith.addi %mul3A_68, %add3A_168 : i32
      %get3A_170 = arith.index_cast %add3A_169 : i32 to index
      %get3A_171 = arith.constant 32 : index
      %get3A_172 = tpu.vector_load %arg10[%get3A_170, %get3A_171] {strides = array<i32>} : memref<256x64xf32, #tpu.memory_space<vmem>>, vector<1x16xf32>,
      %get3A_173 = vector.shape_cast %get3A_172 : vector<1x16xf32> to vector<16xf32>
      %mul3A_174 = arith.constant 5.000000e-01 : f32
      %mul3A_175 = vector.broadcast %mul3A_174 : f32 to vector<16xf32>
      %mul3A_176 = arith.mulf %mul3A_175, %get3A_173 : vector<16xf32>
      %exp3A_177 = math.exp %mul3A_176 : vector<16xf32>
      %add3A_178 = arith.constant 1 : i32
      %add3A_179 = arith.addi %mul3A_68, %add3A_178 : i32
      %swap3A_180 = arith.index_cast %add3A_179 : i32 to index
      %swap3A_181 = arith.constant 32 : index
      %swap3A_182 = tpu.vector_load %arg11[%swap3A_180, %swap3A_181] {strides = array<i32>} : memref<256x64xf32, #tpu.memory_space<vmem>>, vector<1x16xf32>,
      %swap3A_183 = vector.shape_cast %swap3A_182 : vector<1x16xf32> to vector<16xf32>
      %swap3A_184 = vector.shape_cast %exp3A_177 : vector<16xf32> to vector<1x16xf32>
      tpu.vector_store %arg11[%swap3A_180, %swap3A_181], %swap3A_184 {strides = array<i32>} : memref<256x64xf32, #tpu.memory_space<vmem>>, vector<1x16xf32>,
      %add3A_185 = arith.constant 1 : i32
      %add3A_186 = arith.addi %mul3A_68, %add3A_185 : i32
      %get3A_187 = arith.index_cast %add3A_186 : i32 to index
      %get3A_188 = arith.constant 48 : index
      %get3A_189 = tpu.vector_load %arg10[%get3A_187, %get3A_188] {strides = array<i32>} : memref<256x64xf32, #tpu.memory_space<vmem>>, vector<1x16xf32>,
      %get3A_190 = vector.shape_cast %get3A_189 : vector<1x16xf32> to vector<16xf32>
      %mul3A_191 = arith.constant 5.000000e-01 : f32
      %mul3A_192 = vector.broadcast %mul3A_191 : f32 to vector<16xf32>
      %mul3A_193 = arith.mulf %mul3A_192, %get3A_190 : vector<16xf32>
      %exp3A_194 = math.exp %mul3A_193 : vector<16xf32>
      %add3A_195 = arith.constant 1 : i32
      %add3A_196 = arith.addi %mul3A_68, %add3A_195 : i32
      %swap3A_197 = arith.index_cast %add3A_196 : i32 to index
      %swap3A_198 = arith.constant 48 : index
      %swap3A_199 = tpu.vector_load %arg11[%swap3A_197, %swap3A_198] {strides = array<i32>} : memref<256x64xf32, #tpu.memory_space<vmem>>, vector<1x16xf32>,
      %swap3A_200 = vector.shape_cast %swap3A_199 : vector<1x16xf32> to vector<16xf32>
      %swap3A_201 = vector.shape_cast %exp3A_194 : vector<16xf32> to vector<1x16xf32>
      tpu.vector_store %arg11[%swap3A_197, %swap3A_198], %swap3A_201 {strides = array<i32>} : memref<256x64xf32, #tpu.memory_space<vmem>>, vector<1x16xf32>,
      %add3A_202 = arith.constant 2 : i32
      %add3A_203 = arith.addi %mul3A_68, %add3A_202 : i32
      %get3A_204 = arith.index_cast %add3A_203 : i32 to index
      %get3A_205 = arith.constant 0 : index
      %get3A_206 = tpu.vector_load %arg10[%get3A_204, %get3A_205] {strides = array<i32>} : memref<256x64xf32, #tpu.memory_space<vmem>>, vector<1x16xf32>,
      %get3A_207 = vector.shape_cast %get3A_206 : vector<1x16xf32> to vector<16xf32>
      %mul3A_208 = arith.constant 5.000000e-01 : f32
      %mul3A_209 = vector.broadcast %mul3A_208 : f32 to vector<16xf32>
      %mul3A_210 = arith.mulf %mul3A_209, %get3A_207 : vector<16xf32>
      %exp3A_211 = math.exp %mul3A_210 : vector<16xf32>
      %add3A_212 = arith.constant 2 : i32
      %add3A_213 = arith.addi %mul3A_68, %add3A_212 : i32
      %swap3A_214 = arith.index_cast %add3A_213 : i32 to index
      %swap3A_215 = arith.constant 0 : index
      %swap3A_216 = tpu.vector_load %arg11[%swap3A_214, %swap3A_215] {strides = array<i32>} : memref<256x64xf32, #tpu.memory_space<vmem>>, vector<1x16xf32>,
      %swap3A_217 = vector.shape_cast %swap3A_216 : vector<1x16xf32> to vector<16xf32>
      %swap3A_218 = vector.shape_cast %exp3A_211 : vector<16xf32> to vector<1x16xf32>
      tpu.vector_store %arg11[%swap3A_214, %swap3A_215], %swap3A_218 {strides = array<i32>} : memref<256x64xf32, #tpu.memory_space<vmem>>, vector<1x16xf32>,
      %add3A_219 = arith.constant 2 : i32
      %add3A_220 = arith.addi %mul3A_68, %add3A_219 : i32
      %get3A_221 = arith.index_cast %add3A_220 : i32 to index
      %get3A_222 = arith.constant 16 : index
      %get3A_223 = tpu.vector_load %arg10[%get3A_221, %get3A_222] {strides = array<i32>} : memref<256x64xf32, #tpu.memory_space<vmem>>, vector<1x16xf32>,
      %get3A_224 = vector.shape_cast %get3A_223 : vector<1x16xf32> to vector<16xf32>
      %mul3A_225 = arith.constant 5.000000e-01 : f32
      %mul3A_226 = vector.broadcast %mul3A_225 : f32 to vector<16xf32>
      %mul3A_227 = arith.mulf %mul3A_226, %get3A_224 : vector<16xf32>
      %exp3A_228 = math.exp %mul3A_227 : vector<16xf32>
      %add3A_229 = arith.constant 2 : i32
      %add3A_230 = arith.addi %mul3A_68, %add3A_229 : i32
      %swap3A_231 = arith.index_cast %add3A_230 : i32 to index
      %swap3A_232 = arith.constant 16 : index
      %swap3A_233 = tpu.vector_load %arg11[%swap3A_231, %swap3A_232] {strides = array<i32>} : memref<256x64xf32, #tpu.memory_space<vmem>>, vector<1x16xf32>,
      %swap3A_234 = vector.shape_cast %swap3A_233 : vector<1x16xf32> to vector<16xf32>
      %swap3A_235 = vector.shape_cast %exp3A_228 : vector<16xf32> to vector<1x16xf32>
      tpu.vector_store %arg11[%swap3A_231, %swap3A_232], %swap3A_235 {strides = array<i32>} : memref<256x64xf32, #tpu.memory_space<vmem>>, vector<1x16xf32>,
      %add3A_236 = arith.constant 2 : i32
      %add3A_237 = arith.addi %mul3A_68, %add3A_236 : i32
      %get3A_238 = arith.index_cast %add3A_237 : i32 to index
      %get3A_239 = arith.constant 32 : index
      %get3A_240 = tpu.vector_load %arg10[%get3A_238, %get3A_239] {strides = array<i32>} : memref<256x64xf32, #tpu.memory_space<vmem>>, vector<1x16xf32>,
      %get3A_241 = vector.shape_cast %get3A_240 : vector<1x16xf32> to vector<16xf32>
      %mul3A_242 = arith.constant 5.000000e-01 : f32
      %mul3A_243 = vector.broadcast %mul3A_242 : f32 to vector<16xf32>
      %mul3A_244 = arith.mulf %mul3A_243, %get3A_241 : vector<16xf32>
      %exp3A_245 = math.exp %mul3A_244 : vector<16xf32>
      %add3A_246 = arith.constant 2 : i32
      %add3A_247 = arith.addi %mul3A_68, %add3A_246 : i32
      %swap3A_248 = arith.index_cast %add3A_247 : i32 to index
      %swap3A_249 = arith.constant 32 : index
      %swap3A_250 = tpu.vector_load %arg11[%swap3A_248, %swap3A_249] {strides = array<i32>} : memref<256x64xf32, #tpu.memory_space<vmem>>, vector<1x16xf32>,
      %swap3A_251 = vector.shape_cast %swap3A_250 : vector<1x16xf32> to vector<16xf32>
      %swap3A_252 = vector.shape_cast %exp3A_245 : vector<16xf32> to vector<1x16xf32>
      tpu.vector_store %arg11[%swap3A_248, %swap3A_249], %swap3A_252 {strides = array<i32>} : memref<256x64xf32, #tpu.memory_space<vmem>>, vector<1x16xf32>,
      %add3A_253 = arith.constant 2 : i32
      %add3A_254 = arith.addi %mul3A_68, %add3A_253 : i32
      %get3A_255 = arith.index_cast %add3A_254 : i32 to index
      %get3A_256 = arith.constant 48 : index
      %get3A_257 = tpu.vector_load %arg10[%get3A_255, %get3A_256] {strides = array<i32>} : memref<256x64xf32, #tpu.memory_space<vmem>>, vector<1x16xf32>,
      %get3A_258 = vector.shape_cast %get3A_257 : vector<1x16xf32> to vector<16xf32>
      %mul3A_259 = arith.constant 5.000000e-01 : f32
      %mul3A_260 = vector.broadcast %mul3A_259 : f32 to vector<16xf32>
      %mul3A_261 = arith.mulf %mul3A_260, %get3A_258 : vector<16xf32>
      %exp3A_262 = math.exp %mul3A_261 : vector<16xf32>
      %add3A_263 = arith.constant 2 : i32
      %add3A_264 = arith.addi %mul3A_68, %add3A_263 : i32
      %swap3A_265 = arith.index_cast %add3A_264 : i32 to index
      %swap3A_266 = arith.constant 48 : index
      %swap3A_267 = tpu.vector_load %arg11[%swap3A_265, %swap3A_266] {strides = array<i32>} : memref<256x64xf32, #tpu.memory_space<vmem>>, vector<1x16xf32>,
      %swap3A_268 = vector.shape_cast %swap3A_267 : vector<1x16xf32> to vector<16xf32>
      %swap3A_269 = vector.shape_cast %exp3A_262 : vector<16xf32> to vector<1x16xf32>
      tpu.vector_store %arg11[%swap3A_265, %swap3A_266], %swap3A_269 {strides = array<i32>} : memref<256x64xf32, #tpu.memory_space<vmem>>, vector<1x16xf32>,
      %add3A_270 = arith.constant 3 : i32
      %add3A_271 = arith.addi %mul3A_68, %add3A_270 : i32
      %get3A_272 = arith.index_cast %add3A_271 : i32 to index
      %get3A_273 = arith.constant 0 : index
      %get3A_274 = tpu.vector_load %arg10[%get3A_272, %get3A_273] {strides = array<i32>} : memref<256x64xf32, #tpu.memory_space<vmem>>, vector<1x16xf32>,
      %get3A_275 = vector.shape_cast %get3A_274 : vector<1x16xf32> to vector<16xf32>
      %mul3A_276 = arith.constant 5.000000e-01 : f32
      %mul3A_277 = vector.broadcast %mul3A_276 : f32 to vector<16xf32>
      %mul3A_278 = arith.mulf %mul3A_277, %get3A_275 : vector<16xf32>
      %exp3A_279 = math.exp %mul3A_278 : vector<16xf32>
      %add3A_280 = arith.constant 3 : i32
      %add3A_281 = arith.addi %mul3A_68, %add3A_280 : i32
      %swap3A_282 = arith.index_cast %add3A_281 : i32 to index
      %swap3A_283 = arith.constant 0 : index
      %swap3A_284 = tpu.vector_load %arg11[%swap3A_282, %swap3A_283] {strides = array<i32>} : memref<256x64xf32, #tpu.memory_space<vmem>>, vector<1x16xf32>,
      %swap3A_285 = vector.shape_cast %swap3A_284 : vector<1x16xf32> to vector<16xf32>
      %swap3A_286 = vector.shape_cast %exp3A_279 : vector<16xf32> to vector<1x16xf32>
      tpu.vector_store %arg11[%swap3A_282, %swap3A_283], %swap3A_286 {strides = array<i32>} : memref<256x64xf32, #tpu.memory_space<vmem>>, vector<1x16xf32>,
      %add3A_287 = arith.constant 3 : i32
      %add3A_288 = arith.addi %mul3A_68, %add3A_287 : i32
      %get3A_289 = arith.index_cast %add3A_288 : i32 to index
      %get3A_290 = arith.constant 16 : index
      %get3A_291 = tpu.vector_load %arg10[%get3A_289, %get3A_290] {strides = array<i32>} : memref<256x64xf32, #tpu.memory_space<vmem>>, vector<1x16xf32>,
      %get3A_292 = vector.shape_cast %get3A_291 : vector<1x16xf32> to vector<16xf32>
      %mul3A_293 = arith.constant 5.000000e-01 : f32
      %mul3A_294 = vector.broadcast %mul3A_293 : f32 to vector<16xf32>
      %mul3A_295 = arith.mulf %mul3A_294, %get3A_292 : vector<16xf32>
      %exp3A_296 = math.exp %mul3A_295 : vector<16xf32>
      %add3A_297 = arith.constant 3 : i32
      %add3A_298 = arith.addi %mul3A_68, %add3A_297 : i32
      %swap3A_299 = arith.index_cast %add3A_298 : i32 to index
      %swap3A_300 = arith.constant 16 : index
      %swap3A_301 = tpu.vector_load %arg11[%swap3A_299, %swap3A_300] {strides = array<i32>} : memref<256x64xf32, #tpu.memory_space<vmem>>, vector<1x16xf32>,
      %swap3A_302 = vector.shape_cast %swap3A_301 : vector<1x16xf32> to vector<16xf32>
      %swap3A_303 = vector.shape_cast %exp3A_296 : vector<16xf32> to vector<1x16xf32>
      tpu.vector_store %arg11[%swap3A_299, %swap3A_300], %swap3A_303 {strides = array<i32>} : memref<256x64xf32, #tpu.memory_space<vmem>>, vector<1x16xf32>,
      %add3A_304 = arith.constant 3 : i32
      %add3A_305 = arith.addi %mul3A_68, %add3A_304 : i32
      %get3A_306 = arith.index_cast %add3A_305 : i32 to index
      %get3A_307 = arith.constant 32 : index
      %get3A_308 = tpu.vector_load %arg10[%get3A_306, %get3A_307] {strides = array<i32>} : memref<256x64xf32, #tpu.memory_space<vmem>>, vector<1x16xf32>,
      %get3A_309 = vector.shape_cast %get3A_308 : vector<1x16xf32> to vector<16xf32>
      %mul3A_310 = arith.constant 5.000000e-01 : f32
      %mul3A_311 = vector.broadcast %mul3A_310 : f32 to vector<16xf32>
      %mul3A_312 = arith.mulf %mul3A_311, %get3A_309 : vector<16xf32>
      %exp3A_313 = math.exp %mul3A_312 : vector<16xf32>
      %add3A_314 = arith.constant 3 : i32
      %add3A_315 = arith.addi %mul3A_68, %add3A_314 : i32
      %swap3A_316 = arith.index_cast %add3A_315 : i32 to index
      %swap3A_317 = arith.constant 32 : index
      %swap3A_318 = tpu.vector_load %arg11[%swap3A_316, %swap3A_317] {strides = array<i32>} : memref<256x64xf32, #tpu.memory_space<vmem>>, vector<1x16xf32>,
      %swap3A_319 = vector.shape_cast %swap3A_318 : vector<1x16xf32> to vector<16xf32>
      %swap3A_320 = vector.shape_cast %exp3A_313 : vector<16xf32> to vector<1x16xf32>
      tpu.vector_store %arg11[%swap3A_316, %swap3A_317], %swap3A_320 {strides = array<i32>} : memref<256x64xf32, #tpu.memory_space<vmem>>, vector<1x16xf32>,
      %add3A_321 = arith.constant 3 : i32
      %add3A_322 = arith.addi %mul3A_68, %add3A_321 : i32
      %get3A_323 = arith.index_cast %add3A_322 : i32 to index
      %get3A_324 = arith.constant 48 : index
      %get3A_325 = tpu.vector_load %arg10[%get3A_323, %get3A_324] {strides = array<i32>} : memref<256x64xf32, #tpu.memory_space<vmem>>, vector<1x16xf32>,
      %get3A_326 = vector.shape_cast %get3A_325 : vector<1x16xf32> to vector<16xf32>
      %mul3A_327 = arith.constant 5.000000e-01 : f32
      %mul3A_328 = vector.broadcast %mul3A_327 : f32 to vector<16xf32>
      %mul3A_329 = arith.mulf %mul3A_328, %get3A_326 : vector<16xf32>
      %exp3A_330 = math.exp %mul3A_329 : vector<16xf32>
      %add3A_331 = arith.constant 3 : i32
      %add3A_332 = arith.addi %mul3A_68, %add3A_331 : i32
      %swap3A_333 = arith.index_cast %add3A_332 : i32 to index
      %swap3A_334 = arith.constant 48 : index
      %swap3A_335 = tpu.vector_load %arg11[%swap3A_333, %swap3A_334] {strides = array<i32>} : memref<256x64xf32, #tpu.memory_space<vmem>>, vector<1x16xf32>,
      %swap3A_336 = vector.shape_cast %swap3A_335 : vector<1x16xf32> to vector<16xf32>
      %swap3A_337 = vector.shape_cast %exp3A_330 : vector<16xf32> to vector<1x16xf32>
      tpu.vector_store %arg11[%swap3A_333, %swap3A_334], %swap3A_337 {strides = array<i32>} : memref<256x64xf32, #tpu.memory_space<vmem>>, vector<1x16xf32>,
      %scan3A_338 = arith.constant 0 : i32
      scf.yield %scan3A_338 : i32
    }
    %scan3A_26 = arith.constant 64 : i32
    %add3A_27 = arith.constant 0 : i32
    %add3A_28 = arith.addi %mul3A_2, %add3A_27 : i32
    "tpu.region"() ({
      %run_scoped3A = tpu.sem_alloc : memref<!tpu.dma_semaphore, #tpu.memory_space<semaphore_mem>>
      %dma_start3A = arith.constant 0 : i32
      %dma_start3A_65 = tpu.memref_slice %arg5[%add3A_28, %dma_start3A] : memref<16384x64xf32, #tpu.memory_space<hbm>> -> memref<256x64xf32, #tpu.memory_space<hbm>>
      %dma_start3A_66 = arith.constant 0 : i32
      %dma_start3A_67 = tpu.memref_slice %arg5[%add3A_28, %dma_start3A_66] : memref<16384x64xf32, #tpu.memory_space<hbm>> -> memref<256x64xf32, #tpu.memory_space<hbm>>
      tpu.enqueue_dma source(%arg9 : memref<256x64xf32, #tpu.memory_space<vmem>>) target(%dma_start3A_67 : memref<256x64xf32, #tpu.memory_space<hbm>>) target_semaphore(%run_scoped3A : memref<!tpu.dma_semaphore, #tpu.memory_space<semaphore_mem>>)
      %dma_wait3A_68 = arith.constant 0 : i32
      %dma_wait3A_69 = tpu.memref_slice %arg5[%add3A_28, %dma_wait3A_68] : memref<16384x64xf32, #tpu.memory_space<hbm>> -> memref<256x64xf32, #tpu.memory_space<hbm>>
      %dma_wait3A_70 = arith.constant 0 : i32
      %dma_wait3A_71 = tpu.memref_slice %arg5[%add3A_28, %dma_wait3A_70] : memref<16384x64xf32, #tpu.memory_space<hbm>> -> memref<256x64xf32, #tpu.memory_space<hbm>>
      tpu.wait_dma2 semaphore(%run_scoped3A : memref<!tpu.dma_semaphore, #tpu.memory_space<semaphore_mem>>) src(%arg9 : memref<256x64xf32, #tpu.memory_space<vmem>>) dst(%dma_wait3A_71 : memref<256x64xf32, #tpu.memory_space<hbm>>)
      tpu.yield
    }) : () -> ()
    %add3A_29 = arith.constant 0 : i32
    %add3A_30 = arith.addi %mul3A_2, %add3A_29 : i32
    "tpu.region"() ({
      %run_scoped3A = tpu.sem_alloc : memref<!tpu.dma_semaphore, #tpu.memory_space<semaphore_mem>>
      %dma_start3A = arith.constant 0 : i32
      %dma_start3A_65 = tpu.memref_slice %arg6[%add3A_30, %dma_start3A] : memref<16384x64xf32, #tpu.memory_space<hbm>> -> memref<256x64xf32, #tpu.memory_space<hbm>>
      %dma_start3A_66 = arith.constant 0 : i32
      %dma_start3A_67 = tpu.memref_slice %arg6[%add3A_30, %dma_start3A_66] : memref<16384x64xf32, #tpu.memory_space<hbm>> -> memref<256x64xf32, #tpu.memory_space<hbm>>
      tpu.enqueue_dma source(%arg10 : memref<256x64xf32, #tpu.memory_space<vmem>>) target(%dma_start3A_67 : memref<256x64xf32, #tpu.memory_space<hbm>>) target_semaphore(%run_scoped3A : memref<!tpu.dma_semaphore, #tpu.memory_space<semaphore_mem>>)
      %dma_wait3A_68 = arith.constant 0 : i32
      %dma_wait3A_69 = tpu.memref_slice %arg6[%add3A_30, %dma_wait3A_68] : memref<16384x64xf32, #tpu.memory_space<hbm>> -> memref<256x64xf32, #tpu.memory_space<hbm>>
      %dma_wait3A_70 = arith.constant 0 : i32
      %dma_wait3A_71 = tpu.memref_slice %arg6[%add3A_30, %dma_wait3A_70] : memref<16384x64xf32, #tpu.memory_space<hbm>> -> memref<256x64xf32, #tpu.memory_space<hbm>>
      tpu.wait_dma2 semaphore(%run_scoped3A : memref<!tpu.dma_semaphore, #tpu.memory_space<semaphore_mem>>) src(%arg10 : memref<256x64xf32, #tpu.memory_space<vmem>>) dst(%dma_wait3A_71 : memref<256x64xf32, #tpu.memory_space<hbm>>)
      tpu.yield
    }) : () -> ()
    %add3A_31 = arith.constant 0 : i32
    %add3A_32 = arith.addi %mul3A_2, %add3A_31 : i32
    "tpu.region"() ({
      %run_scoped3A = tpu.sem_alloc : memref<!tpu.dma_semaphore, #tpu.memory_space<semaphore_mem>>
      %dma_start3A = arith.constant 0 : i32
      %dma_start3A_65 = tpu.memref_slice %arg7[%add3A_32, %dma_start3A] : memref<16384x64xf32, #tpu.memory_space<hbm>> -> memref<256x64xf32, #tpu.memory_space<hbm>>
      %dma_start3A_66 = arith.constant 0 : i32
      %dma_start3A_67 = tpu.memref_slice %arg7[%add3A_32, %dma_start3A_66] : memref<16384x64xf32, #tpu.memory_space<hbm>> -> memref<256x64xf32, #tpu.memory_space<hbm>>
      tpu.enqueue_dma source(%arg11 : memref<256x64xf32, #tpu.memory_space<vmem>>) target(%dma_start3A_67 : memref<256x64xf32, #tpu.memory_space<hbm>>) target_semaphore(%run_scoped3A : memref<!tpu.dma_semaphore, #tpu.memory_space<semaphore_mem>>)
      %dma_wait3A_68 = arith.constant 0 : i32
      %dma_wait3A_69 = tpu.memref_slice %arg7[%add3A_32, %dma_wait3A_68] : memref<16384x64xf32, #tpu.memory_space<hbm>> -> memref<256x64xf32, #tpu.memory_space<hbm>>
      %dma_wait3A_70 = arith.constant 0 : i32
      %dma_wait3A_71 = tpu.memref_slice %arg7[%add3A_32, %dma_wait3A_70] : memref<16384x64xf32, #tpu.memory_space<hbm>> -> memref<256x64xf32, #tpu.memory_space<hbm>>
      tpu.wait_dma2 semaphore(%run_scoped3A : memref<!tpu.dma_semaphore, #tpu.memory_space<semaphore_mem>>) src(%arg11 : memref<256x64xf32, #tpu.memory_space<vmem>>) dst(%dma_wait3A_71 : memref<256x64xf32, #tpu.memory_space<hbm>>)
      tpu.yield
    }) : () -> ()
    %scan3A_33 = arith.constant 0 : i32
    %scan3A_34 = arith.constant 0 : i32
    %scan3A_35 = arith.constant 16 : i32
    %scan3A_36 = arith.addi %scan3A_34, %scan3A_35 : i32
    %scan3A_37 = arith.constant 1 : i32
    %scan3A_38 = scf.for %scan3A_65 = %scan3A_34 to %scan3A_36 step %scan3A_37 iter_args(%scan3A_66 = %scan3A_33) -> (i32)  : i32 {
      %mul3A_67 = arith.constant 16 : i32
      %mul3A_68 = arith.muli %scan3A_65, %mul3A_67 : i32
      %add3A_69 = arith.constant 256 : i32
      %add3A_70 = arith.addi %add3A_69, %mul3A_68 : i32
      %get3A = arith.index_cast %add3A_70 : i32 to index
      %get3A_71 = tpu.vector_load %arg8[%get3A] {strides = array<i32>} : memref<512xi32, #tpu.memory_space<vmem>>, vector<16xi32>,
      %get3A_72 = vector.shape_cast %get3A_71 : vector<16xi32> to vector<16xi32>
      %slice3A = vector.extract_strided_slice %get3A_72 {offsets = [0], sizes = [1], strides = [1]} : vector<16xi32> to vector<1xi32>
      %squeeze3A = vector.extract %slice3A[0] : i32 from vector<1xi32>
      %mul3A_73 = arith.constant 16 : i32
      %mul3A_74 = arith.muli %scan3A_65, %mul3A_73 : i32
      %add3A_75 = arith.constant 0 : i32
      %add3A_76 = arith.addi %mul3A_74, %add3A_75 : i32
      %dma_start3A = arith.constant 0 : i32
      %dma_start3A_77 = tpu.memref_slice %arg9[%add3A_76, %dma_start3A] : memref<256x64xf32, #tpu.memory_space<vmem>> -> memref<1x64xf32, #tpu.memory_space<vmem>>
      %dma_start3A_78 = tpu.memref_squeeze %dma_start3A_77 : memref<1x64xf32, #tpu.memory_space<vmem>> -> memref<64xf32, #tpu.memory_space<vmem>>
      %dma_start3A_79 = arith.constant 0 : i32
      %dma_start3A_80 = tpu.memref_slice %arg3[%squeeze3A, %dma_start3A_79] : memref<1000000x64xf32, #tpu.memory_space<hbm>> -> memref<1x64xf32, #tpu.memory_space<hbm>>
      %dma_start3A_81 = tpu.memref_squeeze %dma_start3A_80 : memref<1x64xf32, #tpu.memory_space<hbm>> -> memref<64xf32, #tpu.memory_space<hbm>>
      %dma_start3A_82 = arith.constant 0 : i32
      %dma_start3A_83 = tpu.memref_slice %arg9[%add3A_76, %dma_start3A_82] : memref<256x64xf32, #tpu.memory_space<vmem>> -> memref<1x64xf32, #tpu.memory_space<vmem>>
      %dma_start3A_84 = tpu.memref_squeeze %dma_start3A_83 : memref<1x64xf32, #tpu.memory_space<vmem>> -> memref<64xf32, #tpu.memory_space<vmem>>
      %dma_start3A_85 = arith.constant 0 : i32
      %dma_start3A_86 = tpu.memref_slice %arg3[%squeeze3A, %dma_start3A_85] : memref<1000000x64xf32, #tpu.memory_space<hbm>> -> memref<1x64xf32, #tpu.memory_space<hbm>>
      %dma_start3A_87 = tpu.memref_squeeze %dma_start3A_86 : memref<1x64xf32, #tpu.memory_space<hbm>> -> memref<64xf32, #tpu.memory_space<hbm>>
      tpu.enqueue_dma source(%dma_start3A_87 : memref<64xf32, #tpu.memory_space<hbm>>) target(%dma_start3A_84 : memref<64xf32, #tpu.memory_space<vmem>>) target_semaphore(%arg12 : memref<!tpu.dma_semaphore, #tpu.memory_space<semaphore_mem>>)
      %dma_start3A_88 = arith.constant 0 : i32
      %dma_start3A_89 = tpu.memref_slice %arg10[%add3A_76, %dma_start3A_88] : memref<256x64xf32, #tpu.memory_space<vmem>> -> memref<1x64xf32, #tpu.memory_space<vmem>>
      %dma_start3A_90 = tpu.memref_squeeze %dma_start3A_89 : memref<1x64xf32, #tpu.memory_space<vmem>> -> memref<64xf32, #tpu.memory_space<vmem>>
      %dma_start3A_91 = arith.constant 0 : i32
      %dma_start3A_92 = tpu.memref_slice %arg4[%squeeze3A, %dma_start3A_91] : memref<1000000x64xf32, #tpu.memory_space<hbm>> -> memref<1x64xf32, #tpu.memory_space<hbm>>
      %dma_start3A_93 = tpu.memref_squeeze %dma_start3A_92 : memref<1x64xf32, #tpu.memory_space<hbm>> -> memref<64xf32, #tpu.memory_space<hbm>>
      %dma_start3A_94 = arith.constant 0 : i32
      %dma_start3A_95 = tpu.memref_slice %arg10[%add3A_76, %dma_start3A_94] : memref<256x64xf32, #tpu.memory_space<vmem>> -> memref<1x64xf32, #tpu.memory_space<vmem>>
      %dma_start3A_96 = tpu.memref_squeeze %dma_start3A_95 : memref<1x64xf32, #tpu.memory_space<vmem>> -> memref<64xf32, #tpu.memory_space<vmem>>
      %dma_start3A_97 = arith.constant 0 : i32
      %dma_start3A_98 = tpu.memref_slice %arg4[%squeeze3A, %dma_start3A_97] : memref<1000000x64xf32, #tpu.memory_space<hbm>> -> memref<1x64xf32, #tpu.memory_space<hbm>>
      %dma_start3A_99 = tpu.memref_squeeze %dma_start3A_98 : memref<1x64xf32, #tpu.memory_space<hbm>> -> memref<64xf32, #tpu.memory_space<hbm>>
      tpu.enqueue_dma source(%dma_start3A_99 : memref<64xf32, #tpu.memory_space<hbm>>) target(%dma_start3A_96 : memref<64xf32, #tpu.memory_space<vmem>>) target_semaphore(%arg13 : memref<!tpu.dma_semaphore, #tpu.memory_space<semaphore_mem>>)
      %slice3A_100 = vector.extract_strided_slice %get3A_72 {offsets = [1], sizes = [1], strides = [1]} : vector<16xi32> to vector<1xi32>
      %squeeze3A_101 = vector.extract %slice3A_100[0] : i32 from vector<1xi32>
      %mul3A_102 = arith.constant 16 : i32
      %mul3A_103 = arith.muli %scan3A_65, %mul3A_102 : i32
      %add3A_104 = arith.constant 1 : i32
      %add3A_105 = arith.addi %mul3A_103, %add3A_104 : i32
      %dma_start3A_106 = arith.constant 0 : i32
      %dma_start3A_107 = tpu.memref_slice %arg9[%add3A_105, %dma_start3A_106] : memref<256x64xf32, #tpu.memory_space<vmem>> -> memref<1x64xf32, #tpu.memory_space<vmem>>
      %dma_start3A_108 = tpu.memref_squeeze %dma_start3A_107 : memref<1x64xf32, #tpu.memory_space<vmem>> -> memref<64xf32, #tpu.memory_space<vmem>>
      %dma_start3A_109 = arith.constant 0 : i32
      %dma_start3A_110 = tpu.memref_slice %arg3[%squeeze3A_101, %dma_start3A_109] : memref<1000000x64xf32, #tpu.memory_space<hbm>> -> memref<1x64xf32, #tpu.memory_space<hbm>>
      %dma_start3A_111 = tpu.memref_squeeze %dma_start3A_110 : memref<1x64xf32, #tpu.memory_space<hbm>> -> memref<64xf32, #tpu.memory_space<hbm>>
      %dma_start3A_112 = arith.constant 0 : i32
      %dma_start3A_113 = tpu.memref_slice %arg9[%add3A_105, %dma_start3A_112] : memref<256x64xf32, #tpu.memory_space<vmem>> -> memref<1x64xf32, #tpu.memory_space<vmem>>
      %dma_start3A_114 = tpu.memref_squeeze %dma_start3A_113 : memref<1x64xf32, #tpu.memory_space<vmem>> -> memref<64xf32, #tpu.memory_space<vmem>>
      %dma_start3A_115 = arith.constant 0 : i32
      %dma_start3A_116 = tpu.memref_slice %arg3[%squeeze3A_101, %dma_start3A_115] : memref<1000000x64xf32, #tpu.memory_space<hbm>> -> memref<1x64xf32, #tpu.memory_space<hbm>>
      %dma_start3A_117 = tpu.memref_squeeze %dma_start3A_116 : memref<1x64xf32, #tpu.memory_space<hbm>> -> memref<64xf32, #tpu.memory_space<hbm>>
      tpu.enqueue_dma source(%dma_start3A_117 : memref<64xf32, #tpu.memory_space<hbm>>) target(%dma_start3A_114 : memref<64xf32, #tpu.memory_space<vmem>>) target_semaphore(%arg12 : memref<!tpu.dma_semaphore, #tpu.memory_space<semaphore_mem>>)
      %dma_start3A_118 = arith.constant 0 : i32
      %dma_start3A_119 = tpu.memref_slice %arg10[%add3A_105, %dma_start3A_118] : memref<256x64xf32, #tpu.memory_space<vmem>> -> memref<1x64xf32, #tpu.memory_space<vmem>>
      %dma_start3A_120 = tpu.memref_squeeze %dma_start3A_119 : memref<1x64xf32, #tpu.memory_space<vmem>> -> memref<64xf32, #tpu.memory_space<vmem>>
      %dma_start3A_121 = arith.constant 0 : i32
      %dma_start3A_122 = tpu.memref_slice %arg4[%squeeze3A_101, %dma_start3A_121] : memref<1000000x64xf32, #tpu.memory_space<hbm>> -> memref<1x64xf32, #tpu.memory_space<hbm>>
      %dma_start3A_123 = tpu.memref_squeeze %dma_start3A_122 : memref<1x64xf32, #tpu.memory_space<hbm>> -> memref<64xf32, #tpu.memory_space<hbm>>
      %dma_start3A_124 = arith.constant 0 : i32
      %dma_start3A_125 = tpu.memref_slice %arg10[%add3A_105, %dma_start3A_124] : memref<256x64xf32, #tpu.memory_space<vmem>> -> memref<1x64xf32, #tpu.memory_space<vmem>>
      %dma_start3A_126 = tpu.memref_squeeze %dma_start3A_125 : memref<1x64xf32, #tpu.memory_space<vmem>> -> memref<64xf32, #tpu.memory_space<vmem>>
      %dma_start3A_127 = arith.constant 0 : i32
      %dma_start3A_128 = tpu.memref_slice %arg4[%squeeze3A_101, %dma_start3A_127] : memref<1000000x64xf32, #tpu.memory_space<hbm>> -> memref<1x64xf32, #tpu.memory_space<hbm>>
      %dma_start3A_129 = tpu.memref_squeeze %dma_start3A_128 : memref<1x64xf32, #tpu.memory_space<hbm>> -> memref<64xf32, #tpu.memory_space<hbm>>
      tpu.enqueue_dma source(%dma_start3A_129 : memref<64xf32, #tpu.memory_space<hbm>>) target(%dma_start3A_126 : memref<64xf32, #tpu.memory_space<vmem>>) target_semaphore(%arg13 : memref<!tpu.dma_semaphore, #tpu.memory_space<semaphore_mem>>)
      %slice3A_130 = vector.extract_strided_slice %get3A_72 {offsets = [2], sizes = [1], strides = [1]} : vector<16xi32> to vector<1xi32>
      %squeeze3A_131 = vector.extract %slice3A_130[0] : i32 from vector<1xi32>
      %mul3A_132 = arith.constant 16 : i32
      %mul3A_133 = arith.muli %scan3A_65, %mul3A_132 : i32
      %add3A_134 = arith.constant 2 : i32
      %add3A_135 = arith.addi %mul3A_133, %add3A_134 : i32
      %dma_start3A_136 = arith.constant 0 : i32
      %dma_start3A_137 = tpu.memref_slice %arg9[%add3A_135, %dma_start3A_136] : memref<256x64xf32, #tpu.memory_space<vmem>> -> memref<1x64xf32, #tpu.memory_space<vmem>>
      %dma_start3A_138 = tpu.memref_squeeze %dma_start3A_137 : memref<1x64xf32, #tpu.memory_space<vmem>> -> memref<64xf32, #tpu.memory_space<vmem>>
      %dma_start3A_139 = arith.constant 0 : i32
      %dma_start3A_140 = tpu.memref_slice %arg3[%squeeze3A_131, %dma_start3A_139] : memref<1000000x64xf32, #tpu.memory_space<hbm>> -> memref<1x64xf32, #tpu.memory_space<hbm>>
      %dma_start3A_141 = tpu.memref_squeeze %dma_start3A_140 : memref<1x64xf32, #tpu.memory_space<hbm>> -> memref<64xf32, #tpu.memory_space<hbm>>
      %dma_start3A_142 = arith.constant 0 : i32
      %dma_start3A_143 = tpu.memref_slice %arg9[%add3A_135, %dma_start3A_142] : memref<256x64xf32, #tpu.memory_space<vmem>> -> memref<1x64xf32, #tpu.memory_space<vmem>>
      %dma_start3A_144 = tpu.memref_squeeze %dma_start3A_143 : memref<1x64xf32, #tpu.memory_space<vmem>> -> memref<64xf32, #tpu.memory_space<vmem>>
      %dma_start3A_145 = arith.constant 0 : i32
      %dma_start3A_146 = tpu.memref_slice %arg3[%squeeze3A_131, %dma_start3A_145] : memref<1000000x64xf32, #tpu.memory_space<hbm>> -> memref<1x64xf32, #tpu.memory_space<hbm>>
      %dma_start3A_147 = tpu.memref_squeeze %dma_start3A_146 : memref<1x64xf32, #tpu.memory_space<hbm>> -> memref<64xf32, #tpu.memory_space<hbm>>
      tpu.enqueue_dma source(%dma_start3A_147 : memref<64xf32, #tpu.memory_space<hbm>>) target(%dma_start3A_144 : memref<64xf32, #tpu.memory_space<vmem>>) target_semaphore(%arg12 : memref<!tpu.dma_semaphore, #tpu.memory_space<semaphore_mem>>)
      %dma_start3A_148 = arith.constant 0 : i32
      %dma_start3A_149 = tpu.memref_slice %arg10[%add3A_135, %dma_start3A_148] : memref<256x64xf32, #tpu.memory_space<vmem>> -> memref<1x64xf32, #tpu.memory_space<vmem>>
      %dma_start3A_150 = tpu.memref_squeeze %dma_start3A_149 : memref<1x64xf32, #tpu.memory_space<vmem>> -> memref<64xf32, #tpu.memory_space<vmem>>
      %dma_start3A_151 = arith.constant 0 : i32
      %dma_start3A_152 = tpu.memref_slice %arg4[%squeeze3A_131, %dma_start3A_151] : memref<1000000x64xf32, #tpu.memory_space<hbm>> -> memref<1x64xf32, #tpu.memory_space<hbm>>
      %dma_start3A_153 = tpu.memref_squeeze %dma_start3A_152 : memref<1x64xf32, #tpu.memory_space<hbm>> -> memref<64xf32, #tpu.memory_space<hbm>>
      %dma_start3A_154 = arith.constant 0 : i32
      %dma_start3A_155 = tpu.memref_slice %arg10[%add3A_135, %dma_start3A_154] : memref<256x64xf32, #tpu.memory_space<vmem>> -> memref<1x64xf32, #tpu.memory_space<vmem>>
      %dma_start3A_156 = tpu.memref_squeeze %dma_start3A_155 : memref<1x64xf32, #tpu.memory_space<vmem>> -> memref<64xf32, #tpu.memory_space<vmem>>
      %dma_start3A_157 = arith.constant 0 : i32
      %dma_start3A_158 = tpu.memref_slice %arg4[%squeeze3A_131, %dma_start3A_157] : memref<1000000x64xf32, #tpu.memory_space<hbm>> -> memref<1x64xf32, #tpu.memory_space<hbm>>
      %dma_start3A_159 = tpu.memref_squeeze %dma_start3A_158 : memref<1x64xf32, #tpu.memory_space<hbm>> -> memref<64xf32, #tpu.memory_space<hbm>>
      tpu.enqueue_dma source(%dma_start3A_159 : memref<64xf32, #tpu.memory_space<hbm>>) target(%dma_start3A_156 : memref<64xf32, #tpu.memory_space<vmem>>) target_semaphore(%arg13 : memref<!tpu.dma_semaphore, #tpu.memory_space<semaphore_mem>>)
      %slice3A_160 = vector.extract_strided_slice %get3A_72 {offsets = [3], sizes = [1], strides = [1]} : vector<16xi32> to vector<1xi32>
      %squeeze3A_161 = vector.extract %slice3A_160[0] : i32 from vector<1xi32>
      %mul3A_162 = arith.constant 16 : i32
      %mul3A_163 = arith.muli %scan3A_65, %mul3A_162 : i32
      %add3A_164 = arith.constant 3 : i32
      %add3A_165 = arith.addi %mul3A_163, %add3A_164 : i32
      %dma_start3A_166 = arith.constant 0 : i32
      %dma_start3A_167 = tpu.memref_slice %arg9[%add3A_165, %dma_start3A_166] : memref<256x64xf32, #tpu.memory_space<vmem>> -> memref<1x64xf32, #tpu.memory_space<vmem>>
      %dma_start3A_168 = tpu.memref_squeeze %dma_start3A_167 : memref<1x64xf32, #tpu.memory_space<vmem>> -> memref<64xf32, #tpu.memory_space<vmem>>
      %dma_start3A_169 = arith.constant 0 : i32
      %dma_start3A_170 = tpu.memref_slice %arg3[%squeeze3A_161, %dma_start3A_169] : memref<1000000x64xf32, #tpu.memory_space<hbm>> -> memref<1x64xf32, #tpu.memory_space<hbm>>
      %dma_start3A_171 = tpu.memref_squeeze %dma_start3A_170 : memref<1x64xf32, #tpu.memory_space<hbm>> -> memref<64xf32, #tpu.memory_space<hbm>>
      %dma_start3A_172 = arith.constant 0 : i32
      %dma_start3A_173 = tpu.memref_slice %arg9[%add3A_165, %dma_start3A_172] : memref<256x64xf32, #tpu.memory_space<vmem>> -> memref<1x64xf32, #tpu.memory_space<vmem>>
      %dma_start3A_174 = tpu.memref_squeeze %dma_start3A_173 : memref<1x64xf32, #tpu.memory_space<vmem>> -> memref<64xf32, #tpu.memory_space<vmem>>
      %dma_start3A_175 = arith.constant 0 : i32
      %dma_start3A_176 = tpu.memref_slice %arg3[%squeeze3A_161, %dma_start3A_175] : memref<1000000x64xf32, #tpu.memory_space<hbm>> -> memref<1x64xf32, #tpu.memory_space<hbm>>
      %dma_start3A_177 = tpu.memref_squeeze %dma_start3A_176 : memref<1x64xf32, #tpu.memory_space<hbm>> -> memref<64xf32, #tpu.memory_space<hbm>>
      tpu.enqueue_dma source(%dma_start3A_177 : memref<64xf32, #tpu.memory_space<hbm>>) target(%dma_start3A_174 : memref<64xf32, #tpu.memory_space<vmem>>) target_semaphore(%arg12 : memref<!tpu.dma_semaphore, #tpu.memory_space<semaphore_mem>>)
      %dma_start3A_178 = arith.constant 0 : i32
      %dma_start3A_179 = tpu.memref_slice %arg10[%add3A_165, %dma_start3A_178] : memref<256x64xf32, #tpu.memory_space<vmem>> -> memref<1x64xf32, #tpu.memory_space<vmem>>
      %dma_start3A_180 = tpu.memref_squeeze %dma_start3A_179 : memref<1x64xf32, #tpu.memory_space<vmem>> -> memref<64xf32, #tpu.memory_space<vmem>>
      %dma_start3A_181 = arith.constant 0 : i32
      %dma_start3A_182 = tpu.memref_slice %arg4[%squeeze3A_161, %dma_start3A_181] : memref<1000000x64xf32, #tpu.memory_space<hbm>> -> memref<1x64xf32, #tpu.memory_space<hbm>>
      %dma_start3A_183 = tpu.memref_squeeze %dma_start3A_182 : memref<1x64xf32, #tpu.memory_space<hbm>> -> memref<64xf32, #tpu.memory_space<hbm>>
      %dma_start3A_184 = arith.constant 0 : i32
      %dma_start3A_185 = tpu.memref_slice %arg10[%add3A_165, %dma_start3A_184] : memref<256x64xf32, #tpu.memory_space<vmem>> -> memref<1x64xf32, #tpu.memory_space<vmem>>
      %dma_start3A_186 = tpu.memref_squeeze %dma_start3A_185 : memref<1x64xf32, #tpu.memory_space<vmem>> -> memref<64xf32, #tpu.memory_space<vmem>>
      %dma_start3A_187 = arith.constant 0 : i32
      %dma_start3A_188 = tpu.memref_slice %arg4[%squeeze3A_161, %dma_start3A_187] : memref<1000000x64xf32, #tpu.memory_space<hbm>> -> memref<1x64xf32, #tpu.memory_space<hbm>>
      %dma_start3A_189 = tpu.memref_squeeze %dma_start3A_188 : memref<1x64xf32, #tpu.memory_space<hbm>> -> memref<64xf32, #tpu.memory_space<hbm>>
      tpu.enqueue_dma source(%dma_start3A_189 : memref<64xf32, #tpu.memory_space<hbm>>) target(%dma_start3A_186 : memref<64xf32, #tpu.memory_space<vmem>>) target_semaphore(%arg13 : memref<!tpu.dma_semaphore, #tpu.memory_space<semaphore_mem>>)
      %slice3A_190 = vector.extract_strided_slice %get3A_72 {offsets = [4], sizes = [1], strides = [1]} : vector<16xi32> to vector<1xi32>
      %squeeze3A_191 = vector.extract %slice3A_190[0] : i32 from vector<1xi32>
      %mul3A_192 = arith.constant 16 : i32
      %mul3A_193 = arith.muli %scan3A_65, %mul3A_192 : i32
      %add3A_194 = arith.constant 4 : i32
      %add3A_195 = arith.addi %mul3A_193, %add3A_194 : i32
      %dma_start3A_196 = arith.constant 0 : i32
      %dma_start3A_197 = tpu.memref_slice %arg9[%add3A_195, %dma_start3A_196] : memref<256x64xf32, #tpu.memory_space<vmem>> -> memref<1x64xf32, #tpu.memory_space<vmem>>
      %dma_start3A_198 = tpu.memref_squeeze %dma_start3A_197 : memref<1x64xf32, #tpu.memory_space<vmem>> -> memref<64xf32, #tpu.memory_space<vmem>>
      %dma_start3A_199 = arith.constant 0 : i32
      %dma_start3A_200 = tpu.memref_slice %arg3[%squeeze3A_191, %dma_start3A_199] : memref<1000000x64xf32, #tpu.memory_space<hbm>> -> memref<1x64xf32, #tpu.memory_space<hbm>>
      %dma_start3A_201 = tpu.memref_squeeze %dma_start3A_200 : memref<1x64xf32, #tpu.memory_space<hbm>> -> memref<64xf32, #tpu.memory_space<hbm>>
      %dma_start3A_202 = arith.constant 0 : i32
      %dma_start3A_203 = tpu.memref_slice %arg9[%add3A_195, %dma_start3A_202] : memref<256x64xf32, #tpu.memory_space<vmem>> -> memref<1x64xf32, #tpu.memory_space<vmem>>
      %dma_start3A_204 = tpu.memref_squeeze %dma_start3A_203 : memref<1x64xf32, #tpu.memory_space<vmem>> -> memref<64xf32, #tpu.memory_space<vmem>>
      %dma_start3A_205 = arith.constant 0 : i32
      %dma_start3A_206 = tpu.memref_slice %arg3[%squeeze3A_191, %dma_start3A_205] : memref<1000000x64xf32, #tpu.memory_space<hbm>> -> memref<1x64xf32, #tpu.memory_space<hbm>>
      %dma_start3A_207 = tpu.memref_squeeze %dma_start3A_206 : memref<1x64xf32, #tpu.memory_space<hbm>> -> memref<64xf32, #tpu.memory_space<hbm>>
      tpu.enqueue_dma source(%dma_start3A_207 : memref<64xf32, #tpu.memory_space<hbm>>) target(%dma_start3A_204 : memref<64xf32, #tpu.memory_space<vmem>>) target_semaphore(%arg12 : memref<!tpu.dma_semaphore, #tpu.memory_space<semaphore_mem>>)
      %dma_start3A_208 = arith.constant 0 : i32
      %dma_start3A_209 = tpu.memref_slice %arg10[%add3A_195, %dma_start3A_208] : memref<256x64xf32, #tpu.memory_space<vmem>> -> memref<1x64xf32, #tpu.memory_space<vmem>>
      %dma_start3A_210 = tpu.memref_squeeze %dma_start3A_209 : memref<1x64xf32, #tpu.memory_space<vmem>> -> memref<64xf32, #tpu.memory_space<vmem>>
      %dma_start3A_211 = arith.constant 0 : i32
      %dma_start3A_212 = tpu.memref_slice %arg4[%squeeze3A_191, %dma_start3A_211] : memref<1000000x64xf32, #tpu.memory_space<hbm>> -> memref<1x64xf32, #tpu.memory_space<hbm>>
      %dma_start3A_213 = tpu.memref_squeeze %dma_start3A_212 : memref<1x64xf32, #tpu.memory_space<hbm>> -> memref<64xf32, #tpu.memory_space<hbm>>
      %dma_start3A_214 = arith.constant 0 : i32
      %dma_start3A_215 = tpu.memref_slice %arg10[%add3A_195, %dma_start3A_214] : memref<256x64xf32, #tpu.memory_space<vmem>> -> memref<1x64xf32, #tpu.memory_space<vmem>>
      %dma_start3A_216 = tpu.memref_squeeze %dma_start3A_215 : memref<1x64xf32, #tpu.memory_space<vmem>> -> memref<64xf32, #tpu.memory_space<vmem>>
      %dma_start3A_217 = arith.constant 0 : i32
      %dma_start3A_218 = tpu.memref_slice %arg4[%squeeze3A_191, %dma_start3A_217] : memref<1000000x64xf32, #tpu.memory_space<hbm>> -> memref<1x64xf32, #tpu.memory_space<hbm>>
      %dma_start3A_219 = tpu.memref_squeeze %dma_start3A_218 : memref<1x64xf32, #tpu.memory_space<hbm>> -> memref<64xf32, #tpu.memory_space<hbm>>
      tpu.enqueue_dma source(%dma_start3A_219 : memref<64xf32, #tpu.memory_space<hbm>>) target(%dma_start3A_216 : memref<64xf32, #tpu.memory_space<vmem>>) target_semaphore(%arg13 : memref<!tpu.dma_semaphore, #tpu.memory_space<semaphore_mem>>)
      %slice3A_220 = vector.extract_strided_slice %get3A_72 {offsets = [5], sizes = [1], strides = [1]} : vector<16xi32> to vector<1xi32>
      %squeeze3A_221 = vector.extract %slice3A_220[0] : i32 from vector<1xi32>
      %mul3A_222 = arith.constant 16 : i32
      %mul3A_223 = arith.muli %scan3A_65, %mul3A_222 : i32
      %add3A_224 = arith.constant 5 : i32
      %add3A_225 = arith.addi %mul3A_223, %add3A_224 : i32
      %dma_start3A_226 = arith.constant 0 : i32
      %dma_start3A_227 = tpu.memref_slice %arg9[%add3A_225, %dma_start3A_226] : memref<256x64xf32, #tpu.memory_space<vmem>> -> memref<1x64xf32, #tpu.memory_space<vmem>>
      %dma_start3A_228 = tpu.memref_squeeze %dma_start3A_227 : memref<1x64xf32, #tpu.memory_space<vmem>> -> memref<64xf32, #tpu.memory_space<vmem>>
      %dma_start3A_229 = arith.constant 0 : i32
      %dma_start3A_230 = tpu.memref_slice %arg3[%squeeze3A_221, %dma_start3A_229] : memref<1000000x64xf32, #tpu.memory_space<hbm>> -> memref<1x64xf32, #tpu.memory_space<hbm>>
      %dma_start3A_231 = tpu.memref_squeeze %dma_start3A_230 : memref<1x64xf32, #tpu.memory_space<hbm>> -> memref<64xf32, #tpu.memory_space<hbm>>
      %dma_start3A_232 = arith.constant 0 : i32
      %dma_start3A_233 = tpu.memref_slice %arg9[%add3A_225, %dma_start3A_232] : memref<256x64xf32, #tpu.memory_space<vmem>> -> memref<1x64xf32, #tpu.memory_space<vmem>>
      %dma_start3A_234 = tpu.memref_squeeze %dma_start3A_233 : memref<1x64xf32, #tpu.memory_space<vmem>> -> memref<64xf32, #tpu.memory_space<vmem>>
      %dma_start3A_235 = arith.constant 0 : i32
      %dma_start3A_236 = tpu.memref_slice %arg3[%squeeze3A_221, %dma_start3A_235] : memref<1000000x64xf32, #tpu.memory_space<hbm>> -> memref<1x64xf32, #tpu.memory_space<hbm>>
      %dma_start3A_237 = tpu.memref_squeeze %dma_start3A_236 : memref<1x64xf32, #tpu.memory_space<hbm>> -> memref<64xf32, #tpu.memory_space<hbm>>
      tpu.enqueue_dma source(%dma_start3A_237 : memref<64xf32, #tpu.memory_space<hbm>>) target(%dma_start3A_234 : memref<64xf32, #tpu.memory_space<vmem>>) target_semaphore(%arg12 : memref<!tpu.dma_semaphore, #tpu.memory_space<semaphore_mem>>)
      %dma_start3A_238 = arith.constant 0 : i32
      %dma_start3A_239 = tpu.memref_slice %arg10[%add3A_225, %dma_start3A_238] : memref<256x64xf32, #tpu.memory_space<vmem>> -> memref<1x64xf32, #tpu.memory_space<vmem>>
      %dma_start3A_240 = tpu.memref_squeeze %dma_start3A_239 : memref<1x64xf32, #tpu.memory_space<vmem>> -> memref<64xf32, #tpu.memory_space<vmem>>
      %dma_start3A_241 = arith.constant 0 : i32
      %dma_start3A_242 = tpu.memref_slice %arg4[%squeeze3A_221, %dma_start3A_241] : memref<1000000x64xf32, #tpu.memory_space<hbm>> -> memref<1x64xf32, #tpu.memory_space<hbm>>
      %dma_start3A_243 = tpu.memref_squeeze %dma_start3A_242 : memref<1x64xf32, #tpu.memory_space<hbm>> -> memref<64xf32, #tpu.memory_space<hbm>>
      %dma_start3A_244 = arith.constant 0 : i32
      %dma_start3A_245 = tpu.memref_slice %arg10[%add3A_225, %dma_start3A_244] : memref<256x64xf32, #tpu.memory_space<vmem>> -> memref<1x64xf32, #tpu.memory_space<vmem>>
      %dma_start3A_246 = tpu.memref_squeeze %dma_start3A_245 : memref<1x64xf32, #tpu.memory_space<vmem>> -> memref<64xf32, #tpu.memory_space<vmem>>
      %dma_start3A_247 = arith.constant 0 : i32
      %dma_start3A_248 = tpu.memref_slice %arg4[%squeeze3A_221, %dma_start3A_247] : memref<1000000x64xf32, #tpu.memory_space<hbm>> -> memref<1x64xf32, #tpu.memory_space<hbm>>
      %dma_start3A_249 = tpu.memref_squeeze %dma_start3A_248 : memref<1x64xf32, #tpu.memory_space<hbm>> -> memref<64xf32, #tpu.memory_space<hbm>>
      tpu.enqueue_dma source(%dma_start3A_249 : memref<64xf32, #tpu.memory_space<hbm>>) target(%dma_start3A_246 : memref<64xf32, #tpu.memory_space<vmem>>) target_semaphore(%arg13 : memref<!tpu.dma_semaphore, #tpu.memory_space<semaphore_mem>>)
      %slice3A_250 = vector.extract_strided_slice %get3A_72 {offsets = [6], sizes = [1], strides = [1]} : vector<16xi32> to vector<1xi32>
      %squeeze3A_251 = vector.extract %slice3A_250[0] : i32 from vector<1xi32>
      %mul3A_252 = arith.constant 16 : i32
      %mul3A_253 = arith.muli %scan3A_65, %mul3A_252 : i32
      %add3A_254 = arith.constant 6 : i32
      %add3A_255 = arith.addi %mul3A_253, %add3A_254 : i32
      %dma_start3A_256 = arith.constant 0 : i32
      %dma_start3A_257 = tpu.memref_slice %arg9[%add3A_255, %dma_start3A_256] : memref<256x64xf32, #tpu.memory_space<vmem>> -> memref<1x64xf32, #tpu.memory_space<vmem>>
      %dma_start3A_258 = tpu.memref_squeeze %dma_start3A_257 : memref<1x64xf32, #tpu.memory_space<vmem>> -> memref<64xf32, #tpu.memory_space<vmem>>
      %dma_start3A_259 = arith.constant 0 : i32
      %dma_start3A_260 = tpu.memref_slice %arg3[%squeeze3A_251, %dma_start3A_259] : memref<1000000x64xf32, #tpu.memory_space<hbm>> -> memref<1x64xf32, #tpu.memory_space<hbm>>
      %dma_start3A_261 = tpu.memref_squeeze %dma_start3A_260 : memref<1x64xf32, #tpu.memory_space<hbm>> -> memref<64xf32, #tpu.memory_space<hbm>>
      %dma_start3A_262 = arith.constant 0 : i32
      %dma_start3A_263 = tpu.memref_slice %arg9[%add3A_255, %dma_start3A_262] : memref<256x64xf32, #tpu.memory_space<vmem>> -> memref<1x64xf32, #tpu.memory_space<vmem>>
      %dma_start3A_264 = tpu.memref_squeeze %dma_start3A_263 : memref<1x64xf32, #tpu.memory_space<vmem>> -> memref<64xf32, #tpu.memory_space<vmem>>
      %dma_start3A_265 = arith.constant 0 : i32
      %dma_start3A_266 = tpu.memref_slice %arg3[%squeeze3A_251, %dma_start3A_265] : memref<1000000x64xf32, #tpu.memory_space<hbm>> -> memref<1x64xf32, #tpu.memory_space<hbm>>
      %dma_start3A_267 = tpu.memref_squeeze %dma_start3A_266 : memref<1x64xf32, #tpu.memory_space<hbm>> -> memref<64xf32, #tpu.memory_space<hbm>>
      tpu.enqueue_dma source(%dma_start3A_267 : memref<64xf32, #tpu.memory_space<hbm>>) target(%dma_start3A_264 : memref<64xf32, #tpu.memory_space<vmem>>) target_semaphore(%arg12 : memref<!tpu.dma_semaphore, #tpu.memory_space<semaphore_mem>>)
      %dma_start3A_268 = arith.constant 0 : i32
      %dma_start3A_269 = tpu.memref_slice %arg10[%add3A_255, %dma_start3A_268] : memref<256x64xf32, #tpu.memory_space<vmem>> -> memref<1x64xf32, #tpu.memory_space<vmem>>
      %dma_start3A_270 = tpu.memref_squeeze %dma_start3A_269 : memref<1x64xf32, #tpu.memory_space<vmem>> -> memref<64xf32, #tpu.memory_space<vmem>>
      %dma_start3A_271 = arith.constant 0 : i32
      %dma_start3A_272 = tpu.memref_slice %arg4[%squeeze3A_251, %dma_start3A_271] : memref<1000000x64xf32, #tpu.memory_space<hbm>> -> memref<1x64xf32, #tpu.memory_space<hbm>>
      %dma_start3A_273 = tpu.memref_squeeze %dma_start3A_272 : memref<1x64xf32, #tpu.memory_space<hbm>> -> memref<64xf32, #tpu.memory_space<hbm>>
      %dma_start3A_274 = arith.constant 0 : i32
      %dma_start3A_275 = tpu.memref_slice %arg10[%add3A_255, %dma_start3A_274] : memref<256x64xf32, #tpu.memory_space<vmem>> -> memref<1x64xf32, #tpu.memory_space<vmem>>
      %dma_start3A_276 = tpu.memref_squeeze %dma_start3A_275 : memref<1x64xf32, #tpu.memory_space<vmem>> -> memref<64xf32, #tpu.memory_space<vmem>>
      %dma_start3A_277 = arith.constant 0 : i32
      %dma_start3A_278 = tpu.memref_slice %arg4[%squeeze3A_251, %dma_start3A_277] : memref<1000000x64xf32, #tpu.memory_space<hbm>> -> memref<1x64xf32, #tpu.memory_space<hbm>>
      %dma_start3A_279 = tpu.memref_squeeze %dma_start3A_278 : memref<1x64xf32, #tpu.memory_space<hbm>> -> memref<64xf32, #tpu.memory_space<hbm>>
      tpu.enqueue_dma source(%dma_start3A_279 : memref<64xf32, #tpu.memory_space<hbm>>) target(%dma_start3A_276 : memref<64xf32, #tpu.memory_space<vmem>>) target_semaphore(%arg13 : memref<!tpu.dma_semaphore, #tpu.memory_space<semaphore_mem>>)
      %slice3A_280 = vector.extract_strided_slice %get3A_72 {offsets = [7], sizes = [1], strides = [1]} : vector<16xi32> to vector<1xi32>
      %squeeze3A_281 = vector.extract %slice3A_280[0] : i32 from vector<1xi32>
      %mul3A_282 = arith.constant 16 : i32
      %mul3A_283 = arith.muli %scan3A_65, %mul3A_282 : i32
      %add3A_284 = arith.constant 7 : i32
      %add3A_285 = arith.addi %mul3A_283, %add3A_284 : i32
      %dma_start3A_286 = arith.constant 0 : i32
      %dma_start3A_287 = tpu.memref_slice %arg9[%add3A_285, %dma_start3A_286] : memref<256x64xf32, #tpu.memory_space<vmem>> -> memref<1x64xf32, #tpu.memory_space<vmem>>
      %dma_start3A_288 = tpu.memref_squeeze %dma_start3A_287 : memref<1x64xf32, #tpu.memory_space<vmem>> -> memref<64xf32, #tpu.memory_space<vmem>>
      %dma_start3A_289 = arith.constant 0 : i32
      %dma_start3A_290 = tpu.memref_slice %arg3[%squeeze3A_281, %dma_start3A_289] : memref<1000000x64xf32, #tpu.memory_space<hbm>> -> memref<1x64xf32, #tpu.memory_space<hbm>>
      %dma_start3A_291 = tpu.memref_squeeze %dma_start3A_290 : memref<1x64xf32, #tpu.memory_space<hbm>> -> memref<64xf32, #tpu.memory_space<hbm>>
      %dma_start3A_292 = arith.constant 0 : i32
      %dma_start3A_293 = tpu.memref_slice %arg9[%add3A_285, %dma_start3A_292] : memref<256x64xf32, #tpu.memory_space<vmem>> -> memref<1x64xf32, #tpu.memory_space<vmem>>
      %dma_start3A_294 = tpu.memref_squeeze %dma_start3A_293 : memref<1x64xf32, #tpu.memory_space<vmem>> -> memref<64xf32, #tpu.memory_space<vmem>>
      %dma_start3A_295 = arith.constant 0 : i32
      %dma_start3A_296 = tpu.memref_slice %arg3[%squeeze3A_281, %dma_start3A_295] : memref<1000000x64xf32, #tpu.memory_space<hbm>> -> memref<1x64xf32, #tpu.memory_space<hbm>>
      %dma_start3A_297 = tpu.memref_squeeze %dma_start3A_296 : memref<1x64xf32, #tpu.memory_space<hbm>> -> memref<64xf32, #tpu.memory_space<hbm>>
      tpu.enqueue_dma source(%dma_start3A_297 : memref<64xf32, #tpu.memory_space<hbm>>) target(%dma_start3A_294 : memref<64xf32, #tpu.memory_space<vmem>>) target_semaphore(%arg12 : memref<!tpu.dma_semaphore, #tpu.memory_space<semaphore_mem>>)
      %dma_start3A_298 = arith.constant 0 : i32
      %dma_start3A_299 = tpu.memref_slice %arg10[%add3A_285, %dma_start3A_298] : memref<256x64xf32, #tpu.memory_space<vmem>> -> memref<1x64xf32, #tpu.memory_space<vmem>>
      %dma_start3A_300 = tpu.memref_squeeze %dma_start3A_299 : memref<1x64xf32, #tpu.memory_space<vmem>> -> memref<64xf32, #tpu.memory_space<vmem>>
      %dma_start3A_301 = arith.constant 0 : i32
      %dma_start3A_302 = tpu.memref_slice %arg4[%squeeze3A_281, %dma_start3A_301] : memref<1000000x64xf32, #tpu.memory_space<hbm>> -> memref<1x64xf32, #tpu.memory_space<hbm>>
      %dma_start3A_303 = tpu.memref_squeeze %dma_start3A_302 : memref<1x64xf32, #tpu.memory_space<hbm>> -> memref<64xf32, #tpu.memory_space<hbm>>
      %dma_start3A_304 = arith.constant 0 : i32
      %dma_start3A_305 = tpu.memref_slice %arg10[%add3A_285, %dma_start3A_304] : memref<256x64xf32, #tpu.memory_space<vmem>> -> memref<1x64xf32, #tpu.memory_space<vmem>>
      %dma_start3A_306 = tpu.memref_squeeze %dma_start3A_305 : memref<1x64xf32, #tpu.memory_space<vmem>> -> memref<64xf32, #tpu.memory_space<vmem>>
      %dma_start3A_307 = arith.constant 0 : i32
      %dma_start3A_308 = tpu.memref_slice %arg4[%squeeze3A_281, %dma_start3A_307] : memref<1000000x64xf32, #tpu.memory_space<hbm>> -> memref<1x64xf32, #tpu.memory_space<hbm>>
      %dma_start3A_309 = tpu.memref_squeeze %dma_start3A_308 : memref<1x64xf32, #tpu.memory_space<hbm>> -> memref<64xf32, #tpu.memory_space<hbm>>
      tpu.enqueue_dma source(%dma_start3A_309 : memref<64xf32, #tpu.memory_space<hbm>>) target(%dma_start3A_306 : memref<64xf32, #tpu.memory_space<vmem>>) target_semaphore(%arg13 : memref<!tpu.dma_semaphore, #tpu.memory_space<semaphore_mem>>)
      %slice3A_310 = vector.extract_strided_slice %get3A_72 {offsets = [8], sizes = [1], strides = [1]} : vector<16xi32> to vector<1xi32>
      %squeeze3A_311 = vector.extract %slice3A_310[0] : i32 from vector<1xi32>
      %mul3A_312 = arith.constant 16 : i32
      %mul3A_313 = arith.muli %scan3A_65, %mul3A_312 : i32
      %add3A_314 = arith.constant 8 : i32
      %add3A_315 = arith.addi %mul3A_313, %add3A_314 : i32
      %dma_start3A_316 = arith.constant 0 : i32
      %dma_start3A_317 = tpu.memref_slice %arg9[%add3A_315, %dma_start3A_316] : memref<256x64xf32, #tpu.memory_space<vmem>> -> memref<1x64xf32, #tpu.memory_space<vmem>>
      %dma_start3A_318 = tpu.memref_squeeze %dma_start3A_317 : memref<1x64xf32, #tpu.memory_space<vmem>> -> memref<64xf32, #tpu.memory_space<vmem>>
      %dma_start3A_319 = arith.constant 0 : i32
      %dma_start3A_320 = tpu.memref_slice %arg3[%squeeze3A_311, %dma_start3A_319] : memref<1000000x64xf32, #tpu.memory_space<hbm>> -> memref<1x64xf32, #tpu.memory_space<hbm>>
      %dma_start3A_321 = tpu.memref_squeeze %dma_start3A_320 : memref<1x64xf32, #tpu.memory_space<hbm>> -> memref<64xf32, #tpu.memory_space<hbm>>
      %dma_start3A_322 = arith.constant 0 : i32
      %dma_start3A_323 = tpu.memref_slice %arg9[%add3A_315, %dma_start3A_322] : memref<256x64xf32, #tpu.memory_space<vmem>> -> memref<1x64xf32, #tpu.memory_space<vmem>>
      %dma_start3A_324 = tpu.memref_squeeze %dma_start3A_323 : memref<1x64xf32, #tpu.memory_space<vmem>> -> memref<64xf32, #tpu.memory_space<vmem>>
      %dma_start3A_325 = arith.constant 0 : i32
      %dma_start3A_326 = tpu.memref_slice %arg3[%squeeze3A_311, %dma_start3A_325] : memref<1000000x64xf32, #tpu.memory_space<hbm>> -> memref<1x64xf32, #tpu.memory_space<hbm>>
      %dma_start3A_327 = tpu.memref_squeeze %dma_start3A_326 : memref<1x64xf32, #tpu.memory_space<hbm>> -> memref<64xf32, #tpu.memory_space<hbm>>
      tpu.enqueue_dma source(%dma_start3A_327 : memref<64xf32, #tpu.memory_space<hbm>>) target(%dma_start3A_324 : memref<64xf32, #tpu.memory_space<vmem>>) target_semaphore(%arg12 : memref<!tpu.dma_semaphore, #tpu.memory_space<semaphore_mem>>)
      %dma_start3A_328 = arith.constant 0 : i32
      %dma_start3A_329 = tpu.memref_slice %arg10[%add3A_315, %dma_start3A_328] : memref<256x64xf32, #tpu.memory_space<vmem>> -> memref<1x64xf32, #tpu.memory_space<vmem>>
      %dma_start3A_330 = tpu.memref_squeeze %dma_start3A_329 : memref<1x64xf32, #tpu.memory_space<vmem>> -> memref<64xf32, #tpu.memory_space<vmem>>
      %dma_start3A_331 = arith.constant 0 : i32
      %dma_start3A_332 = tpu.memref_slice %arg4[%squeeze3A_311, %dma_start3A_331] : memref<1000000x64xf32, #tpu.memory_space<hbm>> -> memref<1x64xf32, #tpu.memory_space<hbm>>
      %dma_start3A_333 = tpu.memref_squeeze %dma_start3A_332 : memref<1x64xf32, #tpu.memory_space<hbm>> -> memref<64xf32, #tpu.memory_space<hbm>>
      %dma_start3A_334 = arith.constant 0 : i32
      %dma_start3A_335 = tpu.memref_slice %arg10[%add3A_315, %dma_start3A_334] : memref<256x64xf32, #tpu.memory_space<vmem>> -> memref<1x64xf32, #tpu.memory_space<vmem>>
      %dma_start3A_336 = tpu.memref_squeeze %dma_start3A_335 : memref<1x64xf32, #tpu.memory_space<vmem>> -> memref<64xf32, #tpu.memory_space<vmem>>
      %dma_start3A_337 = arith.constant 0 : i32
      %dma_start3A_338 = tpu.memref_slice %arg4[%squeeze3A_311, %dma_start3A_337] : memref<1000000x64xf32, #tpu.memory_space<hbm>> -> memref<1x64xf32, #tpu.memory_space<hbm>>
      %dma_start3A_339 = tpu.memref_squeeze %dma_start3A_338 : memref<1x64xf32, #tpu.memory_space<hbm>> -> memref<64xf32, #tpu.memory_space<hbm>>
      tpu.enqueue_dma source(%dma_start3A_339 : memref<64xf32, #tpu.memory_space<hbm>>) target(%dma_start3A_336 : memref<64xf32, #tpu.memory_space<vmem>>) target_semaphore(%arg13 : memref<!tpu.dma_semaphore, #tpu.memory_space<semaphore_mem>>)
      %slice3A_340 = vector.extract_strided_slice %get3A_72 {offsets = [9], sizes = [1], strides = [1]} : vector<16xi32> to vector<1xi32>
      %squeeze3A_341 = vector.extract %slice3A_340[0] : i32 from vector<1xi32>
      %mul3A_342 = arith.constant 16 : i32
      %mul3A_343 = arith.muli %scan3A_65, %mul3A_342 : i32
      %add3A_344 = arith.constant 9 : i32
      %add3A_345 = arith.addi %mul3A_343, %add3A_344 : i32
      %dma_start3A_346 = arith.constant 0 : i32
      %dma_start3A_347 = tpu.memref_slice %arg9[%add3A_345, %dma_start3A_346] : memref<256x64xf32, #tpu.memory_space<vmem>> -> memref<1x64xf32, #tpu.memory_space<vmem>>
      %dma_start3A_348 = tpu.memref_squeeze %dma_start3A_347 : memref<1x64xf32, #tpu.memory_space<vmem>> -> memref<64xf32, #tpu.memory_space<vmem>>
      %dma_start3A_349 = arith.constant 0 : i32
      %dma_start3A_350 = tpu.memref_slice %arg3[%squeeze3A_341, %dma_start3A_349] : memref<1000000x64xf32, #tpu.memory_space<hbm>> -> memref<1x64xf32, #tpu.memory_space<hbm>>
      %dma_start3A_351 = tpu.memref_squeeze %dma_start3A_350 : memref<1x64xf32, #tpu.memory_space<hbm>> -> memref<64xf32, #tpu.memory_space<hbm>>
      %dma_start3A_352 = arith.constant 0 : i32
      %dma_start3A_353 = tpu.memref_slice %arg9[%add3A_345, %dma_start3A_352] : memref<256x64xf32, #tpu.memory_space<vmem>> -> memref<1x64xf32, #tpu.memory_space<vmem>>
      %dma_start3A_354 = tpu.memref_squeeze %dma_start3A_353 : memref<1x64xf32, #tpu.memory_space<vmem>> -> memref<64xf32, #tpu.memory_space<vmem>>
      %dma_start3A_355 = arith.constant 0 : i32
      %dma_start3A_356 = tpu.memref_slice %arg3[%squeeze3A_341, %dma_start3A_355] : memref<1000000x64xf32, #tpu.memory_space<hbm>> -> memref<1x64xf32, #tpu.memory_space<hbm>>
      %dma_start3A_357 = tpu.memref_squeeze %dma_start3A_356 : memref<1x64xf32, #tpu.memory_space<hbm>> -> memref<64xf32, #tpu.memory_space<hbm>>
      tpu.enqueue_dma source(%dma_start3A_357 : memref<64xf32, #tpu.memory_space<hbm>>) target(%dma_start3A_354 : memref<64xf32, #tpu.memory_space<vmem>>) target_semaphore(%arg12 : memref<!tpu.dma_semaphore, #tpu.memory_space<semaphore_mem>>)
      %dma_start3A_358 = arith.constant 0 : i32
      %dma_start3A_359 = tpu.memref_slice %arg10[%add3A_345, %dma_start3A_358] : memref<256x64xf32, #tpu.memory_space<vmem>> -> memref<1x64xf32, #tpu.memory_space<vmem>>
      %dma_start3A_360 = tpu.memref_squeeze %dma_start3A_359 : memref<1x64xf32, #tpu.memory_space<vmem>> -> memref<64xf32, #tpu.memory_space<vmem>>
      %dma_start3A_361 = arith.constant 0 : i32
      %dma_start3A_362 = tpu.memref_slice %arg4[%squeeze3A_341, %dma_start3A_361] : memref<1000000x64xf32, #tpu.memory_space<hbm>> -> memref<1x64xf32, #tpu.memory_space<hbm>>
      %dma_start3A_363 = tpu.memref_squeeze %dma_start3A_362 : memref<1x64xf32, #tpu.memory_space<hbm>> -> memref<64xf32, #tpu.memory_space<hbm>>
      %dma_start3A_364 = arith.constant 0 : i32
      %dma_start3A_365 = tpu.memref_slice %arg10[%add3A_345, %dma_start3A_364] : memref<256x64xf32, #tpu.memory_space<vmem>> -> memref<1x64xf32, #tpu.memory_space<vmem>>
      %dma_start3A_366 = tpu.memref_squeeze %dma_start3A_365 : memref<1x64xf32, #tpu.memory_space<vmem>> -> memref<64xf32, #tpu.memory_space<vmem>>
      %dma_start3A_367 = arith.constant 0 : i32
      %dma_start3A_368 = tpu.memref_slice %arg4[%squeeze3A_341, %dma_start3A_367] : memref<1000000x64xf32, #tpu.memory_space<hbm>> -> memref<1x64xf32, #tpu.memory_space<hbm>>
      %dma_start3A_369 = tpu.memref_squeeze %dma_start3A_368 : memref<1x64xf32, #tpu.memory_space<hbm>> -> memref<64xf32, #tpu.memory_space<hbm>>
      tpu.enqueue_dma source(%dma_start3A_369 : memref<64xf32, #tpu.memory_space<hbm>>) target(%dma_start3A_366 : memref<64xf32, #tpu.memory_space<vmem>>) target_semaphore(%arg13 : memref<!tpu.dma_semaphore, #tpu.memory_space<semaphore_mem>>)
      %slice3A_370 = vector.extract_strided_slice %get3A_72 {offsets = [10], sizes = [1], strides = [1]} : vector<16xi32> to vector<1xi32>
      %squeeze3A_371 = vector.extract %slice3A_370[0] : i32 from vector<1xi32>
      %mul3A_372 = arith.constant 16 : i32
      %mul3A_373 = arith.muli %scan3A_65, %mul3A_372 : i32
      %add3A_374 = arith.constant 10 : i32
      %add3A_375 = arith.addi %mul3A_373, %add3A_374 : i32
      %dma_start3A_376 = arith.constant 0 : i32
      %dma_start3A_377 = tpu.memref_slice %arg9[%add3A_375, %dma_start3A_376] : memref<256x64xf32, #tpu.memory_space<vmem>> -> memref<1x64xf32, #tpu.memory_space<vmem>>
      %dma_start3A_378 = tpu.memref_squeeze %dma_start3A_377 : memref<1x64xf32, #tpu.memory_space<vmem>> -> memref<64xf32, #tpu.memory_space<vmem>>
      %dma_start3A_379 = arith.constant 0 : i32
      %dma_start3A_380 = tpu.memref_slice %arg3[%squeeze3A_371, %dma_start3A_379] : memref<1000000x64xf32, #tpu.memory_space<hbm>> -> memref<1x64xf32, #tpu.memory_space<hbm>>
      %dma_start3A_381 = tpu.memref_squeeze %dma_start3A_380 : memref<1x64xf32, #tpu.memory_space<hbm>> -> memref<64xf32, #tpu.memory_space<hbm>>
      %dma_start3A_382 = arith.constant 0 : i32
      %dma_start3A_383 = tpu.memref_slice %arg9[%add3A_375, %dma_start3A_382] : memref<256x64xf32, #tpu.memory_space<vmem>> -> memref<1x64xf32, #tpu.memory_space<vmem>>
      %dma_start3A_384 = tpu.memref_squeeze %dma_start3A_383 : memref<1x64xf32, #tpu.memory_space<vmem>> -> memref<64xf32, #tpu.memory_space<vmem>>
      %dma_start3A_385 = arith.constant 0 : i32
      %dma_start3A_386 = tpu.memref_slice %arg3[%squeeze3A_371, %dma_start3A_385] : memref<1000000x64xf32, #tpu.memory_space<hbm>> -> memref<1x64xf32, #tpu.memory_space<hbm>>
      %dma_start3A_387 = tpu.memref_squeeze %dma_start3A_386 : memref<1x64xf32, #tpu.memory_space<hbm>> -> memref<64xf32, #tpu.memory_space<hbm>>
      tpu.enqueue_dma source(%dma_start3A_387 : memref<64xf32, #tpu.memory_space<hbm>>) target(%dma_start3A_384 : memref<64xf32, #tpu.memory_space<vmem>>) target_semaphore(%arg12 : memref<!tpu.dma_semaphore, #tpu.memory_space<semaphore_mem>>)
      %dma_start3A_388 = arith.constant 0 : i32
      %dma_start3A_389 = tpu.memref_slice %arg10[%add3A_375, %dma_start3A_388] : memref<256x64xf32, #tpu.memory_space<vmem>> -> memref<1x64xf32, #tpu.memory_space<vmem>>
      %dma_start3A_390 = tpu.memref_squeeze %dma_start3A_389 : memref<1x64xf32, #tpu.memory_space<vmem>> -> memref<64xf32, #tpu.memory_space<vmem>>
      %dma_start3A_391 = arith.constant 0 : i32
      %dma_start3A_392 = tpu.memref_slice %arg4[%squeeze3A_371, %dma_start3A_391] : memref<1000000x64xf32, #tpu.memory_space<hbm>> -> memref<1x64xf32, #tpu.memory_space<hbm>>
      %dma_start3A_393 = tpu.memref_squeeze %dma_start3A_392 : memref<1x64xf32, #tpu.memory_space<hbm>> -> memref<64xf32, #tpu.memory_space<hbm>>
      %dma_start3A_394 = arith.constant 0 : i32
      %dma_start3A_395 = tpu.memref_slice %arg10[%add3A_375, %dma_start3A_394] : memref<256x64xf32, #tpu.memory_space<vmem>> -> memref<1x64xf32, #tpu.memory_space<vmem>>
      %dma_start3A_396 = tpu.memref_squeeze %dma_start3A_395 : memref<1x64xf32, #tpu.memory_space<vmem>> -> memref<64xf32, #tpu.memory_space<vmem>>
      %dma_start3A_397 = arith.constant 0 : i32
      %dma_start3A_398 = tpu.memref_slice %arg4[%squeeze3A_371, %dma_start3A_397] : memref<1000000x64xf32, #tpu.memory_space<hbm>> -> memref<1x64xf32, #tpu.memory_space<hbm>>
      %dma_start3A_399 = tpu.memref_squeeze %dma_start3A_398 : memref<1x64xf32, #tpu.memory_space<hbm>> -> memref<64xf32, #tpu.memory_space<hbm>>
      tpu.enqueue_dma source(%dma_start3A_399 : memref<64xf32, #tpu.memory_space<hbm>>) target(%dma_start3A_396 : memref<64xf32, #tpu.memory_space<vmem>>) target_semaphore(%arg13 : memref<!tpu.dma_semaphore, #tpu.memory_space<semaphore_mem>>)
      %slice3A_400 = vector.extract_strided_slice %get3A_72 {offsets = [11], sizes = [1], strides = [1]} : vector<16xi32> to vector<1xi32>
      %squeeze3A_401 = vector.extract %slice3A_400[0] : i32 from vector<1xi32>
      %mul3A_402 = arith.constant 16 : i32
      %mul3A_403 = arith.muli %scan3A_65, %mul3A_402 : i32
      %add3A_404 = arith.constant 11 : i32
      %add3A_405 = arith.addi %mul3A_403, %add3A_404 : i32
      %dma_start3A_406 = arith.constant 0 : i32
      %dma_start3A_407 = tpu.memref_slice %arg9[%add3A_405, %dma_start3A_406] : memref<256x64xf32, #tpu.memory_space<vmem>> -> memref<1x64xf32, #tpu.memory_space<vmem>>
      %dma_start3A_408 = tpu.memref_squeeze %dma_start3A_407 : memref<1x64xf32, #tpu.memory_space<vmem>> -> memref<64xf32, #tpu.memory_space<vmem>>
      %dma_start3A_409 = arith.constant 0 : i32
      %dma_start3A_410 = tpu.memref_slice %arg3[%squeeze3A_401, %dma_start3A_409] : memref<1000000x64xf32, #tpu.memory_space<hbm>> -> memref<1x64xf32, #tpu.memory_space<hbm>>
      %dma_start3A_411 = tpu.memref_squeeze %dma_start3A_410 : memref<1x64xf32, #tpu.memory_space<hbm>> -> memref<64xf32, #tpu.memory_space<hbm>>
      %dma_start3A_412 = arith.constant 0 : i32
      %dma_start3A_413 = tpu.memref_slice %arg9[%add3A_405, %dma_start3A_412] : memref<256x64xf32, #tpu.memory_space<vmem>> -> memref<1x64xf32, #tpu.memory_space<vmem>>
      %dma_start3A_414 = tpu.memref_squeeze %dma_start3A_413 : memref<1x64xf32, #tpu.memory_space<vmem>> -> memref<64xf32, #tpu.memory_space<vmem>>
      %dma_start3A_415 = arith.constant 0 : i32
      %dma_start3A_416 = tpu.memref_slice %arg3[%squeeze3A_401, %dma_start3A_415] : memref<1000000x64xf32, #tpu.memory_space<hbm>> -> memref<1x64xf32, #tpu.memory_space<hbm>>
      %dma_start3A_417 = tpu.memref_squeeze %dma_start3A_416 : memref<1x64xf32, #tpu.memory_space<hbm>> -> memref<64xf32, #tpu.memory_space<hbm>>
      tpu.enqueue_dma source(%dma_start3A_417 : memref<64xf32, #tpu.memory_space<hbm>>) target(%dma_start3A_414 : memref<64xf32, #tpu.memory_space<vmem>>) target_semaphore(%arg12 : memref<!tpu.dma_semaphore, #tpu.memory_space<semaphore_mem>>)
      %dma_start3A_418 = arith.constant 0 : i32
      %dma_start3A_419 = tpu.memref_slice %arg10[%add3A_405, %dma_start3A_418] : memref<256x64xf32, #tpu.memory_space<vmem>> -> memref<1x64xf32, #tpu.memory_space<vmem>>
      %dma_start3A_420 = tpu.memref_squeeze %dma_start3A_419 : memref<1x64xf32, #tpu.memory_space<vmem>> -> memref<64xf32, #tpu.memory_space<vmem>>
      %dma_start3A_421 = arith.constant 0 : i32
      %dma_start3A_422 = tpu.memref_slice %arg4[%squeeze3A_401, %dma_start3A_421] : memref<1000000x64xf32, #tpu.memory_space<hbm>> -> memref<1x64xf32, #tpu.memory_space<hbm>>
      %dma_start3A_423 = tpu.memref_squeeze %dma_start3A_422 : memref<1x64xf32, #tpu.memory_space<hbm>> -> memref<64xf32, #tpu.memory_space<hbm>>
      %dma_start3A_424 = arith.constant 0 : i32
      %dma_start3A_425 = tpu.memref_slice %arg10[%add3A_405, %dma_start3A_424] : memref<256x64xf32, #tpu.memory_space<vmem>> -> memref<1x64xf32, #tpu.memory_space<vmem>>
      %dma_start3A_426 = tpu.memref_squeeze %dma_start3A_425 : memref<1x64xf32, #tpu.memory_space<vmem>> -> memref<64xf32, #tpu.memory_space<vmem>>
      %dma_start3A_427 = arith.constant 0 : i32
      %dma_start3A_428 = tpu.memref_slice %arg4[%squeeze3A_401, %dma_start3A_427] : memref<1000000x64xf32, #tpu.memory_space<hbm>> -> memref<1x64xf32, #tpu.memory_space<hbm>>
      %dma_start3A_429 = tpu.memref_squeeze %dma_start3A_428 : memref<1x64xf32, #tpu.memory_space<hbm>> -> memref<64xf32, #tpu.memory_space<hbm>>
      tpu.enqueue_dma source(%dma_start3A_429 : memref<64xf32, #tpu.memory_space<hbm>>) target(%dma_start3A_426 : memref<64xf32, #tpu.memory_space<vmem>>) target_semaphore(%arg13 : memref<!tpu.dma_semaphore, #tpu.memory_space<semaphore_mem>>)
      %slice3A_430 = vector.extract_strided_slice %get3A_72 {offsets = [12], sizes = [1], strides = [1]} : vector<16xi32> to vector<1xi32>
      %squeeze3A_431 = vector.extract %slice3A_430[0] : i32 from vector<1xi32>
      %mul3A_432 = arith.constant 16 : i32
      %mul3A_433 = arith.muli %scan3A_65, %mul3A_432 : i32
      %add3A_434 = arith.constant 12 : i32
      %add3A_435 = arith.addi %mul3A_433, %add3A_434 : i32
      %dma_start3A_436 = arith.constant 0 : i32
      %dma_start3A_437 = tpu.memref_slice %arg9[%add3A_435, %dma_start3A_436] : memref<256x64xf32, #tpu.memory_space<vmem>> -> memref<1x64xf32, #tpu.memory_space<vmem>>
      %dma_start3A_438 = tpu.memref_squeeze %dma_start3A_437 : memref<1x64xf32, #tpu.memory_space<vmem>> -> memref<64xf32, #tpu.memory_space<vmem>>
      %dma_start3A_439 = arith.constant 0 : i32
      %dma_start3A_440 = tpu.memref_slice %arg3[%squeeze3A_431, %dma_start3A_439] : memref<1000000x64xf32, #tpu.memory_space<hbm>> -> memref<1x64xf32, #tpu.memory_space<hbm>>
      %dma_start3A_441 = tpu.memref_squeeze %dma_start3A_440 : memref<1x64xf32, #tpu.memory_space<hbm>> -> memref<64xf32, #tpu.memory_space<hbm>>
      %dma_start3A_442 = arith.constant 0 : i32
      %dma_start3A_443 = tpu.memref_slice %arg9[%add3A_435, %dma_start3A_442] : memref<256x64xf32, #tpu.memory_space<vmem>> -> memref<1x64xf32, #tpu.memory_space<vmem>>
      %dma_start3A_444 = tpu.memref_squeeze %dma_start3A_443 : memref<1x64xf32, #tpu.memory_space<vmem>> -> memref<64xf32, #tpu.memory_space<vmem>>
      %dma_start3A_445 = arith.constant 0 : i32
      %dma_start3A_446 = tpu.memref_slice %arg3[%squeeze3A_431, %dma_start3A_445] : memref<1000000x64xf32, #tpu.memory_space<hbm>> -> memref<1x64xf32, #tpu.memory_space<hbm>>
      %dma_start3A_447 = tpu.memref_squeeze %dma_start3A_446 : memref<1x64xf32, #tpu.memory_space<hbm>> -> memref<64xf32, #tpu.memory_space<hbm>>
      tpu.enqueue_dma source(%dma_start3A_447 : memref<64xf32, #tpu.memory_space<hbm>>) target(%dma_start3A_444 : memref<64xf32, #tpu.memory_space<vmem>>) target_semaphore(%arg12 : memref<!tpu.dma_semaphore, #tpu.memory_space<semaphore_mem>>)
      %dma_start3A_448 = arith.constant 0 : i32
      %dma_start3A_449 = tpu.memref_slice %arg10[%add3A_435, %dma_start3A_448] : memref<256x64xf32, #tpu.memory_space<vmem>> -> memref<1x64xf32, #tpu.memory_space<vmem>>
      %dma_start3A_450 = tpu.memref_squeeze %dma_start3A_449 : memref<1x64xf32, #tpu.memory_space<vmem>> -> memref<64xf32, #tpu.memory_space<vmem>>
      %dma_start3A_451 = arith.constant 0 : i32
      %dma_start3A_452 = tpu.memref_slice %arg4[%squeeze3A_431, %dma_start3A_451] : memref<1000000x64xf32, #tpu.memory_space<hbm>> -> memref<1x64xf32, #tpu.memory_space<hbm>>
      %dma_start3A_453 = tpu.memref_squeeze %dma_start3A_452 : memref<1x64xf32, #tpu.memory_space<hbm>> -> memref<64xf32, #tpu.memory_space<hbm>>
      %dma_start3A_454 = arith.constant 0 : i32
      %dma_start3A_455 = tpu.memref_slice %arg10[%add3A_435, %dma_start3A_454] : memref<256x64xf32, #tpu.memory_space<vmem>> -> memref<1x64xf32, #tpu.memory_space<vmem>>
      %dma_start3A_456 = tpu.memref_squeeze %dma_start3A_455 : memref<1x64xf32, #tpu.memory_space<vmem>> -> memref<64xf32, #tpu.memory_space<vmem>>
      %dma_start3A_457 = arith.constant 0 : i32
      %dma_start3A_458 = tpu.memref_slice %arg4[%squeeze3A_431, %dma_start3A_457] : memref<1000000x64xf32, #tpu.memory_space<hbm>> -> memref<1x64xf32, #tpu.memory_space<hbm>>
      %dma_start3A_459 = tpu.memref_squeeze %dma_start3A_458 : memref<1x64xf32, #tpu.memory_space<hbm>> -> memref<64xf32, #tpu.memory_space<hbm>>
      tpu.enqueue_dma source(%dma_start3A_459 : memref<64xf32, #tpu.memory_space<hbm>>) target(%dma_start3A_456 : memref<64xf32, #tpu.memory_space<vmem>>) target_semaphore(%arg13 : memref<!tpu.dma_semaphore, #tpu.memory_space<semaphore_mem>>)
      %slice3A_460 = vector.extract_strided_slice %get3A_72 {offsets = [13], sizes = [1], strides = [1]} : vector<16xi32> to vector<1xi32>
      %squeeze3A_461 = vector.extract %slice3A_460[0] : i32 from vector<1xi32>
      %mul3A_462 = arith.constant 16 : i32
      %mul3A_463 = arith.muli %scan3A_65, %mul3A_462 : i32
      %add3A_464 = arith.constant 13 : i32
      %add3A_465 = arith.addi %mul3A_463, %add3A_464 : i32
      %dma_start3A_466 = arith.constant 0 : i32
      %dma_start3A_467 = tpu.memref_slice %arg9[%add3A_465, %dma_start3A_466] : memref<256x64xf32, #tpu.memory_space<vmem>> -> memref<1x64xf32, #tpu.memory_space<vmem>>
      %dma_start3A_468 = tpu.memref_squeeze %dma_start3A_467 : memref<1x64xf32, #tpu.memory_space<vmem>> -> memref<64xf32, #tpu.memory_space<vmem>>
      %dma_start3A_469 = arith.constant 0 : i32
      %dma_start3A_470 = tpu.memref_slice %arg3[%squeeze3A_461, %dma_start3A_469] : memref<1000000x64xf32, #tpu.memory_space<hbm>> -> memref<1x64xf32, #tpu.memory_space<hbm>>
      %dma_start3A_471 = tpu.memref_squeeze %dma_start3A_470 : memref<1x64xf32, #tpu.memory_space<hbm>> -> memref<64xf32, #tpu.memory_space<hbm>>
      %dma_start3A_472 = arith.constant 0 : i32
      %dma_start3A_473 = tpu.memref_slice %arg9[%add3A_465, %dma_start3A_472] : memref<256x64xf32, #tpu.memory_space<vmem>> -> memref<1x64xf32, #tpu.memory_space<vmem>>
      %dma_start3A_474 = tpu.memref_squeeze %dma_start3A_473 : memref<1x64xf32, #tpu.memory_space<vmem>> -> memref<64xf32, #tpu.memory_space<vmem>>
      %dma_start3A_475 = arith.constant 0 : i32
      %dma_start3A_476 = tpu.memref_slice %arg3[%squeeze3A_461, %dma_start3A_475] : memref<1000000x64xf32, #tpu.memory_space<hbm>> -> memref<1x64xf32, #tpu.memory_space<hbm>>
      %dma_start3A_477 = tpu.memref_squeeze %dma_start3A_476 : memref<1x64xf32, #tpu.memory_space<hbm>> -> memref<64xf32, #tpu.memory_space<hbm>>
      tpu.enqueue_dma source(%dma_start3A_477 : memref<64xf32, #tpu.memory_space<hbm>>) target(%dma_start3A_474 : memref<64xf32, #tpu.memory_space<vmem>>) target_semaphore(%arg12 : memref<!tpu.dma_semaphore, #tpu.memory_space<semaphore_mem>>)
      %dma_start3A_478 = arith.constant 0 : i32
      %dma_start3A_479 = tpu.memref_slice %arg10[%add3A_465, %dma_start3A_478] : memref<256x64xf32, #tpu.memory_space<vmem>> -> memref<1x64xf32, #tpu.memory_space<vmem>>
      %dma_start3A_480 = tpu.memref_squeeze %dma_start3A_479 : memref<1x64xf32, #tpu.memory_space<vmem>> -> memref<64xf32, #tpu.memory_space<vmem>>
      %dma_start3A_481 = arith.constant 0 : i32
      %dma_start3A_482 = tpu.memref_slice %arg4[%squeeze3A_461, %dma_start3A_481] : memref<1000000x64xf32, #tpu.memory_space<hbm>> -> memref<1x64xf32, #tpu.memory_space<hbm>>
      %dma_start3A_483 = tpu.memref_squeeze %dma_start3A_482 : memref<1x64xf32, #tpu.memory_space<hbm>> -> memref<64xf32, #tpu.memory_space<hbm>>
      %dma_start3A_484 = arith.constant 0 : i32
      %dma_start3A_485 = tpu.memref_slice %arg10[%add3A_465, %dma_start3A_484] : memref<256x64xf32, #tpu.memory_space<vmem>> -> memref<1x64xf32, #tpu.memory_space<vmem>>
      %dma_start3A_486 = tpu.memref_squeeze %dma_start3A_485 : memref<1x64xf32, #tpu.memory_space<vmem>> -> memref<64xf32, #tpu.memory_space<vmem>>
      %dma_start3A_487 = arith.constant 0 : i32
      %dma_start3A_488 = tpu.memref_slice %arg4[%squeeze3A_461, %dma_start3A_487] : memref<1000000x64xf32, #tpu.memory_space<hbm>> -> memref<1x64xf32, #tpu.memory_space<hbm>>
      %dma_start3A_489 = tpu.memref_squeeze %dma_start3A_488 : memref<1x64xf32, #tpu.memory_space<hbm>> -> memref<64xf32, #tpu.memory_space<hbm>>
      tpu.enqueue_dma source(%dma_start3A_489 : memref<64xf32, #tpu.memory_space<hbm>>) target(%dma_start3A_486 : memref<64xf32, #tpu.memory_space<vmem>>) target_semaphore(%arg13 : memref<!tpu.dma_semaphore, #tpu.memory_space<semaphore_mem>>)
      %slice3A_490 = vector.extract_strided_slice %get3A_72 {offsets = [14], sizes = [1], strides = [1]} : vector<16xi32> to vector<1xi32>
      %squeeze3A_491 = vector.extract %slice3A_490[0] : i32 from vector<1xi32>
      %mul3A_492 = arith.constant 16 : i32
      %mul3A_493 = arith.muli %scan3A_65, %mul3A_492 : i32
      %add3A_494 = arith.constant 14 : i32
      %add3A_495 = arith.addi %mul3A_493, %add3A_494 : i32
      %dma_start3A_496 = arith.constant 0 : i32
      %dma_start3A_497 = tpu.memref_slice %arg9[%add3A_495, %dma_start3A_496] : memref<256x64xf32, #tpu.memory_space<vmem>> -> memref<1x64xf32, #tpu.memory_space<vmem>>
      %dma_start3A_498 = tpu.memref_squeeze %dma_start3A_497 : memref<1x64xf32, #tpu.memory_space<vmem>> -> memref<64xf32, #tpu.memory_space<vmem>>
      %dma_start3A_499 = arith.constant 0 : i32
      %dma_start3A_500 = tpu.memref_slice %arg3[%squeeze3A_491, %dma_start3A_499] : memref<1000000x64xf32, #tpu.memory_space<hbm>> -> memref<1x64xf32, #tpu.memory_space<hbm>>
      %dma_start3A_501 = tpu.memref_squeeze %dma_start3A_500 : memref<1x64xf32, #tpu.memory_space<hbm>> -> memref<64xf32, #tpu.memory_space<hbm>>
      %dma_start3A_502 = arith.constant 0 : i32
      %dma_start3A_503 = tpu.memref_slice %arg9[%add3A_495, %dma_start3A_502] : memref<256x64xf32, #tpu.memory_space<vmem>> -> memref<1x64xf32, #tpu.memory_space<vmem>>
      %dma_start3A_504 = tpu.memref_squeeze %dma_start3A_503 : memref<1x64xf32, #tpu.memory_space<vmem>> -> memref<64xf32, #tpu.memory_space<vmem>>
      %dma_start3A_505 = arith.constant 0 : i32
      %dma_start3A_506 = tpu.memref_slice %arg3[%squeeze3A_491, %dma_start3A_505] : memref<1000000x64xf32, #tpu.memory_space<hbm>> -> memref<1x64xf32, #tpu.memory_space<hbm>>
      %dma_start3A_507 = tpu.memref_squeeze %dma_start3A_506 : memref<1x64xf32, #tpu.memory_space<hbm>> -> memref<64xf32, #tpu.memory_space<hbm>>
      tpu.enqueue_dma source(%dma_start3A_507 : memref<64xf32, #tpu.memory_space<hbm>>) target(%dma_start3A_504 : memref<64xf32, #tpu.memory_space<vmem>>) target_semaphore(%arg12 : memref<!tpu.dma_semaphore, #tpu.memory_space<semaphore_mem>>)
      %dma_start3A_508 = arith.constant 0 : i32
      %dma_start3A_509 = tpu.memref_slice %arg10[%add3A_495, %dma_start3A_508] : memref<256x64xf32, #tpu.memory_space<vmem>> -> memref<1x64xf32, #tpu.memory_space<vmem>>
      %dma_start3A_510 = tpu.memref_squeeze %dma_start3A_509 : memref<1x64xf32, #tpu.memory_space<vmem>> -> memref<64xf32, #tpu.memory_space<vmem>>
      %dma_start3A_511 = arith.constant 0 : i32
      %dma_start3A_512 = tpu.memref_slice %arg4[%squeeze3A_491, %dma_start3A_511] : memref<1000000x64xf32, #tpu.memory_space<hbm>> -> memref<1x64xf32, #tpu.memory_space<hbm>>
      %dma_start3A_513 = tpu.memref_squeeze %dma_start3A_512 : memref<1x64xf32, #tpu.memory_space<hbm>> -> memref<64xf32, #tpu.memory_space<hbm>>
      %dma_start3A_514 = arith.constant 0 : i32
      %dma_start3A_515 = tpu.memref_slice %arg10[%add3A_495, %dma_start3A_514] : memref<256x64xf32, #tpu.memory_space<vmem>> -> memref<1x64xf32, #tpu.memory_space<vmem>>
      %dma_start3A_516 = tpu.memref_squeeze %dma_start3A_515 : memref<1x64xf32, #tpu.memory_space<vmem>> -> memref<64xf32, #tpu.memory_space<vmem>>
      %dma_start3A_517 = arith.constant 0 : i32
      %dma_start3A_518 = tpu.memref_slice %arg4[%squeeze3A_491, %dma_start3A_517] : memref<1000000x64xf32, #tpu.memory_space<hbm>> -> memref<1x64xf32, #tpu.memory_space<hbm>>
      %dma_start3A_519 = tpu.memref_squeeze %dma_start3A_518 : memref<1x64xf32, #tpu.memory_space<hbm>> -> memref<64xf32, #tpu.memory_space<hbm>>
      tpu.enqueue_dma source(%dma_start3A_519 : memref<64xf32, #tpu.memory_space<hbm>>) target(%dma_start3A_516 : memref<64xf32, #tpu.memory_space<vmem>>) target_semaphore(%arg13 : memref<!tpu.dma_semaphore, #tpu.memory_space<semaphore_mem>>)
      %slice3A_520 = vector.extract_strided_slice %get3A_72 {offsets = [15], sizes = [1], strides = [1]} : vector<16xi32> to vector<1xi32>
      %squeeze3A_521 = vector.extract %slice3A_520[0] : i32 from vector<1xi32>
      %mul3A_522 = arith.constant 16 : i32
      %mul3A_523 = arith.muli %scan3A_65, %mul3A_522 : i32
      %add3A_524 = arith.constant 15 : i32
      %add3A_525 = arith.addi %mul3A_523, %add3A_524 : i32
      %dma_start3A_526 = arith.constant 0 : i32
      %dma_start3A_527 = tpu.memref_slice %arg9[%add3A_525, %dma_start3A_526] : memref<256x64xf32, #tpu.memory_space<vmem>> -> memref<1x64xf32, #tpu.memory_space<vmem>>
      %dma_start3A_528 = tpu.memref_squeeze %dma_start3A_527 : memref<1x64xf32, #tpu.memory_space<vmem>> -> memref<64xf32, #tpu.memory_space<vmem>>
      %dma_start3A_529 = arith.constant 0 : i32
      %dma_start3A_530 = tpu.memref_slice %arg3[%squeeze3A_521, %dma_start3A_529] : memref<1000000x64xf32, #tpu.memory_space<hbm>> -> memref<1x64xf32, #tpu.memory_space<hbm>>
      %dma_start3A_531 = tpu.memref_squeeze %dma_start3A_530 : memref<1x64xf32, #tpu.memory_space<hbm>> -> memref<64xf32, #tpu.memory_space<hbm>>
      %dma_start3A_532 = arith.constant 0 : i32
      %dma_start3A_533 = tpu.memref_slice %arg9[%add3A_525, %dma_start3A_532] : memref<256x64xf32, #tpu.memory_space<vmem>> -> memref<1x64xf32, #tpu.memory_space<vmem>>
      %dma_start3A_534 = tpu.memref_squeeze %dma_start3A_533 : memref<1x64xf32, #tpu.memory_space<vmem>> -> memref<64xf32, #tpu.memory_space<vmem>>
      %dma_start3A_535 = arith.constant 0 : i32
      %dma_start3A_536 = tpu.memref_slice %arg3[%squeeze3A_521, %dma_start3A_535] : memref<1000000x64xf32, #tpu.memory_space<hbm>> -> memref<1x64xf32, #tpu.memory_space<hbm>>
      %dma_start3A_537 = tpu.memref_squeeze %dma_start3A_536 : memref<1x64xf32, #tpu.memory_space<hbm>> -> memref<64xf32, #tpu.memory_space<hbm>>
      tpu.enqueue_dma source(%dma_start3A_537 : memref<64xf32, #tpu.memory_space<hbm>>) target(%dma_start3A_534 : memref<64xf32, #tpu.memory_space<vmem>>) target_semaphore(%arg12 : memref<!tpu.dma_semaphore, #tpu.memory_space<semaphore_mem>>)
      %dma_start3A_538 = arith.constant 0 : i32
      %dma_start3A_539 = tpu.memref_slice %arg10[%add3A_525, %dma_start3A_538] : memref<256x64xf32, #tpu.memory_space<vmem>> -> memref<1x64xf32, #tpu.memory_space<vmem>>
      %dma_start3A_540 = tpu.memref_squeeze %dma_start3A_539 : memref<1x64xf32, #tpu.memory_space<vmem>> -> memref<64xf32, #tpu.memory_space<vmem>>
      %dma_start3A_541 = arith.constant 0 : i32
      %dma_start3A_542 = tpu.memref_slice %arg4[%squeeze3A_521, %dma_start3A_541] : memref<1000000x64xf32, #tpu.memory_space<hbm>> -> memref<1x64xf32, #tpu.memory_space<hbm>>
      %dma_start3A_543 = tpu.memref_squeeze %dma_start3A_542 : memref<1x64xf32, #tpu.memory_space<hbm>> -> memref<64xf32, #tpu.memory_space<hbm>>
      %dma_start3A_544 = arith.constant 0 : i32
      %dma_start3A_545 = tpu.memref_slice %arg10[%add3A_525, %dma_start3A_544] : memref<256x64xf32, #tpu.memory_space<vmem>> -> memref<1x64xf32, #tpu.memory_space<vmem>>
      %dma_start3A_546 = tpu.memref_squeeze %dma_start3A_545 : memref<1x64xf32, #tpu.memory_space<vmem>> -> memref<64xf32, #tpu.memory_space<vmem>>
      %dma_start3A_547 = arith.constant 0 : i32
      %dma_start3A_548 = tpu.memref_slice %arg4[%squeeze3A_521, %dma_start3A_547] : memref<1000000x64xf32, #tpu.memory_space<hbm>> -> memref<1x64xf32, #tpu.memory_space<hbm>>
      %dma_start3A_549 = tpu.memref_squeeze %dma_start3A_548 : memref<1x64xf32, #tpu.memory_space<hbm>> -> memref<64xf32, #tpu.memory_space<hbm>>
      tpu.enqueue_dma source(%dma_start3A_549 : memref<64xf32, #tpu.memory_space<hbm>>) target(%dma_start3A_546 : memref<64xf32, #tpu.memory_space<vmem>>) target_semaphore(%arg13 : memref<!tpu.dma_semaphore, #tpu.memory_space<semaphore_mem>>)
      %scan3A_550 = arith.constant 0 : i32
      scf.yield %scan3A_550 : i32
    }
    %scan3A_39 = arith.constant 16 : i32
    %dma_wait3A_40 = arith.constant 0 : i32
    %dma_wait3A_41 = arith.constant 0 : i32
    %dma_wait3A_42 = tpu.memref_slice %arg3[%dma_wait3A_40, %dma_wait3A_41] : memref<1000000x64xf32, #tpu.memory_space<hbm>> -> memref<256x64xf32, #tpu.memory_space<hbm>>
    %dma_wait3A_43 = arith.constant 0 : i32
    %dma_wait3A_44 = arith.constant 0 : i32
    %dma_wait3A_45 = tpu.memref_slice %arg3[%dma_wait3A_43, %dma_wait3A_44] : memref<1000000x64xf32, #tpu.memory_space<hbm>> -> memref<256x64xf32, #tpu.memory_space<hbm>>
    tpu.wait_dma2 semaphore(%arg12 : memref<!tpu.dma_semaphore, #tpu.memory_space<semaphore_mem>>) src(%dma_wait3A_45 : memref<256x64xf32, #tpu.memory_space<hbm>>) dst(%arg9 : memref<256x64xf32, #tpu.memory_space<vmem>>)
    %dma_wait3A_46 = arith.constant 0 : i32
    %dma_wait3A_47 = arith.constant 0 : i32
    %dma_wait3A_48 = tpu.memref_slice %arg4[%dma_wait3A_46, %dma_wait3A_47] : memref<1000000x64xf32, #tpu.memory_space<hbm>> -> memref<256x64xf32, #tpu.memory_space<hbm>>
    %dma_wait3A_49 = arith.constant 0 : i32
    %dma_wait3A_50 = arith.constant 0 : i32
    %dma_wait3A_51 = tpu.memref_slice %arg4[%dma_wait3A_49, %dma_wait3A_50] : memref<1000000x64xf32, #tpu.memory_space<hbm>> -> memref<256x64xf32, #tpu.memory_space<hbm>>
    tpu.wait_dma2 semaphore(%arg13 : memref<!tpu.dma_semaphore, #tpu.memory_space<semaphore_mem>>) src(%dma_wait3A_51 : memref<256x64xf32, #tpu.memory_space<hbm>>) dst(%arg10 : memref<256x64xf32, #tpu.memory_space<vmem>>)
    %scan3A_52 = arith.constant 0 : i32
    %scan3A_53 = arith.constant 0 : i32
    %scan3A_54 = arith.constant 64 : i32
    %scan3A_55 = arith.addi %scan3A_53, %scan3A_54 : i32
    %scan3A_56 = arith.constant 1 : i32
    %scan3A_57 = scf.for %scan3A_65 = %scan3A_53 to %scan3A_55 step %scan3A_56 iter_args(%scan3A_66 = %scan3A_52) -> (i32)  : i32 {
      %mul3A_67 = arith.constant 4 : i32
      %mul3A_68 = arith.muli %scan3A_65, %mul3A_67 : i32
      %add3A_69 = arith.constant 0 : i32
      %add3A_70 = arith.addi %mul3A_68, %add3A_69 : i32
      %get3A = arith.index_cast %add3A_70 : i32 to index
      %get3A_71 = arith.constant 0 : index
      %get3A_72 = tpu.vector_load %arg10[%get3A, %get3A_71] {strides = array<i32>} : memref<256x64xf32, #tpu.memory_space<vmem>>, vector<1x16xf32>,
      %get3A_73 = vector.shape_cast %get3A_72 : vector<1x16xf32> to vector<16xf32>
      %mul3A_74 = arith.constant 5.000000e-01 : f32
      %mul3A_75 = vector.broadcast %mul3A_74 : f32 to vector<16xf32>
      %mul3A_76 = arith.mulf %mul3A_75, %get3A_73 : vector<16xf32>
      %exp3A = math.exp %mul3A_76 : vector<16xf32>
      %add3A_77 = arith.constant 0 : i32
      %add3A_78 = arith.addi %mul3A_68, %add3A_77 : i32
      %swap3A = arith.index_cast %add3A_78 : i32 to index
      %swap3A_79 = arith.constant 0 : index
      %swap3A_80 = tpu.vector_load %arg11[%swap3A, %swap3A_79] {strides = array<i32>} : memref<256x64xf32, #tpu.memory_space<vmem>>, vector<1x16xf32>,
      %swap3A_81 = vector.shape_cast %swap3A_80 : vector<1x16xf32> to vector<16xf32>
      %swap3A_82 = vector.shape_cast %exp3A : vector<16xf32> to vector<1x16xf32>
      tpu.vector_store %arg11[%swap3A, %swap3A_79], %swap3A_82 {strides = array<i32>} : memref<256x64xf32, #tpu.memory_space<vmem>>, vector<1x16xf32>,
      %add3A_83 = arith.constant 0 : i32
      %add3A_84 = arith.addi %mul3A_68, %add3A_83 : i32
      %get3A_85 = arith.index_cast %add3A_84 : i32 to index
      %get3A_86 = arith.constant 16 : index
      %get3A_87 = tpu.vector_load %arg10[%get3A_85, %get3A_86] {strides = array<i32>} : memref<256x64xf32, #tpu.memory_space<vmem>>, vector<1x16xf32>,
      %get3A_88 = vector.shape_cast %get3A_87 : vector<1x16xf32> to vector<16xf32>
      %mul3A_89 = arith.constant 5.000000e-01 : f32
      %mul3A_90 = vector.broadcast %mul3A_89 : f32 to vector<16xf32>
      %mul3A_91 = arith.mulf %mul3A_90, %get3A_88 : vector<16xf32>
      %exp3A_92 = math.exp %mul3A_91 : vector<16xf32>
      %add3A_93 = arith.constant 0 : i32
      %add3A_94 = arith.addi %mul3A_68, %add3A_93 : i32
      %swap3A_95 = arith.index_cast %add3A_94 : i32 to index
      %swap3A_96 = arith.constant 16 : index
      %swap3A_97 = tpu.vector_load %arg11[%swap3A_95, %swap3A_96] {strides = array<i32>} : memref<256x64xf32, #tpu.memory_space<vmem>>, vector<1x16xf32>,
      %swap3A_98 = vector.shape_cast %swap3A_97 : vector<1x16xf32> to vector<16xf32>
      %swap3A_99 = vector.shape_cast %exp3A_92 : vector<16xf32> to vector<1x16xf32>
      tpu.vector_store %arg11[%swap3A_95, %swap3A_96], %swap3A_99 {strides = array<i32>} : memref<256x64xf32, #tpu.memory_space<vmem>>, vector<1x16xf32>,
      %add3A_100 = arith.constant 0 : i32
      %add3A_101 = arith.addi %mul3A_68, %add3A_100 : i32
      %get3A_102 = arith.index_cast %add3A_101 : i32 to index
      %get3A_103 = arith.constant 32 : index
      %get3A_104 = tpu.vector_load %arg10[%get3A_102, %get3A_103] {strides = array<i32>} : memref<256x64xf32, #tpu.memory_space<vmem>>, vector<1x16xf32>,
      %get3A_105 = vector.shape_cast %get3A_104 : vector<1x16xf32> to vector<16xf32>
      %mul3A_106 = arith.constant 5.000000e-01 : f32
      %mul3A_107 = vector.broadcast %mul3A_106 : f32 to vector<16xf32>
      %mul3A_108 = arith.mulf %mul3A_107, %get3A_105 : vector<16xf32>
      %exp3A_109 = math.exp %mul3A_108 : vector<16xf32>
      %add3A_110 = arith.constant 0 : i32
      %add3A_111 = arith.addi %mul3A_68, %add3A_110 : i32
      %swap3A_112 = arith.index_cast %add3A_111 : i32 to index
      %swap3A_113 = arith.constant 32 : index
      %swap3A_114 = tpu.vector_load %arg11[%swap3A_112, %swap3A_113] {strides = array<i32>} : memref<256x64xf32, #tpu.memory_space<vmem>>, vector<1x16xf32>,
      %swap3A_115 = vector.shape_cast %swap3A_114 : vector<1x16xf32> to vector<16xf32>
      %swap3A_116 = vector.shape_cast %exp3A_109 : vector<16xf32> to vector<1x16xf32>
      tpu.vector_store %arg11[%swap3A_112, %swap3A_113], %swap3A_116 {strides = array<i32>} : memref<256x64xf32, #tpu.memory_space<vmem>>, vector<1x16xf32>,
      %add3A_117 = arith.constant 0 : i32
      %add3A_118 = arith.addi %mul3A_68, %add3A_117 : i32
      %get3A_119 = arith.index_cast %add3A_118 : i32 to index
      %get3A_120 = arith.constant 48 : index
      %get3A_121 = tpu.vector_load %arg10[%get3A_119, %get3A_120] {strides = array<i32>} : memref<256x64xf32, #tpu.memory_space<vmem>>, vector<1x16xf32>,
      %get3A_122 = vector.shape_cast %get3A_121 : vector<1x16xf32> to vector<16xf32>
      %mul3A_123 = arith.constant 5.000000e-01 : f32
      %mul3A_124 = vector.broadcast %mul3A_123 : f32 to vector<16xf32>
      %mul3A_125 = arith.mulf %mul3A_124, %get3A_122 : vector<16xf32>
      %exp3A_126 = math.exp %mul3A_125 : vector<16xf32>
      %add3A_127 = arith.constant 0 : i32
      %add3A_128 = arith.addi %mul3A_68, %add3A_127 : i32
      %swap3A_129 = arith.index_cast %add3A_128 : i32 to index
      %swap3A_130 = arith.constant 48 : index
      %swap3A_131 = tpu.vector_load %arg11[%swap3A_129, %swap3A_130] {strides = array<i32>} : memref<256x64xf32, #tpu.memory_space<vmem>>, vector<1x16xf32>,
      %swap3A_132 = vector.shape_cast %swap3A_131 : vector<1x16xf32> to vector<16xf32>
      %swap3A_133 = vector.shape_cast %exp3A_126 : vector<16xf32> to vector<1x16xf32>
      tpu.vector_store %arg11[%swap3A_129, %swap3A_130], %swap3A_133 {strides = array<i32>} : memref<256x64xf32, #tpu.memory_space<vmem>>, vector<1x16xf32>,
      %add3A_134 = arith.constant 1 : i32
      %add3A_135 = arith.addi %mul3A_68, %add3A_134 : i32
      %get3A_136 = arith.index_cast %add3A_135 : i32 to index
      %get3A_137 = arith.constant 0 : index
      %get3A_138 = tpu.vector_load %arg10[%get3A_136, %get3A_137] {strides = array<i32>} : memref<256x64xf32, #tpu.memory_space<vmem>>, vector<1x16xf32>,
      %get3A_139 = vector.shape_cast %get3A_138 : vector<1x16xf32> to vector<16xf32>
      %mul3A_140 = arith.constant 5.000000e-01 : f32
      %mul3A_141 = vector.broadcast %mul3A_140 : f32 to vector<16xf32>
      %mul3A_142 = arith.mulf %mul3A_141, %get3A_139 : vector<16xf32>
      %exp3A_143 = math.exp %mul3A_142 : vector<16xf32>
      %add3A_144 = arith.constant 1 : i32
      %add3A_145 = arith.addi %mul3A_68, %add3A_144 : i32
      %swap3A_146 = arith.index_cast %add3A_145 : i32 to index
      %swap3A_147 = arith.constant 0 : index
      %swap3A_148 = tpu.vector_load %arg11[%swap3A_146, %swap3A_147] {strides = array<i32>} : memref<256x64xf32, #tpu.memory_space<vmem>>, vector<1x16xf32>,
      %swap3A_149 = vector.shape_cast %swap3A_148 : vector<1x16xf32> to vector<16xf32>
      %swap3A_150 = vector.shape_cast %exp3A_143 : vector<16xf32> to vector<1x16xf32>
      tpu.vector_store %arg11[%swap3A_146, %swap3A_147], %swap3A_150 {strides = array<i32>} : memref<256x64xf32, #tpu.memory_space<vmem>>, vector<1x16xf32>,
      %add3A_151 = arith.constant 1 : i32
      %add3A_152 = arith.addi %mul3A_68, %add3A_151 : i32
      %get3A_153 = arith.index_cast %add3A_152 : i32 to index
      %get3A_154 = arith.constant 16 : index
      %get3A_155 = tpu.vector_load %arg10[%get3A_153, %get3A_154] {strides = array<i32>} : memref<256x64xf32, #tpu.memory_space<vmem>>, vector<1x16xf32>,
      %get3A_156 = vector.shape_cast %get3A_155 : vector<1x16xf32> to vector<16xf32>
      %mul3A_157 = arith.constant 5.000000e-01 : f32
      %mul3A_158 = vector.broadcast %mul3A_157 : f32 to vector<16xf32>
      %mul3A_159 = arith.mulf %mul3A_158, %get3A_156 : vector<16xf32>
      %exp3A_160 = math.exp %mul3A_159 : vector<16xf32>
      %add3A_161 = arith.constant 1 : i32
      %add3A_162 = arith.addi %mul3A_68, %add3A_161 : i32
      %swap3A_163 = arith.index_cast %add3A_162 : i32 to index
      %swap3A_164 = arith.constant 16 : index
      %swap3A_165 = tpu.vector_load %arg11[%swap3A_163, %swap3A_164] {strides = array<i32>} : memref<256x64xf32, #tpu.memory_space<vmem>>, vector<1x16xf32>,
      %swap3A_166 = vector.shape_cast %swap3A_165 : vector<1x16xf32> to vector<16xf32>
      %swap3A_167 = vector.shape_cast %exp3A_160 : vector<16xf32> to vector<1x16xf32>
      tpu.vector_store %arg11[%swap3A_163, %swap3A_164], %swap3A_167 {strides = array<i32>} : memref<256x64xf32, #tpu.memory_space<vmem>>, vector<1x16xf32>,
      %add3A_168 = arith.constant 1 : i32
      %add3A_169 = arith.addi %mul3A_68, %add3A_168 : i32
      %get3A_170 = arith.index_cast %add3A_169 : i32 to index
      %get3A_171 = arith.constant 32 : index
      %get3A_172 = tpu.vector_load %arg10[%get3A_170, %get3A_171] {strides = array<i32>} : memref<256x64xf32, #tpu.memory_space<vmem>>, vector<1x16xf32>,
      %get3A_173 = vector.shape_cast %get3A_172 : vector<1x16xf32> to vector<16xf32>
      %mul3A_174 = arith.constant 5.000000e-01 : f32
      %mul3A_175 = vector.broadcast %mul3A_174 : f32 to vector<16xf32>
      %mul3A_176 = arith.mulf %mul3A_175, %get3A_173 : vector<16xf32>
      %exp3A_177 = math.exp %mul3A_176 : vector<16xf32>
      %add3A_178 = arith.constant 1 : i32
      %add3A_179 = arith.addi %mul3A_68, %add3A_178 : i32
      %swap3A_180 = arith.index_cast %add3A_179 : i32 to index
      %swap3A_181 = arith.constant 32 : index
      %swap3A_182 = tpu.vector_load %arg11[%swap3A_180, %swap3A_181] {strides = array<i32>} : memref<256x64xf32, #tpu.memory_space<vmem>>, vector<1x16xf32>,
      %swap3A_183 = vector.shape_cast %swap3A_182 : vector<1x16xf32> to vector<16xf32>
      %swap3A_184 = vector.shape_cast %exp3A_177 : vector<16xf32> to vector<1x16xf32>
      tpu.vector_store %arg11[%swap3A_180, %swap3A_181], %swap3A_184 {strides = array<i32>} : memref<256x64xf32, #tpu.memory_space<vmem>>, vector<1x16xf32>,
      %add3A_185 = arith.constant 1 : i32
      %add3A_186 = arith.addi %mul3A_68, %add3A_185 : i32
      %get3A_187 = arith.index_cast %add3A_186 : i32 to index
      %get3A_188 = arith.constant 48 : index
      %get3A_189 = tpu.vector_load %arg10[%get3A_187, %get3A_188] {strides = array<i32>} : memref<256x64xf32, #tpu.memory_space<vmem>>, vector<1x16xf32>,
      %get3A_190 = vector.shape_cast %get3A_189 : vector<1x16xf32> to vector<16xf32>
      %mul3A_191 = arith.constant 5.000000e-01 : f32
      %mul3A_192 = vector.broadcast %mul3A_191 : f32 to vector<16xf32>
      %mul3A_193 = arith.mulf %mul3A_192, %get3A_190 : vector<16xf32>
      %exp3A_194 = math.exp %mul3A_193 : vector<16xf32>
      %add3A_195 = arith.constant 1 : i32
      %add3A_196 = arith.addi %mul3A_68, %add3A_195 : i32
      %swap3A_197 = arith.index_cast %add3A_196 : i32 to index
      %swap3A_198 = arith.constant 48 : index
      %swap3A_199 = tpu.vector_load %arg11[%swap3A_197, %swap3A_198] {strides = array<i32>} : memref<256x64xf32, #tpu.memory_space<vmem>>, vector<1x16xf32>,
      %swap3A_200 = vector.shape_cast %swap3A_199 : vector<1x16xf32> to vector<16xf32>
      %swap3A_201 = vector.shape_cast %exp3A_194 : vector<16xf32> to vector<1x16xf32>
      tpu.vector_store %arg11[%swap3A_197, %swap3A_198], %swap3A_201 {strides = array<i32>} : memref<256x64xf32, #tpu.memory_space<vmem>>, vector<1x16xf32>,
      %add3A_202 = arith.constant 2 : i32
      %add3A_203 = arith.addi %mul3A_68, %add3A_202 : i32
      %get3A_204 = arith.index_cast %add3A_203 : i32 to index
      %get3A_205 = arith.constant 0 : index
      %get3A_206 = tpu.vector_load %arg10[%get3A_204, %get3A_205] {strides = array<i32>} : memref<256x64xf32, #tpu.memory_space<vmem>>, vector<1x16xf32>,
      %get3A_207 = vector.shape_cast %get3A_206 : vector<1x16xf32> to vector<16xf32>
      %mul3A_208 = arith.constant 5.000000e-01 : f32
      %mul3A_209 = vector.broadcast %mul3A_208 : f32 to vector<16xf32>
      %mul3A_210 = arith.mulf %mul3A_209, %get3A_207 : vector<16xf32>
      %exp3A_211 = math.exp %mul3A_210 : vector<16xf32>
      %add3A_212 = arith.constant 2 : i32
      %add3A_213 = arith.addi %mul3A_68, %add3A_212 : i32
      %swap3A_214 = arith.index_cast %add3A_213 : i32 to index
      %swap3A_215 = arith.constant 0 : index
      %swap3A_216 = tpu.vector_load %arg11[%swap3A_214, %swap3A_215] {strides = array<i32>} : memref<256x64xf32, #tpu.memory_space<vmem>>, vector<1x16xf32>,
      %swap3A_217 = vector.shape_cast %swap3A_216 : vector<1x16xf32> to vector<16xf32>
      %swap3A_218 = vector.shape_cast %exp3A_211 : vector<16xf32> to vector<1x16xf32>
      tpu.vector_store %arg11[%swap3A_214, %swap3A_215], %swap3A_218 {strides = array<i32>} : memref<256x64xf32, #tpu.memory_space<vmem>>, vector<1x16xf32>,
      %add3A_219 = arith.constant 2 : i32
      %add3A_220 = arith.addi %mul3A_68, %add3A_219 : i32
      %get3A_221 = arith.index_cast %add3A_220 : i32 to index
      %get3A_222 = arith.constant 16 : index
      %get3A_223 = tpu.vector_load %arg10[%get3A_221, %get3A_222] {strides = array<i32>} : memref<256x64xf32, #tpu.memory_space<vmem>>, vector<1x16xf32>,
      %get3A_224 = vector.shape_cast %get3A_223 : vector<1x16xf32> to vector<16xf32>
      %mul3A_225 = arith.constant 5.000000e-01 : f32
      %mul3A_226 = vector.broadcast %mul3A_225 : f32 to vector<16xf32>
      %mul3A_227 = arith.mulf %mul3A_226, %get3A_224 : vector<16xf32>
      %exp3A_228 = math.exp %mul3A_227 : vector<16xf32>
      %add3A_229 = arith.constant 2 : i32
      %add3A_230 = arith.addi %mul3A_68, %add3A_229 : i32
      %swap3A_231 = arith.index_cast %add3A_230 : i32 to index
      %swap3A_232 = arith.constant 16 : index
      %swap3A_233 = tpu.vector_load %arg11[%swap3A_231, %swap3A_232] {strides = array<i32>} : memref<256x64xf32, #tpu.memory_space<vmem>>, vector<1x16xf32>,
      %swap3A_234 = vector.shape_cast %swap3A_233 : vector<1x16xf32> to vector<16xf32>
      %swap3A_235 = vector.shape_cast %exp3A_228 : vector<16xf32> to vector<1x16xf32>
      tpu.vector_store %arg11[%swap3A_231, %swap3A_232], %swap3A_235 {strides = array<i32>} : memref<256x64xf32, #tpu.memory_space<vmem>>, vector<1x16xf32>,
      %add3A_236 = arith.constant 2 : i32
      %add3A_237 = arith.addi %mul3A_68, %add3A_236 : i32
      %get3A_238 = arith.index_cast %add3A_237 : i32 to index
      %get3A_239 = arith.constant 32 : index
      %get3A_240 = tpu.vector_load %arg10[%get3A_238, %get3A_239] {strides = array<i32>} : memref<256x64xf32, #tpu.memory_space<vmem>>, vector<1x16xf32>,
      %get3A_241 = vector.shape_cast %get3A_240 : vector<1x16xf32> to vector<16xf32>
      %mul3A_242 = arith.constant 5.000000e-01 : f32
      %mul3A_243 = vector.broadcast %mul3A_242 : f32 to vector<16xf32>
      %mul3A_244 = arith.mulf %mul3A_243, %get3A_241 : vector<16xf32>
      %exp3A_245 = math.exp %mul3A_244 : vector<16xf32>
      %add3A_246 = arith.constant 2 : i32
      %add3A_247 = arith.addi %mul3A_68, %add3A_246 : i32
      %swap3A_248 = arith.index_cast %add3A_247 : i32 to index
      %swap3A_249 = arith.constant 32 : index
      %swap3A_250 = tpu.vector_load %arg11[%swap3A_248, %swap3A_249] {strides = array<i32>} : memref<256x64xf32, #tpu.memory_space<vmem>>, vector<1x16xf32>,
      %swap3A_251 = vector.shape_cast %swap3A_250 : vector<1x16xf32> to vector<16xf32>
      %swap3A_252 = vector.shape_cast %exp3A_245 : vector<16xf32> to vector<1x16xf32>
      tpu.vector_store %arg11[%swap3A_248, %swap3A_249], %swap3A_252 {strides = array<i32>} : memref<256x64xf32, #tpu.memory_space<vmem>>, vector<1x16xf32>,
      %add3A_253 = arith.constant 2 : i32
      %add3A_254 = arith.addi %mul3A_68, %add3A_253 : i32
      %get3A_255 = arith.index_cast %add3A_254 : i32 to index
      %get3A_256 = arith.constant 48 : index
      %get3A_257 = tpu.vector_load %arg10[%get3A_255, %get3A_256] {strides = array<i32>} : memref<256x64xf32, #tpu.memory_space<vmem>>, vector<1x16xf32>,
      %get3A_258 = vector.shape_cast %get3A_257 : vector<1x16xf32> to vector<16xf32>
      %mul3A_259 = arith.constant 5.000000e-01 : f32
      %mul3A_260 = vector.broadcast %mul3A_259 : f32 to vector<16xf32>
      %mul3A_261 = arith.mulf %mul3A_260, %get3A_258 : vector<16xf32>
      %exp3A_262 = math.exp %mul3A_261 : vector<16xf32>
      %add3A_263 = arith.constant 2 : i32
      %add3A_264 = arith.addi %mul3A_68, %add3A_263 : i32
      %swap3A_265 = arith.index_cast %add3A_264 : i32 to index
      %swap3A_266 = arith.constant 48 : index
      %swap3A_267 = tpu.vector_load %arg11[%swap3A_265, %swap3A_266] {strides = array<i32>} : memref<256x64xf32, #tpu.memory_space<vmem>>, vector<1x16xf32>,
      %swap3A_268 = vector.shape_cast %swap3A_267 : vector<1x16xf32> to vector<16xf32>
      %swap3A_269 = vector.shape_cast %exp3A_262 : vector<16xf32> to vector<1x16xf32>
      tpu.vector_store %arg11[%swap3A_265, %swap3A_266], %swap3A_269 {strides = array<i32>} : memref<256x64xf32, #tpu.memory_space<vmem>>, vector<1x16xf32>,
      %add3A_270 = arith.constant 3 : i32
      %add3A_271 = arith.addi %mul3A_68, %add3A_270 : i32
      %get3A_272 = arith.index_cast %add3A_271 : i32 to index
      %get3A_273 = arith.constant 0 : index
      %get3A_274 = tpu.vector_load %arg10[%get3A_272, %get3A_273] {strides = array<i32>} : memref<256x64xf32, #tpu.memory_space<vmem>>, vector<1x16xf32>,
      %get3A_275 = vector.shape_cast %get3A_274 : vector<1x16xf32> to vector<16xf32>
      %mul3A_276 = arith.constant 5.000000e-01 : f32
      %mul3A_277 = vector.broadcast %mul3A_276 : f32 to vector<16xf32>
      %mul3A_278 = arith.mulf %mul3A_277, %get3A_275 : vector<16xf32>
      %exp3A_279 = math.exp %mul3A_278 : vector<16xf32>
      %add3A_280 = arith.constant 3 : i32
      %add3A_281 = arith.addi %mul3A_68, %add3A_280 : i32
      %swap3A_282 = arith.index_cast %add3A_281 : i32 to index
      %swap3A_283 = arith.constant 0 : index
      %swap3A_284 = tpu.vector_load %arg11[%swap3A_282, %swap3A_283] {strides = array<i32>} : memref<256x64xf32, #tpu.memory_space<vmem>>, vector<1x16xf32>,
      %swap3A_285 = vector.shape_cast %swap3A_284 : vector<1x16xf32> to vector<16xf32>
      %swap3A_286 = vector.shape_cast %exp3A_279 : vector<16xf32> to vector<1x16xf32>
      tpu.vector_store %arg11[%swap3A_282, %swap3A_283], %swap3A_286 {strides = array<i32>} : memref<256x64xf32, #tpu.memory_space<vmem>>, vector<1x16xf32>,
      %add3A_287 = arith.constant 3 : i32
      %add3A_288 = arith.addi %mul3A_68, %add3A_287 : i32
      %get3A_289 = arith.index_cast %add3A_288 : i32 to index
      %get3A_290 = arith.constant 16 : index
      %get3A_291 = tpu.vector_load %arg10[%get3A_289, %get3A_290] {strides = array<i32>} : memref<256x64xf32, #tpu.memory_space<vmem>>, vector<1x16xf32>,
      %get3A_292 = vector.shape_cast %get3A_291 : vector<1x16xf32> to vector<16xf32>
      %mul3A_293 = arith.constant 5.000000e-01 : f32
      %mul3A_294 = vector.broadcast %mul3A_293 : f32 to vector<16xf32>
      %mul3A_295 = arith.mulf %mul3A_294, %get3A_292 : vector<16xf32>
      %exp3A_296 = math.exp %mul3A_295 : vector<16xf32>
      %add3A_297 = arith.constant 3 : i32
      %add3A_298 = arith.addi %mul3A_68, %add3A_297 : i32
      %swap3A_299 = arith.index_cast %add3A_298 : i32 to index
      %swap3A_300 = arith.constant 16 : index
      %swap3A_301 = tpu.vector_load %arg11[%swap3A_299, %swap3A_300] {strides = array<i32>} : memref<256x64xf32, #tpu.memory_space<vmem>>, vector<1x16xf32>,
      %swap3A_302 = vector.shape_cast %swap3A_301 : vector<1x16xf32> to vector<16xf32>
      %swap3A_303 = vector.shape_cast %exp3A_296 : vector<16xf32> to vector<1x16xf32>
      tpu.vector_store %arg11[%swap3A_299, %swap3A_300], %swap3A_303 {strides = array<i32>} : memref<256x64xf32, #tpu.memory_space<vmem>>, vector<1x16xf32>,
      %add3A_304 = arith.constant 3 : i32
      %add3A_305 = arith.addi %mul3A_68, %add3A_304 : i32
      %get3A_306 = arith.index_cast %add3A_305 : i32 to index
      %get3A_307 = arith.constant 32 : index
      %get3A_308 = tpu.vector_load %arg10[%get3A_306, %get3A_307] {strides = array<i32>} : memref<256x64xf32, #tpu.memory_space<vmem>>, vector<1x16xf32>,
      %get3A_309 = vector.shape_cast %get3A_308 : vector<1x16xf32> to vector<16xf32>
      %mul3A_310 = arith.constant 5.000000e-01 : f32
      %mul3A_311 = vector.broadcast %mul3A_310 : f32 to vector<16xf32>
      %mul3A_312 = arith.mulf %mul3A_311, %get3A_309 : vector<16xf32>
      %exp3A_313 = math.exp %mul3A_312 : vector<16xf32>
      %add3A_314 = arith.constant 3 : i32
      %add3A_315 = arith.addi %mul3A_68, %add3A_314 : i32
      %swap3A_316 = arith.index_cast %add3A_315 : i32 to index
      %swap3A_317 = arith.constant 32 : index
      %swap3A_318 = tpu.vector_load %arg11[%swap3A_316, %swap3A_317] {strides = array<i32>} : memref<256x64xf32, #tpu.memory_space<vmem>>, vector<1x16xf32>,
      %swap3A_319 = vector.shape_cast %swap3A_318 : vector<1x16xf32> to vector<16xf32>
      %swap3A_320 = vector.shape_cast %exp3A_313 : vector<16xf32> to vector<1x16xf32>
      tpu.vector_store %arg11[%swap3A_316, %swap3A_317], %swap3A_320 {strides = array<i32>} : memref<256x64xf32, #tpu.memory_space<vmem>>, vector<1x16xf32>,
      %add3A_321 = arith.constant 3 : i32
      %add3A_322 = arith.addi %mul3A_68, %add3A_321 : i32
      %get3A_323 = arith.index_cast %add3A_322 : i32 to index
      %get3A_324 = arith.constant 48 : index
      %get3A_325 = tpu.vector_load %arg10[%get3A_323, %get3A_324] {strides = array<i32>} : memref<256x64xf32, #tpu.memory_space<vmem>>, vector<1x16xf32>,
      %get3A_326 = vector.shape_cast %get3A_325 : vector<1x16xf32> to vector<16xf32>
      %mul3A_327 = arith.constant 5.000000e-01 : f32
      %mul3A_328 = vector.broadcast %mul3A_327 : f32 to vector<16xf32>
      %mul3A_329 = arith.mulf %mul3A_328, %get3A_326 : vector<16xf32>
      %exp3A_330 = math.exp %mul3A_329 : vector<16xf32>
      %add3A_331 = arith.constant 3 : i32
      %add3A_332 = arith.addi %mul3A_68, %add3A_331 : i32
      %swap3A_333 = arith.index_cast %add3A_332 : i32 to index
      %swap3A_334 = arith.constant 48 : index
      %swap3A_335 = tpu.vector_load %arg11[%swap3A_333, %swap3A_334] {strides = array<i32>} : memref<256x64xf32, #tpu.memory_space<vmem>>, vector<1x16xf32>,
      %swap3A_336 = vector.shape_cast %swap3A_335 : vector<1x16xf32> to vector<16xf32>
      %swap3A_337 = vector.shape_cast %exp3A_330 : vector<16xf32> to vector<1x16xf32>
      tpu.vector_store %arg11[%swap3A_333, %swap3A_334], %swap3A_337 {strides = array<i32>} : memref<256x64xf32, #tpu.memory_space<vmem>>, vector<1x16xf32>,
      %scan3A_338 = arith.constant 0 : i32
      scf.yield %scan3A_338 : i32
    }
    %scan3A_58 = arith.constant 64 : i32
    %add3A_59 = arith.constant 256 : i32
    %add3A_60 = arith.addi %mul3A_2, %add3A_59 : i32
    "tpu.region"() ({
      %run_scoped3A = tpu.sem_alloc : memref<!tpu.dma_semaphore, #tpu.memory_space<semaphore_mem>>
      %dma_start3A = arith.constant 0 : i32
      %dma_start3A_65 = tpu.memref_slice %arg5[%add3A_60, %dma_start3A] : memref<16384x64xf32, #tpu.memory_space<hbm>> -> memref<256x64xf32, #tpu.memory_space<hbm>>
      %dma_start3A_66 = arith.constant 0 : i32
      %dma_start3A_67 = tpu.memref_slice %arg5[%add3A_60, %dma_start3A_66] : memref<16384x64xf32, #tpu.memory_space<hbm>> -> memref<256x64xf32, #tpu.memory_space<hbm>>
      tpu.enqueue_dma source(%arg9 : memref<256x64xf32, #tpu.memory_space<vmem>>) target(%dma_start3A_67 : memref<256x64xf32, #tpu.memory_space<hbm>>) target_semaphore(%run_scoped3A : memref<!tpu.dma_semaphore, #tpu.memory_space<semaphore_mem>>)
      %dma_wait3A_68 = arith.constant 0 : i32
      %dma_wait3A_69 = tpu.memref_slice %arg5[%add3A_60, %dma_wait3A_68] : memref<16384x64xf32, #tpu.memory_space<hbm>> -> memref<256x64xf32, #tpu.memory_space<hbm>>
      %dma_wait3A_70 = arith.constant 0 : i32
      %dma_wait3A_71 = tpu.memref_slice %arg5[%add3A_60, %dma_wait3A_70] : memref<16384x64xf32, #tpu.memory_space<hbm>> -> memref<256x64xf32, #tpu.memory_space<hbm>>
      tpu.wait_dma2 semaphore(%run_scoped3A : memref<!tpu.dma_semaphore, #tpu.memory_space<semaphore_mem>>) src(%arg9 : memref<256x64xf32, #tpu.memory_space<vmem>>) dst(%dma_wait3A_71 : memref<256x64xf32, #tpu.memory_space<hbm>>)
      tpu.yield
    }) : () -> ()
    %add3A_61 = arith.constant 256 : i32
    %add3A_62 = arith.addi %mul3A_2, %add3A_61 : i32
    "tpu.region"() ({
      %run_scoped3A = tpu.sem_alloc : memref<!tpu.dma_semaphore, #tpu.memory_space<semaphore_mem>>
      %dma_start3A = arith.constant 0 : i32
      %dma_start3A_65 = tpu.memref_slice %arg6[%add3A_62, %dma_start3A] : memref<16384x64xf32, #tpu.memory_space<hbm>> -> memref<256x64xf32, #tpu.memory_space<hbm>>
      %dma_start3A_66 = arith.constant 0 : i32
      %dma_start3A_67 = tpu.memref_slice %arg6[%add3A_62, %dma_start3A_66] : memref<16384x64xf32, #tpu.memory_space<hbm>> -> memref<256x64xf32, #tpu.memory_space<hbm>>
      tpu.enqueue_dma source(%arg10 : memref<256x64xf32, #tpu.memory_space<vmem>>) target(%dma_start3A_67 : memref<256x64xf32, #tpu.memory_space<hbm>>) target_semaphore(%run_scoped3A : memref<!tpu.dma_semaphore, #tpu.memory_space<semaphore_mem>>)
      %dma_wait3A_68 = arith.constant 0 : i32
      %dma_wait3A_69 = tpu.memref_slice %arg6[%add3A_62, %dma_wait3A_68] : memref<16384x64xf32, #tpu.memory_space<hbm>> -> memref<256x64xf32, #tpu.memory_space<hbm>>
      %dma_wait3A_70 = arith.constant 0 : i32
      %dma_wait3A_71 = tpu.memref_slice %arg6[%add3A_62, %dma_wait3A_70] : memref<16384x64xf32, #tpu.memory_space<hbm>> -> memref<256x64xf32, #tpu.memory_space<hbm>>
      tpu.wait_dma2 semaphore(%run_scoped3A : memref<!tpu.dma_semaphore, #tpu.memory_space<semaphore_mem>>) src(%arg10 : memref<256x64xf32, #tpu.memory_space<vmem>>) dst(%dma_wait3A_71 : memref<256x64xf32, #tpu.memory_space<hbm>>)
      tpu.yield
    }) : () -> ()
    %add3A_63 = arith.constant 256 : i32
    %add3A_64 = arith.addi %mul3A_2, %add3A_63 : i32
    "tpu.region"() ({
      %run_scoped3A = tpu.sem_alloc : memref<!tpu.dma_semaphore, #tpu.memory_space<semaphore_mem>>
      %dma_start3A = arith.constant 0 : i32
      %dma_start3A_65 = tpu.memref_slice %arg7[%add3A_64, %dma_start3A] : memref<16384x64xf32, #tpu.memory_space<hbm>> -> memref<256x64xf32, #tpu.memory_space<hbm>>
      %dma_start3A_66 = arith.constant 0 : i32
      %dma_start3A_67 = tpu.memref_slice %arg7[%add3A_64, %dma_start3A_66] : memref<16384x64xf32, #tpu.memory_space<hbm>> -> memref<256x64xf32, #tpu.memory_space<hbm>>
      tpu.enqueue_dma source(%arg11 : memref<256x64xf32, #tpu.memory_space<vmem>>) target(%dma_start3A_67 : memref<256x64xf32, #tpu.memory_space<hbm>>) target_semaphore(%run_scoped3A : memref<!tpu.dma_semaphore, #tpu.memory_space<semaphore_mem>>)
      %dma_wait3A_68 = arith.constant 0 : i32
      %dma_wait3A_69 = tpu.memref_slice %arg7[%add3A_64, %dma_wait3A_68] : memref<16384x64xf32, #tpu.memory_space<hbm>> -> memref<256x64xf32, #tpu.memory_space<hbm>>
      %dma_wait3A_70 = arith.constant 0 : i32
      %dma_wait3A_71 = tpu.memref_slice %arg7[%add3A_64, %dma_wait3A_70] : memref<16384x64xf32, #tpu.memory_space<hbm>> -> memref<256x64xf32, #tpu.memory_space<hbm>>
      tpu.wait_dma2 semaphore(%run_scoped3A : memref<!tpu.dma_semaphore, #tpu.memory_space<semaphore_mem>>) src(%arg11 : memref<256x64xf32, #tpu.memory_space<vmem>>) dst(%dma_wait3A_71 : memref<256x64xf32, #tpu.memory_space<hbm>>)
      tpu.yield
    }) : () -> ()
    return
  }
}

</mosaic_0001>

<sc_bundles>
// kernel: _sc_lookup.3.cloned.1.call-start
scs
__scs_entry_jumppad:
0x0: {  	(pc) =	sbr.rel $0x88, $3  }
0x1: {  	(tag) =	ssettag $0x0;
	lr =	simm.s32 $0x1  }
0x2: {  	[smem:$0x3F9E] =	sst lr;
	_ =	strace $0xD0000000  }
0x3: {  	_ = 	snop  }
0x4: {  	_ = 	snop  }
0x5: {  	_ = 	snop  }
0x6: {  	_ = 	snop  }
0x7: {  	_ = 	snop  }
__scs_overlays_trampoline_lowered:
0x8: {  	[smem:$0x3FAD] =	sst s0  }
0x9: {  	[smem:$0x3FAE] =	sst s1  }
0xa: {  	[smem:$0x3FAF] =	sst s2  }
0xb: {  	[smem:$0x3FB0] =	sst s3  }
0xc: {  	[smem:$0x3FB1] =	sst s4  }
0xd: {  	[smem:$0x3FB2] =	sst s5  }
0xe: {  	[smem:$0x3FB3] =	sst s6  }
0xf: {  	[smem:$0x3FB4] =	sst s7  }
0x10: {  	[smem:$0x3FB5] =	sst s8  }
0x11: {  	[smem:$0x3FB6] =	sst s9;
	s0 =	simm.s32 @!p0 $0x0  }
0x12: {  	s1 =	sld [smem:$0x3F9C];
	s0 =	simm.s32 @p0 $0x1  }
0x13: {  	[smem:$0x3FB7] =	sst s0;
	s0 =	simm.s32 @!p1 $0x0  }
0x14: {  	s2 =	sld [smem:$0x3F9B];
	s0 =	simm.s32 @p1 $0x1  }
0x15: {  	[smem:$0x3FB8] =	sst s0;
	s0 =	simm.s32 @!p2 $0x0  }
0x16: {  	s3 =	sld [smem:$0x3FDB];
	s0 =	simm.s32 @p2 $0x1  }
0x17: {  	s4 =	simm.s32 $0x1BF5;
	[smem:$0x3FBA] =	sst s0  }
0x18: {  	s0 =	sld [smem:$0x3F9D];
	_ =	swait.ge [sflag:s4], $0x0  }
0x19: {  	s7 =	sld [smem:$0x3F9E]  }
0x1a: {  	s8 =	sadd.s32 $0xFFFFE003, lr  }
0x1b: {  	s9 =	sadd.s32 $0xFFFFFEF7, lr;
	s5 =	simm.s32 $0xFFFFFFFF;
	p2 =	slt.u32 s8, $0xFFFFF086  }
0x1c: {  	p1 =	slt.u32 s9, $0xF7A;
	s5 =	simm.s32 @!p2 $0x0  }
0x1d: {  	s5 =	simm.s32 @p1 $0x1;
	p0 =	seq.s32 s7, s2  }
0x1e: {  	s7 =	smul.u32 @!p0 $0xF7A, s2;
	p2 =	seq.s32 @!p0 s5, $0x0  }
0x1f: {  	s9 =	smul.u32 $0xF7A, s1;
	s8 =	simm.s32 @!p0 $0x1BF5;
	p2 =	por !p2, p0  }
0x20: {  	[sflag:s8] =	ssyncset.s32 @!p0 $0xFFFFF086;
	s6 =	sadd.s32 @!p0 s3, s7;
	s7 =	simm.s32 @!p0 $0x108  }
0x21: {  	s3 =	sadd.s32 s3, s9;
	s6 =	sadd.s32 @!p0 $0x88, s6;
	s7 =	simm.s32 @p2 $0x1082  }
0x22: {  	[simem:s7], [sflag:s8] =	dma.local @!p0 [hbm:s6], $0xF7A  }
0x23: {  	s9 =	sor.u32 $0xD0000000, s2;
	s6 =	simm.s32 $0x108;
	_ =	swait.ge @!p0 [sflag:s8], $0x0  }
0x24: {  	s3 =	sadd.s32 $0x88, s3;
	s6 =	simm.s32 @!p1 $0x1082;
	[sflag:s4] =	ssyncset.s32 $0xFFFFF086  }
0x25: {  	[simem:s6], [sflag:s4] =	dma.local [hbm:s3], $0xF7A  }
0x26: {  	[smem:$0x3F9E] =	sst s1;
	(tag) =	ssettag s2;
	_ =	strace s9  }
0x27: {  	s1 =	sld [smem:$0x3FAE]  }
0x28: {  	s2 =	sld [smem:$0x3FAF]  }
0x29: {  	s4 =	sld [smem:$0x3FB1]  }
0x2a: {  	p0 =	seq.s32 s5, $0x0;
	s5 =	sld [smem:$0x3FB2]  }
0x2b: {  	s6 =	sld [smem:$0x3FB3]  }
0x2c: {  	s7 =	sld [smem:$0x3FB4]  }
0x2d: {  	s3 =	simm.s32 $0x108;
	s8 =	sld [smem:$0x3FB5]  }
0x2e: {  	s3 =	simm.s32 @!p0 $0x1082;
	s9 =	sld [smem:$0x3FB6]  }
0x2f: {  	lr =	sadd.s32 s0, s3;
	s0 =	sld [smem:$0x3FAD]  }
0x30: {  	s3 =	sld [smem:$0x3FB0]  }
0x31: {  	[smem:$0x3FB9] =	sst s10  }
0x32: {  	s10 =	sld [smem:$0x3FB7];
	_ =	sdelay $0x3  }
0x33: {  	p0 =	seq.s32 s10, $0x1;
	s10 =	sld [smem:$0x3FB9];
	_ =	sdelay $0x3  }
0x34: {  	[smem:$0x3FB9] =	sst s10  }
0x35: {  	s10 =	sld [smem:$0x3FB8];
	_ =	sdelay $0x3  }
0x36: {  	p1 =	seq.s32 s10, $0x1;
	s10 =	sld [smem:$0x3FB9];
	_ =	sdelay $0x3  }
0x37: {  	[smem:$0x3FB9] =	sst s10  }
0x38: {  	s10 =	sld [smem:$0x3FBA]  }
0x39: {  	_ = 	snop;
	(pc) =	sbr.ind lr, $3  }
0x3a: {  	_ = 	snop  }
0x3b: {  	_ = 	snop  }
0x3c: {  	p2 =	seq.s32 s10, $0x1;
	s10 =	sld [smem:$0x3FB9]  }
0x3d: {  	_ =	shalt  }
0x3e: {  	_ =	shalt  }
0x3f: {  	_ =	shalt  }
0x40: {  	_ =	shalt  }
0x41: {  	_ =	shalt  }
0x42: {  	_ =	shalt  }
0x43: {  	_ =	shalt  }
0x44: {  	_ =	shalt  }
0x45: {  	_ =	shalt  }
0x46: {  	_ =	shalt  }
0x47: {  	_ =	shalt  }
0x48: {  	_ =	shalt  }
0x49: {  	_ =	shalt  }
0x4a: {  	_ =	shalt  }
0x4b: {  	_ =	shalt  }
0x4c: {  	_ =	shalt  }
0x4d: {  	_ =	shalt  }
0x4e: {  	_ =	shalt  }
0x4f: {  	_ =	shalt  }
0x50: {  	_ =	shalt  }
0x51: {  	_ =	shalt  }
0x52: {  	_ =	shalt  }
0x53: {  	_ =	shalt  }
0x54: {  	_ =	shalt  }
0x55: {  	_ =	shalt  }
0x56: {  	_ =	shalt  }
0x57: {  	_ =	shalt  }
0x58: {  	_ =	shalt  }
0x59: {  	_ =	shalt  }
0x5a: {  	_ =	shalt  }
0x5b: {  	_ =	shalt  }
0x5c: {  	_ =	shalt  }
0x5d: {  	_ =	shalt  }
0x5e: {  	_ =	shalt  }
0x5f: {  	_ =	shalt  }
0x60: {  	_ =	shalt  }
0x61: {  	_ =	shalt  }
0x62: {  	_ =	shalt  }
0x63: {  	_ =	shalt  }
0x64: {  	_ =	shalt  }
0x65: {  	_ =	shalt  }
0x66: {  	_ =	shalt  }
0x67: {  	_ =	shalt  }
0x68: {  	_ =	shalt  }
0x69: {  	_ =	shalt  }
0x6a: {  	_ =	shalt  }
0x6b: {  	_ =	shalt  }
0x6c: {  	_ =	shalt  }
0x6d: {  	_ =	shalt  }
0x6e: {  	_ =	shalt  }
0x6f: {  	_ =	shalt  }
0x70: {  	_ =	shalt  }
0x71: {  	_ =	shalt  }
0x72: {  	_ =	shalt  }
0x73: {  	_ =	shalt  }
0x74: {  	_ =	shalt  }
0x75: {  	_ =	shalt  }
0x76: {  	_ =	shalt  }
0x77: {  	_ =	shalt  }
0x78: {  	_ =	shalt  }
0x79: {  	_ =	shalt  }
0x7a: {  	_ =	shalt  }
0x7b: {  	_ =	shalt  }
0x7c: {  	_ =	shalt  }
0x7d: {  	_ =	shalt  }
0x7e: {  	_ =	shalt  }
0x7f: {  	_ =	shalt  }
0x80: {  	_ =	shalt  }
0x81: {  	_ =	shalt  }
0x82: {  	_ =	shalt  }
0x83: {  	_ =	shalt  }
0x84: {  	_ =	shalt  }
0x85: {  	_ =	shalt  }
0x86: {  	_ =	shalt  }
0x87: {  	_ =	shalt  }
.Lfunc_end0:
.L_simem_size_0:
called_computation_lowered:
.L_overlay_start_0:
0x88: {  	s2 =	sld [smem:$0x3FD9]  }
0x89: {  	s3 =	sld [smem:$0x3FFE];
	_ =	sdelay $0x1  }
0x8a: {  	s1 =	srdreg.scid  }
0x8b: {  	s0 =	sand.u32 $0x1, s1  }
0x8c: {  	s17 =	sshll.u32 s0, $0xA;
	s2 =	sadd.s32 s3, s2  }
0x8d: {  	s2 =	sadd.s32 s2, s17  }
0x8e: {  	[smem:$0x3FC5] =	sst s2  }
0x8f: {  	_ = 	snop  }
0x90: {  	s2 =	sld [smem:$0x3FC9];
	(tm) =	ssettm $0x1  }
0x91: {  	s18 =	sld [smem:$0x3FFB];
	_ =	sdelay $0x3  }
0x92: {  	_ =	strace s18  }
0x93: {  	s3 =	sld [smem:$0x3FFC];
	_ =	sdelay $0x3  }
0x94: {  	_ =	strace s3  }
0x95: {  	s3 =	sld [smem:$0x3FFD];
	_ =	sdelay $0x3  }
0x96: {  	_ =	strace s3  }
0x97: {  	_ =	strace $0x8FFFFFFF  }
0x98: {  	s19 =	sld [smem:$0x3FDB];
	_ =	sdelay $0x1  }
0x99: {  	s4 =	simm.s32 $_scs_section_size  }
0x9a: {  	s5 =	simm.s32 $_size__tile_overlayer_lowered;
	s6 =	simm.s32 $_tile_overlayer_lowered  }
0x9b: {  	s22 =	simm.s32 $0x1BFF;
	s21 =	sshll.u32 s6, $0x1;
	s3 =	sadd.s32 s4, s19  }
0x9c: {  	s7 =	simm.s32 $0x0;
	s20 =	sshll.u32 s5, $0x1;
	s5 =	sadd.s32 s21, s3  }
0x9d: {  	[timem:s7], [sflag:s22] =	dma.local [hbm:s5], s20  }
0x9e: {  	_ =	swait.ge [sflag:s22], s20  }
0x9f: {  	s4 =	ssub.s32 $0x0, s20;
	[sflag:s22] =	ssyncset.done $0x0  }
0xa0: {  	[sflag:s22] =	ssyncadd.s32 s4;
	_ =	sdelay $0x1  }
0xa1: {  	s23 =	simm.s32 $0x1B8B  }
0xa2: {  	_ =	swait.ge [sflag:s23], $0x1  }
0xa3: {  	[sflag:s23] =	ssyncset.done $0x0  }
0xa4: {  	s25 =	simm.s32 $0x1B8E;
	s24 =	sld [smem:$0x3FFE];
	[sflag:s23] =	ssyncadd.s32 $0xFFFFFFFF  }
0xa5: {  	s26 =	simm.s32 $execute0_lowered;
	[smem:$0x3FD2] =	sst s25  }
0xa6: {  	s5 =	sshll.u32 s26, $0x1;
	_ =	strace $0x80000046;
	[dreg:$0x1] =	wrdreg $0xFFFFFFFF  }
0xa7: {  	s28 =	simm.s32 $_size_execute0_lowered;
	s3 =	sadd.s32 s3, s5;
	[dreg:$0x0] =	wrdreg $0x0  }
0xa8: {  	s5 =	sshll.u32 s28, $0x1;
	[dreg:$0x2] =	wrdreg s3  }
0xa9: {  	[dreg:$0x3] =	wrdreg s5  }
0xaa: {  	[dreg:$0x4] =	wrdreg $0xC0  }
0xab: {  	_ =	task [dreg:s7], $0x5FFFF  }
0xac: {  	[dreg:$0x1] =	wrdreg $0xFFFFFFFF  }
0xad: {  	[dreg:$0x0] =	wrdreg $0x60  }
0xae: {  	[dreg:$0x2] =	wrdreg s2  }
0xaf: {  	[dreg:$0x3] =	wrdreg s24  }
0xb0: {  	[dreg:$0x4] =	wrdreg $0x9  }
0xb1: {  	_ =	task.clear_ibuf [dreg:s7], $0x5FFFF;
	_ =	strace $0x90000046  }
0xb2: {  	s29 =	simm.s32 $0x9;
	_ =	strace $0x80000048  }
0xb3: {  	_ =	swait.ge [sflag:s29], $0x1  }
0xb4: {  	[sflag:s29] =	ssyncadd.s32 $0xFFFFFFFF  }
0xb5: {  	_ =	strace $0x90000048  }
0xb6: {  	_ =	sfence  }
0xb7: {  	s30 =	sld [smem:$0x0];
	_ =	sdelay $0x2  }
0xb8: {  	s31 =	sshll.u32 s1, $0xD;
	s1 =	sshrl.u32 s1, $0x2  }
0xb9: {  	s3 =	sand.u32 $0x4000, s31;
	s1 =	sadd.s32 s1, s30  }
0xba: {  	s0 =	sor.u32 s3, s0;
	s1 =	sshll.u32 s1, $0x11  }
0xbb: {  	s0 =	sor.u32 s1, s0  }
0xbc: {  	s0 =	sadd.s32 $0x8F2B, s0  }
0xbd: {  	[sflag:s0] =	ssyncadd.remote.s32 $0x1  }
0xbe: {  	_ =	sfence.sel $0xFFFF  }
0xbf: {  	[dreg:$0x0] =	wrdreg $0xFFFFFFFF;
	(pc) =	sbr.abs _section_cstart, $3  }
0xc0: {  	[dreg:$0x1] =	wrdreg $0xFFFFFFFF  }
0xc1: {  	_ =	task.clear_ibuf [dreg:s7], $0x2FFFF;
	_ =	strace $0x9FFFFFFF  }
0xc2: {  	(tm) =	ssettm $0x7FFFFFFF  }
0xc3: {  	_ =	shalt  }
tec
execute0_lowered:
.L_overlay_start_1:
0x0: {  	(tag) =	ssettag $0x1  }
0x1: {  	s5 =	rddreg [dreg:$0x0]  }
0x2: {  	s6 =	rddreg [dreg:$0x1]  }
0x3: {  	s0 =	rddreg [dreg:$0x2];
	s1 =	simm.s32 $0x0;
	s7 =	srdreg.scid  }
0x4: {  	s2 =	stileid.u32;
	s15 =	simm.s32 $0x2;
	s16 =	simm.s32 $0x200  }
0x5: {  	s17 =	simm.s32 $0x8200;
	s18 =	simm.s32 $0x10200;
	s19 =	simm.s32 $0x0  }
0x6: {  	[smem:$0x7FF] =	sst s1;
	s3 =	sadd.s32 $0x1200, s6;
	s4 =	sadd.s32 $0xF43600, s6  }
0x7: {  	s7 =	sand.u32 $0x1, s7;
	s9 =	sadd.s32 $0x1E85A00, s6;
	s11 =	sadd.s32 $0x1EC5A00, s6  }
0x8: {  	s8 =	sshll.u32 s2, $0xA;
	s12 =	sadd.s32 $0x1F05A00, s6;
	s10 =	sshll.u32 s7, $0x9  }
0x9: {  	_ =	strace $0x80000047;
	s7 =	ssub.s32 $0x2, s7;
	s8 =	sor.u32 s10, s8  }
0xa: {  	s31 =	sshrl.u32 s7, $0x1;
	s10 =	sshrl.u32 s8, $0x3;
	s8 =	sshll.u32 s8, $0x4  }
0xb: {  	s13 =	ssub.s32 s7, s31;
	s5 =	sadd.s32 s5, s10;
	s6 =	sadd.s32 s9, s8  }
0xc: {  	s7 =	sadd.s32 s11, s8;
	s14 =	sor.u32 $0x1000, s8;
	s8 =	sadd.s32 s12, s8  }
0xd: {  	s9 =	sadd.s32 s9, s14;
	s10 =	sadd.s32 s11, s14;
	s11 =	sadd.s32 s12, s14  }
0xe: {  	s12 =	smax.u32 s13, $0x1;
	s13 =	simm.s32 $0x3;
	s14 =	simm.s32 $0x1  }
.LBB2_1:
0xf: {  	[tilespmem:s1], [sflag:$0x3] =	stream.linear.gather [hbm4b:s5+s1], $0x200, $0x38;
	[tilespmem:$0x18200] =	vst v63  }
0x10: {  	_ =	swait.ge [sflag:s13], $0x200  }
0x11: {  	[sflag:s13] =	ssyncset.done $0x0  }
0x12: {  	[sflag:s13] =	ssyncadd.s32 $0xFFFFFE00  }
0x13: {  	v0 =	vld [tilespmem:s1+$0x0];
	_ =	sdelay $0x4  }
0x14: {  	v0 =	vshll.u32 v0, $0x4  }
0x15: {  	(v2sf) =	vpush v0, $0x0;
	_ =	sdelay $0x1  }
0x16: {  	(v2sf) =	vpush v0, $0x1;
	_ =	sdelay $0x1  }
0x17: {  	(v2sf) =	vpush v0, $0x2;
	_ =	sdelay $0x3  }
0x18: {  	(v2sf) =	vpush v0, $0x3;
	_ =	sdelay $0x1  }
0x19: {  	(v2sf) =	vpush v0, $0x4;
	_ =	sdelay $0x4  }
0x1a: {  	s23 =	simm.s32 $0x200;
	s20 =	spop (v2sf)  }
0x1b: {  	s28 =	simm.s32 $0x8200;
	s30 =	simm.s32 $0x280;
	(v2sf) =	vpush v0, $0x5;
	s20 =	sand.u32 $0x1FFFFFF0, s20  }
0x1c: {  	s25 =	simm.s32 $0x300;
	s21 =	spop (v2sf);
	s22 =	sadd.s32 s3, s20  }
0x1d: {  	[tilespmem:s23], [sflag:$0x1] =	stream.linear.gather [hbm4b:s22+s1], $0x80, $0x38;
	[tilespmem:$0x18200] =	vst v63  }
0x1e: {  	s21 =	sand.u32 $0x1FFFFFF0, s21;
	s20 =	sadd.s32 s4, s20;
	s29 =	spop (v2sf)  }
0x1f: {  	(v2sf) =	vpush v0, $0x6;
	[tilespmem:s28], [sflag:$0x2] =	stream.linear.gather [hbm4b:s20+s1], $0x80, $0x38;
	[tilespmem:$0x18200] =	vst v63  }
0x20: {  	s31 =	sadd.s32 s3, s21;
	s23 =	simm.s32 $0x8280;
	s21 =	sadd.s32 s4, s21  }
0x21: {  	(v2sf) =	vpush v0, $0x7;
	[tilespmem:s30], [sflag:$0x1] =	stream.linear.gather [hbm4b:s31+s1], $0x80, $0x38;
	[tilespmem:$0x18200] =	vst v63  }
0x22: {  	s24 =	spop (v2sf);
	s22 =	simm.s32 $0x8980;
	s20 =	sand.u32 $0x1FFFFFF0, s29  }
0x23: {  	[tilespmem:s23], [sflag:$0x2] =	stream.linear.gather [hbm4b:s21+s1], $0x80, $0x38;
	[tilespmem:$0x18200] =	vst v63  }
0x24: {  	s28 =	simm.s32 $0x8300;
	s29 =	spop (v2sf);
	s26 =	sadd.s32 s3, s20  }
0x25: {  	(v2sf) =	vpush v0, $0x8;
	[tilespmem:s25], [sflag:$0x1] =	stream.linear.gather [hbm4b:s26+s1], $0x80, $0x38;
	[tilespmem:$0x18200] =	vst v63  }
0x26: {  	s20 =	sadd.s32 s4, s20;
	s30 =	simm.s32 $0x380;
	s21 =	sand.u32 $0x1FFFFFF0, s24  }
0x27: {  	[tilespmem:s28], [sflag:$0x2] =	stream.linear.gather [hbm4b:s20+s1], $0x80, $0x38;
	[tilespmem:$0x18200] =	vst v63  }
0x28: {  	s23 =	simm.s32 $0x8380;
	s31 =	sadd.s32 s3, s21;
	s21 =	sadd.s32 s4, s21  }
0x29: {  	[tilespmem:s30], [sflag:$0x1] =	stream.linear.gather [hbm4b:s31+s1], $0x80, $0x38;
	[tilespmem:$0x18200] =	vst v63  }
0x2a: {  	s25 =	simm.s32 $0x400;
	s20 =	sand.u32 $0x1FFFFFF0, s29;
	s24 =	spop (v2sf)  }
0x2b: {  	(v2sf) =	vpush v0, $0x9;
	[tilespmem:s23], [sflag:$0x2] =	stream.linear.gather [hbm4b:s21+s1], $0x80, $0x38;
	[tilespmem:$0x18200] =	vst v63  }
0x2c: {  	s28 =	simm.s32 $0x8400;
	s26 =	sadd.s32 s3, s20;
	s20 =	sadd.s32 s4, s20  }
0x2d: {  	[tilespmem:s25], [sflag:$0x1] =	stream.linear.gather [hbm4b:s26+s1], $0x80, $0x38;
	[tilespmem:$0x18200] =	vst v63  }
0x2e: {  	s30 =	simm.s32 $0x480;
	s29 =	spop (v2sf);
	s21 =	sand.u32 $0x1FFFFFF0, s24  }
0x2f: {  	(v2sf) =	vpush v0, $0xA;
	[tilespmem:s28], [sflag:$0x2] =	stream.linear.gather [hbm4b:s20+s1], $0x80, $0x38;
	[tilespmem:$0x18200] =	vst v63  }
0x30: {  	s23 =	simm.s32 $0x8480;
	s24 =	spop (v2sf);
	s31 =	sadd.s32 s3, s21  }
0x31: {  	(v2sf) =	vpush v0, $0xB;
	[tilespmem:s30], [sflag:$0x1] =	stream.linear.gather [hbm4b:s31+s1], $0x80, $0x38;
	[tilespmem:$0x18200] =	vst v63  }
0x32: {  	s21 =	sadd.s32 s4, s21;
	s25 =	simm.s32 $0x500;
	s20 =	sand.u32 $0x1FFFFFF0, s29  }
0x33: {  	[tilespmem:s23], [sflag:$0x2] =	stream.linear.gather [hbm4b:s21+s1], $0x80, $0x38;
	[tilespmem:$0x18200] =	vst v63  }
0x34: {  	s28 =	simm.s32 $0x8500;
	s29 =	spop (v2sf);
	s26 =	sadd.s32 s3, s20  }
0x35: {  	(v2sf) =	vpush v0, $0xC;
	[tilespmem:s25], [sflag:$0x1] =	stream.linear.gather [hbm4b:s26+s1], $0x80, $0x38;
	[tilespmem:$0x18200] =	vst v63  }
0x36: {  	s20 =	sadd.s32 s4, s20;
	s30 =	simm.s32 $0x580;
	s21 =	sand.u32 $0x1FFFFFF0, s24  }
0x37: {  	[tilespmem:s28], [sflag:$0x2] =	stream.linear.gather [hbm4b:s20+s1], $0x80, $0x38;
	[tilespmem:$0x18200] =	vst v63  }
0x38: {  	s23 =	simm.s32 $0x8580;
	s31 =	sadd.s32 s3, s21;
	s21 =	sadd.s32 s4, s21  }
0x39: {  	[tilespmem:s30], [sflag:$0x1] =	stream.linear.gather [hbm4b:s31+s1], $0x80, $0x38;
	[tilespmem:$0x18200] =	vst v63  }
0x3a: {  	s25 =	simm.s32 $0x600;
	s20 =	sand.u32 $0x1FFFFFF0, s29;
	s24 =	spop (v2sf)  }
0x3b: {  	(v2sf) =	vpush v0, $0xD;
	[tilespmem:s23], [sflag:$0x2] =	stream.linear.gather [hbm4b:s21+s1], $0x80, $0x38;
	[tilespmem:$0x18200] =	vst v63  }
0x3c: {  	s28 =	simm.s32 $0x8600;
	s26 =	sadd.s32 s3, s20;
	s20 =	sadd.s32 s4, s20  }
0x3d: {  	[tilespmem:s25], [sflag:$0x1] =	stream.linear.gather [hbm4b:s26+s1], $0x80, $0x38;
	[tilespmem:$0x18200] =	vst v63  }
0x3e: {  	s29 =	spop (v2sf);
	s30 =	simm.s32 $0x680;
	s21 =	sand.u32 $0x1FFFFFF0, s24  }
0x3f: {  	(v2sf) =	vpush v0, $0xE;
	[tilespmem:s28], [sflag:$0x2] =	stream.linear.gather [hbm4b:s20+s1], $0x80, $0x38;
	[tilespmem:$0x18200] =	vst v63  }
0x40: {  	s23 =	simm.s32 $0x8680;
	s24 =	spop (v2sf);
	s31 =	sadd.s32 s3, s21  }
0x41: {  	[tilespmem:s30], [sflag:$0x1] =	stream.linear.gather [hbm4b:s31+s1], $0x80, $0x38;
	[tilespmem:$0x18200] =	vst v63  }
0x42: {  	s21 =	sadd.s32 s4, s21;
	s25 =	simm.s32 $0x700;
	s20 =	sand.u32 $0x1FFFFFF0, s29  }
0x43: {  	(v2sf) =	vpush v0, $0xF;
	[tilespmem:s23], [sflag:$0x2] =	stream.linear.gather [hbm4b:s21+s1], $0x80, $0x38;
	[tilespmem:$0x18200] =	vst v63  }
0x44: {  	s28 =	simm.s32 $0x8700;
	s29 =	spop (v2sf);
	s26 =	sadd.s32 s3, s20  }
0x45: {  	[tilespmem:s25], [sflag:$0x1] =	stream.linear.gather [hbm4b:s26+s1], $0x80, $0x38;
	[tilespmem:$0x18200] =	vst v63  }
0x46: {  	s20 =	sadd.s32 s4, s20;
	s30 =	simm.s32 $0x780;
	s21 =	sand.u32 $0x1FFFFFF0, s24  }
0x47: {  	[tilespmem:s28], [sflag:$0x2] =	stream.linear.gather [hbm4b:s20+s1], $0x80, $0x38;
	[tilespmem:$0x18200] =	vst v63  }
0x48: {  	s23 =	simm.s32 $0x8780;
	s31 =	sadd.s32 s3, s21;
	s21 =	sadd.s32 s4, s21  }
0x49: {  	[tilespmem:s30], [sflag:$0x1] =	stream.linear.gather [hbm4b:s31+s1], $0x80, $0x38;
	[tilespmem:$0x18200] =	vst v63  }
0x4a: {  	s25 =	simm.s32 $0x800;
	s20 =	sand.u32 $0x1FFFFFF0, s29;
	s24 =	spop (v2sf)  }
0x4b: {  	[tilespmem:s23], [sflag:$0x2] =	stream.linear.gather [hbm4b:s21+s1], $0x80, $0x38;
	[tilespmem:$0x18200] =	vst v63  }
0x4c: {  	s28 =	simm.s32 $0x8800;
	s26 =	sadd.s32 s3, s20;
	s20 =	sadd.s32 s4, s20  }
0x4d: {  	[tilespmem:s25], [sflag:$0x1] =	stream.linear.gather [hbm4b:s26+s1], $0x80, $0x38;
	[tilespmem:$0x18200] =	vst v63  }
0x4e: {  	s29 =	spop (v2sf);
	s30 =	simm.s32 $0x880;
	s21 =	sand.u32 $0x1FFFFFF0, s24  }
0x4f: {  	[tilespmem:s28], [sflag:$0x2] =	stream.linear.gather [hbm4b:s20+s1], $0x80, $0x38;
	[tilespmem:$0x18200] =	vst v63  }
0x50: {  	s24 =	simm.s32 $0x8880;
	s31 =	sadd.s32 s3, s21;
	s21 =	sadd.s32 s4, s21  }
0x51: {  	[tilespmem:s30], [sflag:$0x1] =	stream.linear.gather [hbm4b:s31+s1], $0x80, $0x38;
	[tilespmem:$0x18200] =	vst v63  }
0x52: {  	s25 =	spop (v2sf);
	s26 =	simm.s32 $0x900;
	s20 =	sand.u32 $0x1FFFFFF0, s29  }
0x53: {  	[tilespmem:s24], [sflag:$0x2] =	stream.linear.gather [hbm4b:s21+s1], $0x80, $0x38;
	[tilespmem:$0x18200] =	vst v63  }
0x54: {  	s29 =	simm.s32 $0x8900;
	s28 =	sadd.s32 s3, s20;
	s21 =	sand.u32 $0x1FFFFFF0, s25  }
0x55: {  	[tilespmem:s26], [sflag:$0x1] =	stream.linear.gather [hbm4b:s28+s1], $0x80, $0x38;
	[tilespmem:$0x18200] =	vst v63  }
0x56: {  	s20 =	sadd.s32 s4, s20;
	s30 =	simm.s32 $0x980;
	s31 =	sadd.s32 s3, s21  }
0x57: {  	[tilespmem:s29], [sflag:$0x2] =	stream.linear.gather [hbm4b:s20+s1], $0x80, $0x38;
	[tilespmem:$0x18200] =	vst v63  }
0x58: {  	s23 =	sadd.s32 s4, s21;
	s21 =	simm.s32 $0x0;
	s20 =	simm.s32 $0x2000  }
0x59: {  	[tilespmem:s30], [sflag:$0x1] =	stream.linear.gather [hbm4b:s31+s1], $0x80, $0x38;
	[tilespmem:$0x18200] =	vst v63  }
.LBB2_2:
0x5a: {  	p0 =	sne.s32 s20, $0x1E000  }
0x5b: {  	s21 =	sadd.s32 $0x10, s21;
	s24 =	smov.u32 s20;
	s20 =	sadd.s32 $0x2000, s20  }
0x5c: {  	[tilespmem:s22], [sflag:$0x2] =	stream.linear.gather [hbm4b:s23+s1], $0x80, $0x38;
	[tilespmem:$0x18200] =	vst v63  }
0x5d: {  	v0 =	vld [tilespmem:s21+$0x0];
	_ =	sdelay $0x4  }
0x5e: {  	v0 =	vshll.u32 v0, $0x4  }
0x5f: {  	(v2sf) =	vpush v0, $0x0  }
0x60: {  	(v2sf) =	vpush v0, $0x1  }
0x61: {  	(v2sf) =	vpush v0, $0x2;
	_ =	sdelay $0x2  }
0x62: {  	(v2sf) =	vpush v0, $0x3;
	_ =	sdelay $0x3  }
0x63: {  	(v2sf) =	vpush v0, $0x4;
	_ =	sdelay $0x3  }
0x64: {  	(v2sf) =	vpush v0, $0x5;
	_ =	sdelay $0x1  }
0x65: {  	s23 =	spop (v2sf)  }
0x66: {  	s22 =	sshra.s32 s24, $0x2;
	s23 =	sand.u32 $0x1FFFFFF0, s23;
	s24 =	spop (v2sf)  }
0x67: {  	s26 =	sadd.s32 $0x8200, s22;
	s25 =	sadd.s32 s3, s23;
	s28 =	spop (v2sf);
	(v2sf) =	vpush v0, $0x6  }
0x68: {  	s29 =	sadd.s32 $0x200, s22;
	s24 =	sand.u32 $0x1FFFFFF0, s24;
	s28 =	sand.u32 $0x1FFFFFF0, s28  }
0x69: {  	[tilespmem:s29], [sflag:$0x1] =	stream.linear.gather [hbm4b:s25+s1], $0x80, $0x38;
	[tilespmem:$0x18200] =	vst v63  }
0x6a: {  	s23 =	sadd.s32 s4, s23;
	s25 =	sadd.s32 $0x280, s22;
	s29 =	spop (v2sf)  }
0x6b: {  	[tilespmem:s26], [sflag:$0x2] =	stream.linear.gather [hbm4b:s23+s1], $0x80, $0x38;
	(v2sf) =	vpush v0, $0x7;
	[tilespmem:$0x18200] =	vst v63  }
0x6c: {  	s23 =	sadd.s32 s3, s24;
	s26 =	sadd.s32 $0x8280, s22;
	s29 =	sand.u32 $0x1FFFFFF0, s29  }
0x6d: {  	[tilespmem:s25], [sflag:$0x1] =	stream.linear.gather [hbm4b:s23+s1], $0x80, $0x38;
	[tilespmem:$0x18200] =	vst v63  }
0x6e: {  	s23 =	sadd.s32 s4, s24;
	s24 =	sadd.s32 $0x300, s22;
	s25 =	spop (v2sf)  }
0x6f: {  	[tilespmem:s26], [sflag:$0x2] =	stream.linear.gather [hbm4b:s23+s1], $0x80, $0x38;
	[tilespmem:$0x18200] =	vst v63  }
0x70: {  	s23 =	sadd.s32 s3, s28;
	s26 =	sadd.s32 $0x8300, s22;
	s25 =	sand.u32 $0x1FFFFFF0, s25  }
0x71: {  	[tilespmem:s24], [sflag:$0x1] =	stream.linear.gather [hbm4b:s23+s1], $0x80, $0x38;
	(v2sf) =	vpush v0, $0x8;
	[tilespmem:$0x18200] =	vst v63  }
0x72: {  	s23 =	sadd.s32 s4, s28;
	s24 =	sadd.s32 $0x380, s22;
	s28 =	spop (v2sf)  }
0x73: {  	[tilespmem:s26], [sflag:$0x2] =	stream.linear.gather [hbm4b:s23+s1], $0x80, $0x38;
	[tilespmem:$0x18200] =	vst v63  }
0x74: {  	s23 =	sadd.s32 s3, s29;
	s26 =	sadd.s32 $0x8380, s22;
	s28 =	sand.u32 $0x1FFFFFF0, s28  }
0x75: {  	[tilespmem:s24], [sflag:$0x1] =	stream.linear.gather [hbm4b:s23+s1], $0x80, $0x38;
	(v2sf) =	vpush v0, $0x9;
	[tilespmem:$0x18200] =	vst v63  }
0x76: {  	s23 =	sadd.s32 s4, s29;
	s24 =	sadd.s32 $0x400, s22;
	s29 =	spop (v2sf)  }
0x77: {  	[tilespmem:s26], [sflag:$0x2] =	stream.linear.gather [hbm4b:s23+s1], $0x80, $0x38;
	[tilespmem:$0x18200] =	vst v63  }
0x78: {  	s23 =	sadd.s32 s3, s25;
	s26 =	sadd.s32 $0x8400, s22;
	s29 =	sand.u32 $0x1FFFFFF0, s29  }
0x79: {  	[tilespmem:s24], [sflag:$0x1] =	stream.linear.gather [hbm4b:s23+s1], $0x80, $0x38;
	(v2sf) =	vpush v0, $0xA;
	[tilespmem:$0x18200] =	vst v63  }
0x7a: {  	s23 =	sadd.s32 s4, s25;
	s24 =	sadd.s32 $0x480, s22;
	s25 =	spop (v2sf)  }
0x7b: {  	[tilespmem:s26], [sflag:$0x2] =	stream.linear.gather [hbm4b:s23+s1], $0x80, $0x38;
	[tilespmem:$0x18200] =	vst v63  }
0x7c: {  	s23 =	sadd.s32 s3, s28;
	s26 =	sadd.s32 $0x8480, s22;
	s25 =	sand.u32 $0x1FFFFFF0, s25  }
0x7d: {  	[tilespmem:s24], [sflag:$0x1] =	stream.linear.gather [hbm4b:s23+s1], $0x80, $0x38;
	(v2sf) =	vpush v0, $0xB;
	[tilespmem:$0x18200] =	vst v63  }
0x7e: {  	s23 =	sadd.s32 s4, s28;
	s24 =	sadd.s32 $0x500, s22;
	s28 =	sadd.s32 s3, s29  }
0x7f: {  	[tilespmem:s26], [sflag:$0x2] =	stream.linear.gather [hbm4b:s23+s1], $0x80, $0x38;
	[tilespmem:$0x18200] =	vst v63  }
0x80: {  	s23 =	sadd.s32 $0x8500, s22;
	s26 =	sadd.s32 s4, s29;
	s29 =	spop (v2sf)  }
0x81: {  	[tilespmem:s24], [sflag:$0x1] =	stream.linear.gather [hbm4b:s28+s1], $0x80, $0x38;
	(v2sf) =	vpush v0, $0xC;
	[tilespmem:$0x18200] =	vst v63  }
0x82: {  	s24 =	sadd.s32 $0x580, s22;
	s28 =	sadd.s32 s3, s25;
	s29 =	sand.u32 $0x1FFFFFF0, s29  }
0x83: {  	[tilespmem:s23], [sflag:$0x2] =	stream.linear.gather [hbm4b:s26+s1], $0x80, $0x38;
	[tilespmem:$0x18200] =	vst v63  }
0x84: {  	s25 =	sadd.s32 s4, s25;
	s23 =	sadd.s32 $0x8580, s22;
	s26 =	spop (v2sf)  }
0x85: {  	[tilespmem:s24], [sflag:$0x1] =	stream.linear.gather [hbm4b:s28+s1], $0x80, $0x38;
	(v2sf) =	vpush v0, $0xD;
	[tilespmem:$0x18200] =	vst v63  }
0x86: {  	s24 =	sadd.s32 $0x600, s22;
	s28 =	sadd.s32 s3, s29;
	s26 =	sand.u32 $0x1FFFFFF0, s26  }
0x87: {  	[tilespmem:s23], [sflag:$0x2] =	stream.linear.gather [hbm4b:s25+s1], $0x80, $0x38;
	[tilespmem:$0x18200] =	vst v63  }
0x88: {  	s23 =	sadd.s32 $0x8600, s22;
	s25 =	sadd.s32 s4, s29;
	s29 =	spop (v2sf)  }
0x89: {  	[tilespmem:s24], [sflag:$0x1] =	stream.linear.gather [hbm4b:s28+s1], $0x80, $0x38;
	(v2sf) =	vpush v0, $0xE;
	[tilespmem:$0x18200] =	vst v63  }
0x8a: {  	s24 =	sadd.s32 $0x680, s22;
	s28 =	sadd.s32 s3, s26;
	s29 =	sand.u32 $0x1FFFFFF0, s29  }
0x8b: {  	[tilespmem:s23], [sflag:$0x2] =	stream.linear.gather [hbm4b:s25+s1], $0x80, $0x38;
	[tilespmem:$0x18200] =	vst v63  }
0x8c: {  	s23 =	sadd.s32 $0x8680, s22;
	s25 =	sadd.s32 s4, s26;
	s26 =	spop (v2sf)  }
0x8d: {  	[tilespmem:s24], [sflag:$0x1] =	stream.linear.gather [hbm4b:s28+s1], $0x80, $0x38;
	(v2sf) =	vpush v0, $0xF;
	[tilespmem:$0x18200] =	vst v63  }
0x8e: {  	s24 =	sadd.s32 $0x700, s22;
	s28 =	sadd.s32 s3, s29;
	s26 =	sand.u32 $0x1FFFFFF0, s26  }
0x8f: {  	[tilespmem:s23], [sflag:$0x2] =	stream.linear.gather [hbm4b:s25+s1], $0x80, $0x38;
	[tilespmem:$0x18200] =	vst v63  }
0x90: {  	s23 =	sadd.s32 $0x8700, s22;
	s25 =	sadd.s32 s4, s29;
	s29 =	spop (v2sf)  }
0x91: {  	[tilespmem:s24], [sflag:$0x1] =	stream.linear.gather [hbm4b:s28+s1], $0x80, $0x38;
	[tilespmem:$0x18200] =	vst v63  }
0x92: {  	s24 =	sadd.s32 $0x780, s22;
	s28 =	sadd.s32 s3, s26;
	s29 =	sand.u32 $0x1FFFFFF0, s29  }
0x93: {  	[tilespmem:s23], [sflag:$0x2] =	stream.linear.gather [hbm4b:s25+s1], $0x80, $0x38;
	[tilespmem:$0x18200] =	vst v63  }
0x94: {  	s23 =	sadd.s32 $0x8780, s22;
	s25 =	sadd.s32 s4, s26;
	s26 =	spop (v2sf)  }
0x95: {  	[tilespmem:s24], [sflag:$0x1] =	stream.linear.gather [hbm4b:s28+s1], $0x80, $0x38;
	[tilespmem:$0x18200] =	vst v63  }
0x96: {  	s24 =	sadd.s32 $0x800, s22;
	s28 =	sadd.s32 s3, s29;
	s26 =	sand.u32 $0x1FFFFFF0, s26  }
0x97: {  	[tilespmem:s23], [sflag:$0x2] =	stream.linear.gather [hbm4b:s25+s1], $0x80, $0x38;
	[tilespmem:$0x18200] =	vst v63  }
0x98: {  	s23 =	sadd.s32 $0x8800, s22;
	s25 =	sadd.s32 s4, s29;
	s29 =	spop (v2sf)  }
0x99: {  	[tilespmem:s24], [sflag:$0x1] =	stream.linear.gather [hbm4b:s28+s1], $0x80, $0x38;
	[tilespmem:$0x18200] =	vst v63  }
0x9a: {  	s24 =	sadd.s32 $0x880, s22;
	s28 =	sadd.s32 s3, s26;
	s29 =	sand.u32 $0x1FFFFFF0, s29  }
0x9b: {  	[tilespmem:s23], [sflag:$0x2] =	stream.linear.gather [hbm4b:s25+s1], $0x80, $0x38;
	[tilespmem:$0x18200] =	vst v63  }
0x9c: {  	s23 =	sadd.s32 $0x8880, s22;
	s25 =	sadd.s32 s4, s26;
	s26 =	spop (v2sf)  }
0x9d: {  	[tilespmem:s24], [sflag:$0x1] =	stream.linear.gather [hbm4b:s28+s1], $0x80, $0x38;
	[tilespmem:$0x18200] =	vst v63  }
0x9e: {  	s24 =	sadd.s32 $0x900, s22;
	s28 =	sadd.s32 s3, s29;
	s26 =	sand.u32 $0x1FFFFFF0, s26  }
0x9f: {  	[tilespmem:s23], [sflag:$0x2] =	stream.linear.gather [hbm4b:s25+s1], $0x80, $0x38;
	[tilespmem:$0x18200] =	vst v63  }
0xa0: {  	s23 =	sadd.s32 $0x8900, s22;
	s25 =	sadd.s32 s4, s29  }
0xa1: {  	[tilespmem:s24], [sflag:$0x1] =	stream.linear.gather [hbm4b:s28+s1], $0x80, $0x38;
	[tilespmem:$0x18200] =	vst v63  }
.Ltmp0:
0xa2: {  	_ = 	snop;
	(pc) =	sbr.rel @p0 .LBB2_2-.Ltmp0, $4  }
0xa3: {  	s24 =	sadd.s32 $0x980, s22;
	s28 =	sadd.s32 s3, s26  }
0xa4: {  	[tilespmem:s23], [sflag:$0x2] =	stream.linear.gather [hbm4b:s25+s1], $0x80, $0x38;
	[tilespmem:$0x18200] =	vst v63  }
0xa5: {  	s22 =	sadd.s32 $0x8980, s22;
	s23 =	sadd.s32 s4, s26  }
0xa6: {  	[tilespmem:s24], [sflag:$0x1] =	stream.linear.gather [hbm4b:s28+s1], $0x80, $0x38;
	[tilespmem:$0x18200] =	vst v63  }
0xa7: {  	[tilespmem:s22], [sflag:$0x2] =	stream.linear.gather [hbm4b:s23+s1], $0x80, $0x38;
	[tilespmem:$0x18200] =	vst v63  }
0xa8: {  	_ =	swait.ge [sflag:s14], $0x8000  }
0xa9: {  	[sflag:s14] =	ssyncset.done $0x0  }
0xaa: {  	[sflag:s14] =	ssyncadd.s32 $0xFFFF8000  }
0xab: {  	_ =	swait.ge [sflag:s15], $0x8000  }
0xac: {  	[sflag:s15] =	ssyncset.done $0x0  }
0xad: {  	s21 =	simm.s32 $0x0;
	[sflag:s15] =	ssyncadd.s32 $0xFFFF8000  }
0xae: {  	v0 =	vld [tilespmem:s21+$0x8300]  }
0xaf: {  	v1 =	vld [tilespmem:s21+$0x82A0]  }
0xb0: {  	v2 =	vld [tilespmem:s21+$0x82B0]  }
0xb1: {  	v3 =	vld [tilespmem:s21+$0x8330]  }
0xb2: {  	v4 =	vld [tilespmem:s21+$0x8280]  }
0xb3: {  	v5 =	vld [tilespmem:s21+$0x8200]  }
0xb4: {  	v7 =	vld [tilespmem:s21+$0x8310]  }
0xb5: {  	v9 =	vld [tilespmem:s21+$0x83A0]  }
0xb6: {  	v10 =	vld [tilespmem:s21+$0x8210]  }
0xb7: {  	v11 =	vld [tilespmem:s21+$0x8230]  }
0xb8: {  	v12 =	vld [tilespmem:s21+$0x83B0];
	v2 =	vmul.f32 $5.000000000e-01, v2  }
0xb9: {  	v1 =	vmul.f32 $5.000000000e-01, v1;
	v0 =	vmul.f32 $5.000000000e-01, v0  }
0xba: {  	v3 =	vmul.f32 $5.000000000e-01, v3;
	v4 =	vmul.f32 $5.000000000e-01, v4  }
0xbb: {  	v5 =	vmul.f32 $5.000000000e-01, v5;
	v9 =	vmul.f32 $5.000000000e-01, v9  }
0xbc: {  	v10 =	vmul.f32 $5.000000000e-01, v10;
	v11 =	vmul.f32 $5.000000000e-01, v11  }
0xbd: {  	v8 =	vld [tilespmem:s21+$0x8290];
	v12 =	vmul.f32 $5.000000000e-01, v12;
	v7 =	vmul.f32 $5.000000000e-01, v7  }
0xbe: {  	v0 =	vmul.f32 $1.442695020e+00, v0;
	v1 =	vmul.f32 $1.442695020e+00, v1  }
0xbf: {  	v4 =	vmul.f32 $1.442695020e+00, v4;
	v5 =	vmul.f32 $1.442695020e+00, v5  }
0xc0: {  	v2 =	vmul.f32 $1.442695020e+00, v2;
	v3 =	vmul.f32 $1.442695020e+00, v3  }
0xc1: {  	v13 =	vld [tilespmem:s21+$0x8320];
	v11 =	vmul.f32 $1.442695020e+00, v11;
	(erf) = vpow2.f32 v5  }
0xc2: {  	s20 =	simm.s32 $0x200;
	v14 =	vld [tilespmem:s21+$0x8380];
	v5 =	vmul.f32 $5.000000000e-01, v8;
	(erf) = vpow2.f32 v2  }
0xc3: {  	v8 =	vmul.f32 $1.442695020e+00, v9;
	v9 =	vld [tilespmem:s20+$0x8300];
	(erf) = vpow2.f32 v3  }
0xc4: {  	v7 =	vmul.f32 $1.442695020e+00, v7;
	v2 =	vld [tilespmem:s20+$0x82B0];
	(erf) = vpow2.f32 v0  }
0xc5: {  	v6 =	vld [tilespmem:s21+$0x8390];
	v10 =	vmul.f32 $1.442695020e+00, v10;
	(erf) = vpow2.f32 v11  }
0xc6: {  	v15 =	vld [tilespmem:s21+$0x8220];
	v12 =	vmul.f32 $1.442695020e+00, v12;
	(erf) = vpow2.f32 v7  }
0xc7: {  	v16 =	vld [tilespmem:s20+$0x82A0];
	v7 =	vmul.f32 $5.000000000e-01, v13;
	v13 =	vmul.f32 $5.000000000e-01, v14  }
0xc8: {  	v3 =	vld [tilespmem:s20+$0x8330];
	v9 =	vmul.f32 $5.000000000e-01, v9;
	(erf) = vpow2.f32 v4  }
0xc9: {  	v17 =	vld [tilespmem:s20+$0x8280];
	v4 =	vmul.f32 $1.442695020e+00, v5;
	v2 =	vmul.f32 $5.000000000e-01, v2  }
0xca: {  	v18 =	vld [tilespmem:s20+$0x8310];
	(erf) = vpow2.f32 v10;
	v7 =	vmul.f32 $1.442695020e+00, v7  }
0xcb: {  	v0 =	vld [tilespmem:s20+$0x8390];
	(erf) = vpow2.f32 v4;
	v4 =	vmul.f32 $5.000000000e-01, v6  }
0xcc: {  	v11 =	vld [tilespmem:s20+$0x8200];
	v6 =	vmul.f32 $1.442695020e+00, v13;
	v13 =	vmul.f32 $5.000000000e-01, v16;
	v5 =	vpop (erf)  }
0xcd: {  	v10 =	vld [tilespmem:s20+$0x8290];
	v16 =	vmul.f32 $5.000000000e-01, v3;
	v3 =	vmul.f32 $1.442695020e+00, v9;
	[tilespmem:s21+$0x10200] =	vst v5  }
0xce: {  	(erf) = vpow2.f32 v1;
	v5 =	vmul.f32 $5.000000000e-01, v15;
	v1 =	vpop (erf);
	v15 =	vld [tilespmem:s20+$0x83A0]  }
0xcf: {  	v4 =	vmul.f32 $1.442695020e+00, v4;
	(erf) = vpow2.f32 v7;
	v14 =	vld [tilespmem:s20+$0x8230];
	[tilespmem:s21+$0x102B0] =	vst v1;
	v1 =	vpop (erf)  }
0xd0: {  	(erf) = vpow2.f32 v8;
	v5 =	vmul.f32 $1.442695020e+00, v5;
	v7 =	vld [tilespmem:s20+$0x8210];
	[tilespmem:s21+$0x10330] =	vst v1;
	v1 =	vpop (erf)  }
0xd1: {  	v8 =	vmul.f32 $5.000000000e-01, v17;
	(erf) = vpow2.f32 v6;
	[tilespmem:s21+$0x10300] =	vst v1;
	v1 =	vpop (erf)  }
0xd2: {  	v9 =	vld [tilespmem:s20+$0x83B0];
	[tilespmem:s21+$0x10230] =	vst v1;
	v6 =	vpop (erf);
	v1 =	vmul.f32 $1.442695020e+00, v13;
	(erf) = vpow2.f32 v5  }
0xd3: {  	[tilespmem:s21+$0x10310] =	vst v6;
	v6 =	vmul.f32 $1.442695020e+00, v2;
	v2 =	vmul.f32 $5.000000000e-01, v15  }
0xd4: {  	v5 =	vmul.f32 $1.442695020e+00, v8;
	v13 =	vpop (erf);
	(erf) = vpow2.f32 v4  }
0xd5: {  	v8 =	vmul.f32 $1.442695020e+00, v16;
	[tilespmem:s21+$0x10280] =	vst v13;
	v4 =	vpop (erf);
	v16 =	vmul.f32 $5.000000000e-01, v7  }
0xd6: {  	v15 =	vmul.f32 $5.000000000e-01, v11;
	(erf) = vpow2.f32 v12;
	v17 =	vld [tilespmem:s20+$0x8320];
	[tilespmem:s21+$0x10210] =	vst v4;
	v13 =	vpop (erf)  }
0xd7: {  	v7 =	vmul.f32 $5.000000000e-01, v10;
	v11 =	vld [tilespmem:s20+$0x8380];
	v4 =	vmul.f32 $1.442695020e+00, v2;
	v2 =	vpop (erf)  }
0xd8: {  	[tilespmem:s21+$0x10290] =	vst v13;
	v13 =	vmul.f32 $5.000000000e-01, v14;
	v14 =	vmul.f32 $5.000000000e-01, v9;
	v12 =	vpop (erf)  }
0xd9: {  	v19 =	vmul.f32 $1.442695020e+00, v15;
	v9 =	vmul.f32 $1.442695020e+00, v16;
	[tilespmem:s21+$0x102A0] =	vst v2;
	v16 =	vpop (erf)  }
0xda: {  	v15 =	vmul.f32 $5.000000000e-01, v18;
	v2 =	vmul.f32 $1.442695020e+00, v14;
	v10 =	vld [tilespmem:s20+$0x8220];
	[tilespmem:s21+$0x103A0] =	vst v16;
	v16 =	vpop (erf)  }
0xdb: {  	s22 =	simm.s32 $0x1000;
	v14 =	vmul.f32 $5.000000000e-01, v17;
	(erf) = vpow2.f32 v19;
	[tilespmem:s21+$0x10380] =	vst v16;
	v16 =	vpop (erf)  }
.LBB2_4:
0xdc: {  	s23 =	sshra.s32 s22, $0x2;
	p0 =	sne.s32 s22, $0x1F800;
	s22 =	sadd.s32 $0x800, s22;
	v13 =	vmul.f32 $1.442695020e+00, v13;
	v11 =	vmul.f32 $5.000000000e-01, v11;
	[tilespmem:s21+$0x10320] =	vst v12  }
0xdd: {  	v15 =	vmul.f32 $1.442695020e+00, v15;
	v12 =	vld [tilespmem:s23+$0x8300];
	v14 =	vmul.f32 $1.442695020e+00, v14;
	[tilespmem:s21+$0x10220] =	vst v16;
	v16 =	vpop (erf)  }
0xde: {  	v17 =	vld [tilespmem:s23+$0x82A0];
	v11 =	vmul.f32 $1.442695020e+00, v11;
	(erf) = vpow2.f32 v6;
	[tilespmem:s21+$0x10390] =	vst v16  }
0xdf: {  	v6 =	vld [tilespmem:s23+$0x82B0];
	v10 =	vmul.f32 $5.000000000e-01, v10;
	(erf) = vpow2.f32 v8;
	v8 =	vpop (erf)  }
0xe0: {  	v0 =	vmul.f32 $5.000000000e-01, v0;
	v16 =	vld [tilespmem:s23+$0x8330];
	(erf) = vpow2.f32 v3;
	[tilespmem:s21+$0x103B0] =	vst v8;
	s21 =	smov.u32 s20;
	s20 =	smov.u32 s23  }
0xe1: {  	v8 =	vld [tilespmem:s20+$0x8280];
	v10 =	vmul.f32 $1.442695020e+00, v10;
	(erf) = vpow2.f32 v13  }
0xe2: {  	v18 =	vmul.f32 $1.442695020e+00, v0;
	v13 =	vld [tilespmem:s20+$0x8200];
	(erf) = vpow2.f32 v15  }
0xe3: {  	v3 =	vmul.f32 $1.442695020e+00, v7;
	v0 =	vld [tilespmem:s20+$0x8390];
	(erf) = vpow2.f32 v5  }
0xe4: {  	v6 =	vmul.f32 $5.000000000e-01, v6;
	v15 =	vld [tilespmem:s20+$0x8310];
	v5 =	vpop (erf);
	(erf) = vpow2.f32 v9  }
0xe5: {  	v9 =	vmul.f32 $5.000000000e-01, v17;
	v7 =	vld [tilespmem:s20+$0x8290];
	[tilespmem:s21+$0x10200] =	vst v5;
	(erf) = vpow2.f32 v3  }
0xe6: {  	v3 =	vmul.f32 $5.000000000e-01, v12;
	v17 =	vld [tilespmem:s20+$0x8230];
	(erf) = vpow2.f32 v1  }
0xe7: {  	v12 =	vmul.f32 $5.000000000e-01, v16;
	v16 =	vld [tilespmem:s20+$0x83A0];
	v1 =	vpop (erf);
	(erf) = vpow2.f32 v14  }
0xe8: {  	v3 =	vmul.f32 $1.442695020e+00, v3;
	[tilespmem:s21+$0x102B0] =	vst v1;
	v1 =	vpop (erf);
	(erf) = vpow2.f32 v4  }
0xe9: {  	v5 =	vmul.f32 $5.000000000e-01, v8;
	v4 =	vld [tilespmem:s20+$0x8210];
	[tilespmem:s21+$0x10330] =	vst v1;
	v8 =	vpop (erf);
	(erf) = vpow2.f32 v11  }
0xea: {  	v1 =	vmul.f32 $1.442695020e+00, v9;
	[tilespmem:s21+$0x10300] =	vst v8;
	(erf) = vpow2.f32 v10;
	v8 =	vpop (erf)  }
0xeb: {  	v6 =	vmul.f32 $1.442695020e+00, v6;
	v5 =	vmul.f32 $1.442695020e+00, v5;
	v9 =	vld [tilespmem:s20+$0x83B0];
	[tilespmem:s21+$0x10230] =	vst v8;
	v8 =	vpop (erf)  }
0xec: {  	v10 =	vmul.f32 $5.000000000e-01, v16;
	[tilespmem:s21+$0x10310] =	vst v8;
	v11 =	vpop (erf);
	(erf) = vpow2.f32 v18  }
0xed: {  	v14 =	vmul.f32 $5.000000000e-01, v13;
	v8 =	vmul.f32 $1.442695020e+00, v12;
	[tilespmem:s21+$0x10280] =	vst v11;
	v11 =	vpop (erf)  }
0xee: {  	v16 =	vmul.f32 $5.000000000e-01, v4;
	v18 =	vld [tilespmem:s20+$0x8320];
	[tilespmem:s21+$0x10210] =	vst v11;
	v12 =	vpop (erf);
	(erf) = vpow2.f32 v2  }
.Ltmp1:
0xef: {  	v7 =	vmul.f32 $5.000000000e-01, v7;
	v4 =	vmul.f32 $1.442695020e+00, v10;
	v11 =	vld [tilespmem:s20+$0x8380];
	[tilespmem:s21+$0x10290] =	vst v12;
	v2 =	vpop (erf);
	(pc) =	sbr.rel @p0 .LBB2_4-.Ltmp1, $4  }
0xf0: {  	v13 =	vmul.f32 $5.000000000e-01, v17;
	v17 =	vmul.f32 $5.000000000e-01, v9;
	[tilespmem:s21+$0x102A0] =	vst v2;
	v12 =	vpop (erf)  }
0xf1: {  	v19 =	vmul.f32 $1.442695020e+00, v14;
	v9 =	vmul.f32 $1.442695020e+00, v16;
	v14 =	vpop (erf)  }
0xf2: {  	v15 =	vmul.f32 $5.000000000e-01, v15;
	v10 =	vld [tilespmem:s20+$0x8220];
	v2 =	vmul.f32 $1.442695020e+00, v17;
	[tilespmem:s21+$0x103A0] =	vst v14;
	v16 =	vpop (erf)  }
0xf3: {  	v14 =	vmul.f32 $5.000000000e-01, v18;
	(erf) = vpow2.f32 v19;
	[tilespmem:s21+$0x10380] =	vst v16;
	v16 =	vpop (erf)  }
0xf4: {  	(erf) = vpow2.f32 v6  }
0xf5: {  	v38 =	vmul.f32 $1.442695020e+00, v13;
	(erf) = vpow2.f32 v8  }
0xf6: {  	v39 =	vmul.f32 $1.442695020e+00, v15;
	(erf) = vpow2.f32 v3  }
0xf7: {  	(erf) = vpow2.f32 v38  }
0xf8: {  	(erf) = vpow2.f32 v39  }
0xf9: {  	(erf) = vpow2.f32 v5  }
0xfa: {  	v40 =	vmul.f32 $1.442695020e+00, v7;
	[tilespmem:s21+$0x10320] =	vst v12;
	v42 =	vpop (erf);
	(erf) = vpow2.f32 v9  }
0xfb: {  	v41 =	vmul.f32 $5.000000000e-01, v11;
	[tilespmem:s21+$0x10220] =	vst v16;
	v0 =	vmul.f32 $5.000000000e-01, v0;
	v44 =	vpop (erf)  }
0xfc: {  	v43 =	vmul.f32 $1.442695020e+00, v14;
	[tilespmem:s21+$0x10390] =	vst v42;
	(erf) = vpow2.f32 v40;
	v46 =	vpop (erf)  }
0xfd: {  	v47 =	vmul.f32 $5.000000000e-01, v10;
	[tilespmem:s21+$0x103B0] =	vst v44;
	(erf) = vpow2.f32 v1;
	v48 =	vpop (erf)  }
0xfe: {  	v45 =	vmul.f32 $1.442695020e+00, v41;
	(erf) = vpow2.f32 v43;
	[tilespmem:s20+$0x10200] =	vst v46;
	v49 =	vpop (erf)  }
0xff: {  	v1 =	vmul.f32 $1.442695020e+00, v47;
	(erf) = vpow2.f32 v4;
	[tilespmem:s20+$0x102B0] =	vst v48;
	v50 =	vpop (erf)  }
0x100: {  	v0 =	vmul.f32 $1.442695020e+00, v0;
	(erf) = vpow2.f32 v45;
	[tilespmem:s20+$0x10330] =	vst v49;
	v51 =	vpop (erf)  }
0x101: {  	[tilespmem:s20+$0x10300] =	vst v50;
	(erf) = vpow2.f32 v1;
	v52 =	vpop (erf)  }
0x102: {  	[tilespmem:s20+$0x10230] =	vst v51;
	(erf) = vpow2.f32 v0;
	v53 =	vpop (erf)  }
0x103: {  	[tilespmem:s20+$0x10310] =	vst v52;
	v54 =	vpop (erf);
	(erf) = vpow2.f32 v2  }
0x104: {  	[tilespmem:s20+$0x10280] =	vst v53  }
0x105: {  	v55 =	vpop (erf);
	[tilespmem:s20+$0x10210] =	vst v54  }
0x106: {  	v56 =	vpop (erf);
	[tilespmem:s20+$0x10290] =	vst v55  }
0x107: {  	v57 =	vpop (erf);
	[tilespmem:s20+$0x102A0] =	vst v56  }
0x108: {  	v58 =	vpop (erf);
	[tilespmem:s20+$0x10320] =	vst v57  }
0x109: {  	[tilespmem:s20+$0x103A0] =	vst v58;
	v59 =	vpop (erf)  }
0x10a: {  	[tilespmem:s20+$0x10380] =	vst v59;
	v60 =	vpop (erf)  }
0x10b: {  	[tilespmem:s20+$0x10220] =	vst v60;
	v61 =	vpop (erf)  }
0x10c: {  	[tilespmem:s20+$0x10390] =	vst v61;
	v62 =	vpop (erf)  }
0x10d: {  	s24 =	simm.s32 $0x0;
	[tilespmem:s20+$0x103B0] =	vst v62  }
0x10e: {  	[hbm4b:s6+s24] =	stream.linear.scatter [tilespmem:s16], [sflag:$0x3], $0x8000, $0x38;
	[tilespmem:$0x18200] =	vst v63  }
0x10f: {  	_ =	swait.ge [sflag:s13], $0x8000  }
0x110: {  	[sflag:s13] =	ssyncset.done $0x0  }
0x111: {  	[sflag:s13] =	ssyncadd.s32 $0xFFFF8000  }
0x112: {  	[hbm4b:s7+s24] =	stream.linear.scatter [tilespmem:s17], [sflag:$0x3], $0x8000, $0x38;
	[tilespmem:$0x18200] =	vst v63  }
0x113: {  	_ =	swait.ge [sflag:s13], $0x8000  }
0x114: {  	[sflag:s13] =	ssyncset.done $0x0  }
0x115: {  	[sflag:s13] =	ssyncadd.s32 $0xFFFF8000  }
0x116: {  	[hbm4b:s8+s24] =	stream.linear.scatter [tilespmem:s18], [sflag:$0x3], $0x8000, $0x38;
	[tilespmem:$0x18200] =	vst v63  }
0x117: {  	_ =	swait.ge [sflag:s13], $0x8000  }
0x118: {  	[sflag:s13] =	ssyncset.done $0x0  }
0x119: {  	s20 =	sand.u32 $0xF0, s24;
	[sflag:s13] =	ssyncadd.s32 $0xFFFF8000  }
0x11a: {  	v63 =	vld [tilespmem:s20+$0x100];
	_ =	sdelay $0x4  }
0x11b: {  	v0 =	vshll.u32 v63, $0x4  }
0x11c: {  	(v2sf) =	vpush v0, $0x0;
	_ =	sdelay $0x1  }
0x11d: {  	(v2sf) =	vpush v0, $0x1;
	_ =	sdelay $0x1  }
0x11e: {  	(v2sf) =	vpush v0, $0x2;
	_ =	sdelay $0x3  }
0x11f: {  	(v2sf) =	vpush v0, $0x3;
	_ =	sdelay $0x1  }
0x120: {  	(v2sf) =	vpush v0, $0x4;
	_ =	sdelay $0x4  }
0x121: {  	s23 =	simm.s32 $0x200;
	s25 =	spop (v2sf)  }
0x122: {  	s28 =	simm.s32 $0x8200;
	s30 =	simm.s32 $0x280;
	(v2sf) =	vpush v0, $0x5;
	s20 =	sand.u32 $0x1FFFFFF0, s25  }
0x123: {  	s26 =	spop (v2sf);
	s25 =	simm.s32 $0x300;
	s22 =	sadd.s32 s3, s20  }
0x124: {  	[tilespmem:s23], [sflag:$0x1] =	stream.linear.gather [hbm4b:s22+s1], $0x80, $0x38;
	[tilespmem:$0x18200] =	vst v63  }
0x125: {  	s21 =	sand.u32 $0x1FFFFFF0, s26;
	s20 =	sadd.s32 s4, s20;
	s29 =	spop (v2sf)  }
0x126: {  	(v2sf) =	vpush v0, $0x6;
	[tilespmem:s28], [sflag:$0x2] =	stream.linear.gather [hbm4b:s20+s1], $0x80, $0x38;
	[tilespmem:$0x18200] =	vst v63  }
0x127: {  	s31 =	sadd.s32 s3, s21;
	s23 =	simm.s32 $0x8280;
	s21 =	sadd.s32 s4, s21  }
0x128: {  	(v2sf) =	vpush v0, $0x7;
	[tilespmem:s30], [sflag:$0x1] =	stream.linear.gather [hbm4b:s31+s1], $0x80, $0x38;
	[tilespmem:$0x18200] =	vst v63  }
0x129: {  	s24 =	spop (v2sf);
	s22 =	simm.s32 $0x8980;
	s20 =	sand.u32 $0x1FFFFFF0, s29  }
0x12a: {  	[tilespmem:s23], [sflag:$0x2] =	stream.linear.gather [hbm4b:s21+s1], $0x80, $0x38;
	[tilespmem:$0x18200] =	vst v63  }
0x12b: {  	s28 =	simm.s32 $0x8300;
	s29 =	spop (v2sf);
	s26 =	sadd.s32 s3, s20  }
0x12c: {  	(v2sf) =	vpush v0, $0x8;
	[tilespmem:s25], [sflag:$0x1] =	stream.linear.gather [hbm4b:s26+s1], $0x80, $0x38;
	[tilespmem:$0x18200] =	vst v63  }
0x12d: {  	s20 =	sadd.s32 s4, s20;
	s30 =	simm.s32 $0x380;
	s21 =	sand.u32 $0x1FFFFFF0, s24  }
0x12e: {  	[tilespmem:s28], [sflag:$0x2] =	stream.linear.gather [hbm4b:s20+s1], $0x80, $0x38;
	[tilespmem:$0x18200] =	vst v63  }
0x12f: {  	s23 =	simm.s32 $0x8380;
	s31 =	sadd.s32 s3, s21;
	s21 =	sadd.s32 s4, s21  }
0x130: {  	[tilespmem:s30], [sflag:$0x1] =	stream.linear.gather [hbm4b:s31+s1], $0x80, $0x38;
	[tilespmem:$0x18200] =	vst v63  }
0x131: {  	s25 =	simm.s32 $0x400;
	s20 =	sand.u32 $0x1FFFFFF0, s29;
	s24 =	spop (v2sf)  }
0x132: {  	(v2sf) =	vpush v0, $0x9;
	[tilespmem:s23], [sflag:$0x2] =	stream.linear.gather [hbm4b:s21+s1], $0x80, $0x38;
	[tilespmem:$0x18200] =	vst v63  }
0x133: {  	s28 =	simm.s32 $0x8400;
	s26 =	sadd.s32 s3, s20;
	s20 =	sadd.s32 s4, s20  }
0x134: {  	[tilespmem:s25], [sflag:$0x1] =	stream.linear.gather [hbm4b:s26+s1], $0x80, $0x38;
	[tilespmem:$0x18200] =	vst v63  }
0x135: {  	s30 =	simm.s32 $0x480;
	s29 =	spop (v2sf);
	s21 =	sand.u32 $0x1FFFFFF0, s24  }
0x136: {  	(v2sf) =	vpush v0, $0xA;
	[tilespmem:s28], [sflag:$0x2] =	stream.linear.gather [hbm4b:s20+s1], $0x80, $0x38;
	[tilespmem:$0x18200] =	vst v63  }
0x137: {  	s23 =	simm.s32 $0x8480;
	s24 =	spop (v2sf);
	s31 =	sadd.s32 s3, s21  }
0x138: {  	(v2sf) =	vpush v0, $0xB;
	[tilespmem:s30], [sflag:$0x1] =	stream.linear.gather [hbm4b:s31+s1], $0x80, $0x38;
	[tilespmem:$0x18200] =	vst v63  }
0x139: {  	s21 =	sadd.s32 s4, s21;
	s25 =	simm.s32 $0x500;
	s20 =	sand.u32 $0x1FFFFFF0, s29  }
0x13a: {  	[tilespmem:s23], [sflag:$0x2] =	stream.linear.gather [hbm4b:s21+s1], $0x80, $0x38;
	[tilespmem:$0x18200] =	vst v63  }
0x13b: {  	s28 =	simm.s32 $0x8500;
	s29 =	spop (v2sf);
	s26 =	sadd.s32 s3, s20  }
0x13c: {  	(v2sf) =	vpush v0, $0xC;
	[tilespmem:s25], [sflag:$0x1] =	stream.linear.gather [hbm4b:s26+s1], $0x80, $0x38;
	[tilespmem:$0x18200] =	vst v63  }
0x13d: {  	s20 =	sadd.s32 s4, s20;
	s30 =	simm.s32 $0x580;
	s21 =	sand.u32 $0x1FFFFFF0, s24  }
0x13e: {  	[tilespmem:s28], [sflag:$0x2] =	stream.linear.gather [hbm4b:s20+s1], $0x80, $0x38;
	[tilespmem:$0x18200] =	vst v63  }
0x13f: {  	s23 =	simm.s32 $0x8580;
	s31 =	sadd.s32 s3, s21;
	s21 =	sadd.s32 s4, s21  }
0x140: {  	[tilespmem:s30], [sflag:$0x1] =	stream.linear.gather [hbm4b:s31+s1], $0x80, $0x38;
	[tilespmem:$0x18200] =	vst v63  }
0x141: {  	s25 =	simm.s32 $0x600;
	s20 =	sand.u32 $0x1FFFFFF0, s29;
	s24 =	spop (v2sf)  }
0x142: {  	(v2sf) =	vpush v0, $0xD;
	[tilespmem:s23], [sflag:$0x2] =	stream.linear.gather [hbm4b:s21+s1], $0x80, $0x38;
	[tilespmem:$0x18200] =	vst v63  }
0x143: {  	s28 =	simm.s32 $0x8600;
	s26 =	sadd.s32 s3, s20;
	s20 =	sadd.s32 s4, s20  }
0x144: {  	[tilespmem:s25], [sflag:$0x1] =	stream.linear.gather [hbm4b:s26+s1], $0x80, $0x38;
	[tilespmem:$0x18200] =	vst v63  }
0x145: {  	s29 =	spop (v2sf);
	s30 =	simm.s32 $0x680;
	s21 =	sand.u32 $0x1FFFFFF0, s24  }
0x146: {  	(v2sf) =	vpush v0, $0xE;
	[tilespmem:s28], [sflag:$0x2] =	stream.linear.gather [hbm4b:s20+s1], $0x80, $0x38;
	[tilespmem:$0x18200] =	vst v63  }
0x147: {  	s23 =	simm.s32 $0x8680;
	s24 =	spop (v2sf);
	s31 =	sadd.s32 s3, s21  }
0x148: {  	[tilespmem:s30], [sflag:$0x1] =	stream.linear.gather [hbm4b:s31+s1], $0x80, $0x38;
	[tilespmem:$0x18200] =	vst v63  }
0x149: {  	s21 =	sadd.s32 s4, s21;
	s25 =	simm.s32 $0x700;
	s20 =	sand.u32 $0x1FFFFFF0, s29  }
0x14a: {  	(v2sf) =	vpush v0, $0xF;
	[tilespmem:s23], [sflag:$0x2] =	stream.linear.gather [hbm4b:s21+s1], $0x80, $0x38;
	[tilespmem:$0x18200] =	vst v63  }
0x14b: {  	s28 =	simm.s32 $0x8700;
	s29 =	spop (v2sf);
	s26 =	sadd.s32 s3, s20  }
0x14c: {  	[tilespmem:s25], [sflag:$0x1] =	stream.linear.gather [hbm4b:s26+s1], $0x80, $0x38;
	[tilespmem:$0x18200] =	vst v63  }
0x14d: {  	s20 =	sadd.s32 s4, s20;
	s30 =	simm.s32 $0x780;
	s21 =	sand.u32 $0x1FFFFFF0, s24  }
0x14e: {  	[tilespmem:s28], [sflag:$0x2] =	stream.linear.gather [hbm4b:s20+s1], $0x80, $0x38;
	[tilespmem:$0x18200] =	vst v63  }
0x14f: {  	s23 =	simm.s32 $0x8780;
	s31 =	sadd.s32 s3, s21;
	s21 =	sadd.s32 s4, s21  }
0x150: {  	[tilespmem:s30], [sflag:$0x1] =	stream.linear.gather [hbm4b:s31+s1], $0x80, $0x38;
	[tilespmem:$0x18200] =	vst v63  }
0x151: {  	s25 =	simm.s32 $0x800;
	s20 =	sand.u32 $0x1FFFFFF0, s29;
	s24 =	spop (v2sf)  }
0x152: {  	[tilespmem:s23], [sflag:$0x2] =	stream.linear.gather [hbm4b:s21+s1], $0x80, $0x38;
	[tilespmem:$0x18200] =	vst v63  }
0x153: {  	s28 =	simm.s32 $0x8800;
	s26 =	sadd.s32 s3, s20;
	s20 =	sadd.s32 s4, s20  }
0x154: {  	[tilespmem:s25], [sflag:$0x1] =	stream.linear.gather [hbm4b:s26+s1], $0x80, $0x38;
	[tilespmem:$0x18200] =	vst v63  }
0x155: {  	s29 =	spop (v2sf);
	s30 =	simm.s32 $0x880;
	s21 =	sand.u32 $0x1FFFFFF0, s24  }
0x156: {  	[tilespmem:s28], [sflag:$0x2] =	stream.linear.gather [hbm4b:s20+s1], $0x80, $0x38;
	[tilespmem:$0x18200] =	vst v63  }
0x157: {  	s24 =	simm.s32 $0x8880;
	s31 =	sadd.s32 s3, s21;
	s21 =	sadd.s32 s4, s21  }
0x158: {  	[tilespmem:s30], [sflag:$0x1] =	stream.linear.gather [hbm4b:s31+s1], $0x80, $0x38;
	[tilespmem:$0x18200] =	vst v63  }
0x159: {  	s25 =	spop (v2sf);
	s26 =	simm.s32 $0x900;
	s20 =	sand.u32 $0x1FFFFFF0, s29  }
0x15a: {  	[tilespmem:s24], [sflag:$0x2] =	stream.linear.gather [hbm4b:s21+s1], $0x80, $0x38;
	[tilespmem:$0x18200] =	vst v63  }
0x15b: {  	s29 =	simm.s32 $0x8900;
	s28 =	sadd.s32 s3, s20;
	s21 =	sand.u32 $0x1FFFFFF0, s25  }
0x15c: {  	[tilespmem:s26], [sflag:$0x1] =	stream.linear.gather [hbm4b:s28+s1], $0x80, $0x38;
	[tilespmem:$0x18200] =	vst v63  }
0x15d: {  	s20 =	sadd.s32 s4, s20;
	s30 =	simm.s32 $0x980;
	s31 =	sadd.s32 s3, s21  }
0x15e: {  	[tilespmem:s29], [sflag:$0x2] =	stream.linear.gather [hbm4b:s20+s1], $0x80, $0x38;
	[tilespmem:$0x18200] =	vst v63  }
0x15f: {  	s23 =	sadd.s32 s4, s21;
	s21 =	simm.s32 $0x10;
	s20 =	simm.s32 $0x2000  }
0x160: {  	[tilespmem:s30], [sflag:$0x1] =	stream.linear.gather [hbm4b:s31+s1], $0x80, $0x38;
	[tilespmem:$0x18200] =	vst v63  }
.LBB2_6:
0x161: {  	s24 =	sand.u32 $0xF0, s21  }
0x162: {  	p0 =	sne.s32 s20, $0x1E000;
	s25 =	smov.u32 s20;
	s20 =	sadd.s32 $0x2000, s20  }
0x163: {  	[tilespmem:s22], [sflag:$0x2] =	stream.linear.gather [hbm4b:s23+s1], $0x80, $0x38;
	[tilespmem:$0x18200] =	vst v63  }
0x164: {  	v0 =	vld [tilespmem:s24+$0x100];
	_ =	sdelay $0x4  }
0x165: {  	v0 =	vshll.u32 v0, $0x4  }
0x166: {  	(v2sf) =	vpush v0, $0x0  }
0x167: {  	(v2sf) =	vpush v0, $0x1  }
0x168: {  	(v2sf) =	vpush v0, $0x2;
	_ =	sdelay $0x2  }
0x169: {  	(v2sf) =	vpush v0, $0x3;
	_ =	sdelay $0x3  }
0x16a: {  	(v2sf) =	vpush v0, $0x4;
	_ =	sdelay $0x3  }
0x16b: {  	(v2sf) =	vpush v0, $0x5;
	_ =	sdelay $0x1  }
0x16c: {  	s23 =	spop (v2sf)  }
0x16d: {  	s22 =	sshra.s32 s25, $0x2;
	s23 =	sand.u32 $0x1FFFFFF0, s23;
	s24 =	spop (v2sf)  }
0x16e: {  	s26 =	sadd.s32 $0x8200, s22;
	s25 =	sadd.s32 s3, s23;
	s28 =	spop (v2sf);
	(v2sf) =	vpush v0, $0x6  }
0x16f: {  	s29 =	sadd.s32 $0x200, s22;
	s24 =	sand.u32 $0x1FFFFFF0, s24;
	s28 =	sand.u32 $0x1FFFFFF0, s28  }
0x170: {  	[tilespmem:s29], [sflag:$0x1] =	stream.linear.gather [hbm4b:s25+s1], $0x80, $0x38;
	[tilespmem:$0x18200] =	vst v63  }
0x171: {  	s23 =	sadd.s32 s4, s23;
	s25 =	sadd.s32 $0x280, s22;
	s29 =	spop (v2sf)  }
0x172: {  	[tilespmem:s26], [sflag:$0x2] =	stream.linear.gather [hbm4b:s23+s1], $0x80, $0x38;
	(v2sf) =	vpush v0, $0x7;
	[tilespmem:$0x18200] =	vst v63  }
0x173: {  	s23 =	sadd.s32 s3, s24;
	s26 =	sadd.s32 $0x8280, s22;
	s29 =	sand.u32 $0x1FFFFFF0, s29  }
0x174: {  	[tilespmem:s25], [sflag:$0x1] =	stream.linear.gather [hbm4b:s23+s1], $0x80, $0x38;
	[tilespmem:$0x18200] =	vst v63  }
0x175: {  	s23 =	sadd.s32 s4, s24;
	s24 =	sadd.s32 $0x300, s22;
	s25 =	spop (v2sf)  }
0x176: {  	[tilespmem:s26], [sflag:$0x2] =	stream.linear.gather [hbm4b:s23+s1], $0x80, $0x38;
	[tilespmem:$0x18200] =	vst v63  }
0x177: {  	s23 =	sadd.s32 s3, s28;
	s26 =	sadd.s32 $0x8300, s22;
	s25 =	sand.u32 $0x1FFFFFF0, s25  }
0x178: {  	[tilespmem:s24], [sflag:$0x1] =	stream.linear.gather [hbm4b:s23+s1], $0x80, $0x38;
	(v2sf) =	vpush v0, $0x8;
	[tilespmem:$0x18200] =	vst v63  }
0x179: {  	s23 =	sadd.s32 s4, s28;
	s24 =	sadd.s32 $0x380, s22;
	s28 =	spop (v2sf)  }
0x17a: {  	[tilespmem:s26], [sflag:$0x2] =	stream.linear.gather [hbm4b:s23+s1], $0x80, $0x38;
	[tilespmem:$0x18200] =	vst v63  }
0x17b: {  	s23 =	sadd.s32 s3, s29;
	s26 =	sadd.s32 $0x8380, s22;
	s28 =	sand.u32 $0x1FFFFFF0, s28  }
0x17c: {  	[tilespmem:s24], [sflag:$0x1] =	stream.linear.gather [hbm4b:s23+s1], $0x80, $0x38;
	(v2sf) =	vpush v0, $0x9;
	[tilespmem:$0x18200] =	vst v63  }
0x17d: {  	s23 =	sadd.s32 s4, s29;
	s24 =	sadd.s32 $0x400, s22;
	s29 =	spop (v2sf)  }
0x17e: {  	[tilespmem:s26], [sflag:$0x2] =	stream.linear.gather [hbm4b:s23+s1], $0x80, $0x38;
	[tilespmem:$0x18200] =	vst v63  }
0x17f: {  	s23 =	sadd.s32 s3, s25;
	s26 =	sadd.s32 $0x8400, s22;
	s29 =	sand.u32 $0x1FFFFFF0, s29  }
0x180: {  	[tilespmem:s24], [sflag:$0x1] =	stream.linear.gather [hbm4b:s23+s1], $0x80, $0x38;
	(v2sf) =	vpush v0, $0xA;
	[tilespmem:$0x18200] =	vst v63  }
0x181: {  	s23 =	sadd.s32 s4, s25;
	s24 =	sadd.s32 $0x480, s22;
	s25 =	spop (v2sf)  }
0x182: {  	[tilespmem:s26], [sflag:$0x2] =	stream.linear.gather [hbm4b:s23+s1], $0x80, $0x38;
	[tilespmem:$0x18200] =	vst v63  }
0x183: {  	s23 =	sadd.s32 s3, s28;
	s26 =	sadd.s32 $0x8480, s22;
	s25 =	sand.u32 $0x1FFFFFF0, s25  }
0x184: {  	[tilespmem:s24], [sflag:$0x1] =	stream.linear.gather [hbm4b:s23+s1], $0x80, $0x38;
	(v2sf) =	vpush v0, $0xB;
	[tilespmem:$0x18200] =	vst v63  }
0x185: {  	s23 =	sadd.s32 s4, s28;
	s24 =	sadd.s32 $0x500, s22;
	s28 =	sadd.s32 s3, s29  }
0x186: {  	[tilespmem:s26], [sflag:$0x2] =	stream.linear.gather [hbm4b:s23+s1], $0x80, $0x38;
	[tilespmem:$0x18200] =	vst v63  }
0x187: {  	s23 =	sadd.s32 $0x8500, s22;
	s26 =	sadd.s32 s4, s29;
	s29 =	spop (v2sf)  }
0x188: {  	[tilespmem:s24], [sflag:$0x1] =	stream.linear.gather [hbm4b:s28+s1], $0x80, $0x38;
	(v2sf) =	vpush v0, $0xC;
	[tilespmem:$0x18200] =	vst v63  }
0x189: {  	s24 =	sadd.s32 $0x580, s22;
	s28 =	sadd.s32 s3, s25;
	s29 =	sand.u32 $0x1FFFFFF0, s29  }
0x18a: {  	[tilespmem:s23], [sflag:$0x2] =	stream.linear.gather [hbm4b:s26+s1], $0x80, $0x38;
	[tilespmem:$0x18200] =	vst v63  }
0x18b: {  	s25 =	sadd.s32 s4, s25;
	s23 =	sadd.s32 $0x8580, s22;
	s26 =	spop (v2sf)  }
0x18c: {  	[tilespmem:s24], [sflag:$0x1] =	stream.linear.gather [hbm4b:s28+s1], $0x80, $0x38;
	(v2sf) =	vpush v0, $0xD;
	[tilespmem:$0x18200] =	vst v63  }
0x18d: {  	s24 =	sadd.s32 $0x600, s22;
	s28 =	sadd.s32 s3, s29;
	s26 =	sand.u32 $0x1FFFFFF0, s26  }
0x18e: {  	[tilespmem:s23], [sflag:$0x2] =	stream.linear.gather [hbm4b:s25+s1], $0x80, $0x38;
	[tilespmem:$0x18200] =	vst v63  }
0x18f: {  	s23 =	sadd.s32 $0x8600, s22;
	s25 =	sadd.s32 s4, s29;
	s29 =	spop (v2sf)  }
0x190: {  	[tilespmem:s24], [sflag:$0x1] =	stream.linear.gather [hbm4b:s28+s1], $0x80, $0x38;
	(v2sf) =	vpush v0, $0xE;
	[tilespmem:$0x18200] =	vst v63  }
0x191: {  	s24 =	sadd.s32 $0x680, s22;
	s28 =	sadd.s32 s3, s26;
	s29 =	sand.u32 $0x1FFFFFF0, s29  }
0x192: {  	[tilespmem:s23], [sflag:$0x2] =	stream.linear.gather [hbm4b:s25+s1], $0x80, $0x38;
	[tilespmem:$0x18200] =	vst v63  }
0x193: {  	s23 =	sadd.s32 $0x8680, s22;
	s25 =	sadd.s32 s4, s26;
	s26 =	spop (v2sf)  }
0x194: {  	[tilespmem:s24], [sflag:$0x1] =	stream.linear.gather [hbm4b:s28+s1], $0x80, $0x38;
	(v2sf) =	vpush v0, $0xF;
	[tilespmem:$0x18200] =	vst v63  }
0x195: {  	s24 =	sadd.s32 $0x700, s22;
	s28 =	sadd.s32 s3, s29;
	s26 =	sand.u32 $0x1FFFFFF0, s26  }
0x196: {  	[tilespmem:s23], [sflag:$0x2] =	stream.linear.gather [hbm4b:s25+s1], $0x80, $0x38;
	[tilespmem:$0x18200] =	vst v63  }
0x197: {  	s23 =	sadd.s32 $0x8700, s22;
	s25 =	sadd.s32 s4, s29;
	s29 =	spop (v2sf)  }
0x198: {  	[tilespmem:s24], [sflag:$0x1] =	stream.linear.gather [hbm4b:s28+s1], $0x80, $0x38;
	[tilespmem:$0x18200] =	vst v63  }
0x199: {  	s24 =	sadd.s32 $0x780, s22;
	s28 =	sadd.s32 s3, s26;
	s29 =	sand.u32 $0x1FFFFFF0, s29  }
0x19a: {  	[tilespmem:s23], [sflag:$0x2] =	stream.linear.gather [hbm4b:s25+s1], $0x80, $0x38;
	[tilespmem:$0x18200] =	vst v63  }
0x19b: {  	s23 =	sadd.s32 $0x8780, s22;
	s25 =	sadd.s32 s4, s26;
	s26 =	spop (v2sf)  }
0x19c: {  	[tilespmem:s24], [sflag:$0x1] =	stream.linear.gather [hbm4b:s28+s1], $0x80, $0x38;
	[tilespmem:$0x18200] =	vst v63  }
0x19d: {  	s24 =	sadd.s32 $0x800, s22;
	s28 =	sadd.s32 s3, s29;
	s26 =	sand.u32 $0x1FFFFFF0, s26  }
0x19e: {  	[tilespmem:s23], [sflag:$0x2] =	stream.linear.gather [hbm4b:s25+s1], $0x80, $0x38;
	[tilespmem:$0x18200] =	vst v63  }
0x19f: {  	s23 =	sadd.s32 $0x8800, s22;
	s25 =	sadd.s32 s4, s29;
	s29 =	spop (v2sf)  }
0x1a0: {  	[tilespmem:s24], [sflag:$0x1] =	stream.linear.gather [hbm4b:s28+s1], $0x80, $0x38;
	[tilespmem:$0x18200] =	vst v63  }
0x1a1: {  	s24 =	sadd.s32 $0x880, s22;
	s28 =	sadd.s32 s3, s26;
	s29 =	sand.u32 $0x1FFFFFF0, s29  }
0x1a2: {  	[tilespmem:s23], [sflag:$0x2] =	stream.linear.gather [hbm4b:s25+s1], $0x80, $0x38;
	[tilespmem:$0x18200] =	vst v63  }
0x1a3: {  	s23 =	sadd.s32 $0x8880, s22;
	s25 =	sadd.s32 s4, s26;
	s26 =	spop (v2sf)  }
0x1a4: {  	[tilespmem:s24], [sflag:$0x1] =	stream.linear.gather [hbm4b:s28+s1], $0x80, $0x38;
	[tilespmem:$0x18200] =	vst v63  }
0x1a5: {  	s24 =	sadd.s32 $0x900, s22;
	s28 =	sadd.s32 s3, s29;
	s26 =	sand.u32 $0x1FFFFFF0, s26  }
0x1a6: {  	[tilespmem:s23], [sflag:$0x2] =	stream.linear.gather [hbm4b:s25+s1], $0x80, $0x38;
	[tilespmem:$0x18200] =	vst v63  }
0x1a7: {  	s23 =	sadd.s32 $0x8900, s22;
	s25 =	sadd.s32 s4, s29  }
0x1a8: {  	[tilespmem:s24], [sflag:$0x1] =	stream.linear.gather [hbm4b:s28+s1], $0x80, $0x38;
	[tilespmem:$0x18200] =	vst v63  }
.Ltmp2:
0x1a9: {  	_ = 	snop;
	(pc) =	sbr.rel @p0 .LBB2_6-.Ltmp2, $4  }
0x1aa: {  	s24 =	sadd.s32 $0x980, s22;
	s28 =	sadd.s32 s3, s26  }
0x1ab: {  	[tilespmem:s23], [sflag:$0x2] =	stream.linear.gather [hbm4b:s25+s1], $0x80, $0x38;
	[tilespmem:$0x18200] =	vst v63  }
0x1ac: {  	s21 =	sadd.s32 $0x10, s21;
	s22 =	sadd.s32 $0x8980, s22;
	s23 =	sadd.s32 s4, s26  }
0x1ad: {  	[tilespmem:s24], [sflag:$0x1] =	stream.linear.gather [hbm4b:s28+s1], $0x80, $0x38;
	[tilespmem:$0x18200] =	vst v63  }
0x1ae: {  	[tilespmem:s22], [sflag:$0x2] =	stream.linear.gather [hbm4b:s23+s1], $0x80, $0x38;
	[tilespmem:$0x18200] =	vst v63  }
0x1af: {  	_ =	swait.ge [sflag:s14], $0x8000  }
0x1b0: {  	[sflag:s14] =	ssyncset.done $0x0  }
0x1b1: {  	[sflag:s14] =	ssyncadd.s32 $0xFFFF8000  }
0x1b2: {  	_ =	swait.ge [sflag:s15], $0x8000  }
0x1b3: {  	[sflag:s15] =	ssyncset.done $0x0  }
0x1b4: {  	s21 =	simm.s32 $0x0;
	[sflag:s15] =	ssyncadd.s32 $0xFFFF8000  }
0x1b5: {  	v0 =	vld [tilespmem:s21+$0x8300]  }
0x1b6: {  	v1 =	vld [tilespmem:s21+$0x82A0]  }
0x1b7: {  	v2 =	vld [tilespmem:s21+$0x82B0]  }
0x1b8: {  	v3 =	vld [tilespmem:s21+$0x8330]  }
0x1b9: {  	v4 =	vld [tilespmem:s21+$0x8280]  }
0x1ba: {  	v5 =	vld [tilespmem:s21+$0x8200]  }
0x1bb: {  	v7 =	vld [tilespmem:s21+$0x8310]  }
0x1bc: {  	v9 =	vld [tilespmem:s21+$0x83A0]  }
0x1bd: {  	v10 =	vld [tilespmem:s21+$0x8210]  }
0x1be: {  	v11 =	vld [tilespmem:s21+$0x8230]  }
0x1bf: {  	v12 =	vld [tilespmem:s21+$0x83B0];
	v2 =	vmul.f32 $5.000000000e-01, v2  }
0x1c0: {  	v1 =	vmul.f32 $5.000000000e-01, v1;
	v0 =	vmul.f32 $5.000000000e-01, v0  }
0x1c1: {  	v3 =	vmul.f32 $5.000000000e-01, v3;
	v4 =	vmul.f32 $5.000000000e-01, v4  }
0x1c2: {  	v5 =	vmul.f32 $5.000000000e-01, v5;
	v9 =	vmul.f32 $5.000000000e-01, v9  }
0x1c3: {  	v10 =	vmul.f32 $5.000000000e-01, v10;
	v11 =	vmul.f32 $5.000000000e-01, v11  }
0x1c4: {  	v8 =	vld [tilespmem:s21+$0x8290];
	v12 =	vmul.f32 $5.000000000e-01, v12;
	v7 =	vmul.f32 $5.000000000e-01, v7  }
0x1c5: {  	v0 =	vmul.f32 $1.442695020e+00, v0;
	v1 =	vmul.f32 $1.442695020e+00, v1  }
0x1c6: {  	v4 =	vmul.f32 $1.442695020e+00, v4;
	v5 =	vmul.f32 $1.442695020e+00, v5  }
0x1c7: {  	v2 =	vmul.f32 $1.442695020e+00, v2;
	v3 =	vmul.f32 $1.442695020e+00, v3  }
0x1c8: {  	v13 =	vld [tilespmem:s21+$0x8320];
	v11 =	vmul.f32 $1.442695020e+00, v11;
	(erf) = vpow2.f32 v5  }
0x1c9: {  	s20 =	simm.s32 $0x200;
	v14 =	vld [tilespmem:s21+$0x8380];
	v5 =	vmul.f32 $5.000000000e-01, v8;
	(erf) = vpow2.f32 v2  }
0x1ca: {  	v8 =	vmul.f32 $1.442695020e+00, v9;
	v9 =	vld [tilespmem:s20+$0x8300];
	(erf) = vpow2.f32 v3  }
0x1cb: {  	v7 =	vmul.f32 $1.442695020e+00, v7;
	v2 =	vld [tilespmem:s20+$0x82B0];
	(erf) = vpow2.f32 v0  }
0x1cc: {  	v6 =	vld [tilespmem:s21+$0x8390];
	v10 =	vmul.f32 $1.442695020e+00, v10;
	(erf) = vpow2.f32 v11  }
0x1cd: {  	v15 =	vld [tilespmem:s21+$0x8220];
	v12 =	vmul.f32 $1.442695020e+00, v12;
	(erf) = vpow2.f32 v7  }
0x1ce: {  	v16 =	vld [tilespmem:s20+$0x82A0];
	v7 =	vmul.f32 $5.000000000e-01, v13;
	v13 =	vmul.f32 $5.000000000e-01, v14  }
0x1cf: {  	v3 =	vld [tilespmem:s20+$0x8330];
	v9 =	vmul.f32 $5.000000000e-01, v9;
	(erf) = vpow2.f32 v4  }
0x1d0: {  	v17 =	vld [tilespmem:s20+$0x8280];
	v4 =	vmul.f32 $1.442695020e+00, v5;
	v2 =	vmul.f32 $5.000000000e-01, v2  }
0x1d1: {  	v18 =	vld [tilespmem:s20+$0x8310];
	(erf) = vpow2.f32 v10;
	v7 =	vmul.f32 $1.442695020e+00, v7  }
0x1d2: {  	v0 =	vld [tilespmem:s20+$0x8390];
	(erf) = vpow2.f32 v4;
	v4 =	vmul.f32 $5.000000000e-01, v6  }
0x1d3: {  	v11 =	vld [tilespmem:s20+$0x8200];
	v6 =	vmul.f32 $1.442695020e+00, v13;
	v13 =	vmul.f32 $5.000000000e-01, v16;
	v5 =	vpop (erf)  }
0x1d4: {  	v10 =	vld [tilespmem:s20+$0x8290];
	v16 =	vmul.f32 $5.000000000e-01, v3;
	v3 =	vmul.f32 $1.442695020e+00, v9;
	[tilespmem:s21+$0x10200] =	vst v5  }
0x1d5: {  	(erf) = vpow2.f32 v1;
	v5 =	vmul.f32 $5.000000000e-01, v15;
	v1 =	vpop (erf);
	v15 =	vld [tilespmem:s20+$0x83A0]  }
0x1d6: {  	v4 =	vmul.f32 $1.442695020e+00, v4;
	(erf) = vpow2.f32 v7;
	v14 =	vld [tilespmem:s20+$0x8230];
	[tilespmem:s21+$0x102B0] =	vst v1;
	v1 =	vpop (erf)  }
0x1d7: {  	(erf) = vpow2.f32 v8;
	v5 =	vmul.f32 $1.442695020e+00, v5;
	v7 =	vld [tilespmem:s20+$0x8210];
	[tilespmem:s21+$0x10330] =	vst v1;
	v1 =	vpop (erf)  }
0x1d8: {  	v8 =	vmul.f32 $5.000000000e-01, v17;
	(erf) = vpow2.f32 v6;
	[tilespmem:s21+$0x10300] =	vst v1;
	v1 =	vpop (erf)  }
0x1d9: {  	v9 =	vld [tilespmem:s20+$0x83B0];
	[tilespmem:s21+$0x10230] =	vst v1;
	v6 =	vpop (erf);
	v1 =	vmul.f32 $1.442695020e+00, v13;
	(erf) = vpow2.f32 v5  }
0x1da: {  	[tilespmem:s21+$0x10310] =	vst v6;
	v6 =	vmul.f32 $1.442695020e+00, v2;
	v2 =	vmul.f32 $5.000000000e-01, v15  }
0x1db: {  	v5 =	vmul.f32 $1.442695020e+00, v8;
	v13 =	vpop (erf);
	(erf) = vpow2.f32 v4  }
0x1dc: {  	v8 =	vmul.f32 $1.442695020e+00, v16;
	[tilespmem:s21+$0x10280] =	vst v13;
	v4 =	vpop (erf);
	v16 =	vmul.f32 $5.000000000e-01, v7  }
0x1dd: {  	v15 =	vmul.f32 $5.000000000e-01, v11;
	(erf) = vpow2.f32 v12;
	v17 =	vld [tilespmem:s20+$0x8320];
	[tilespmem:s21+$0x10210] =	vst v4;
	v13 =	vpop (erf)  }
0x1de: {  	v7 =	vmul.f32 $5.000000000e-01, v10;
	v11 =	vld [tilespmem:s20+$0x8380];
	v4 =	vmul.f32 $1.442695020e+00, v2;
	v2 =	vpop (erf)  }
0x1df: {  	[tilespmem:s21+$0x10290] =	vst v13;
	v13 =	vmul.f32 $5.000000000e-01, v14;
	v14 =	vmul.f32 $5.000000000e-01, v9;
	v12 =	vpop (erf)  }
0x1e0: {  	v19 =	vmul.f32 $1.442695020e+00, v15;
	v9 =	vmul.f32 $1.442695020e+00, v16;
	[tilespmem:s21+$0x102A0] =	vst v2;
	v16 =	vpop (erf)  }
0x1e1: {  	v15 =	vmul.f32 $5.000000000e-01, v18;
	v2 =	vmul.f32 $1.442695020e+00, v14;
	v10 =	vld [tilespmem:s20+$0x8220];
	[tilespmem:s21+$0x103A0] =	vst v16;
	v16 =	vpop (erf)  }
0x1e2: {  	s22 =	simm.s32 $0x1000;
	v14 =	vmul.f32 $5.000000000e-01, v17;
	(erf) = vpow2.f32 v19;
	[tilespmem:s21+$0x10380] =	vst v16;
	v16 =	vpop (erf)  }
.LBB2_8:
0x1e3: {  	s23 =	sshra.s32 s22, $0x2;
	p0 =	sne.s32 s22, $0x1F800;
	s22 =	sadd.s32 $0x800, s22;
	v13 =	vmul.f32 $1.442695020e+00, v13;
	v11 =	vmul.f32 $5.000000000e-01, v11;
	[tilespmem:s21+$0x10320] =	vst v12  }
0x1e4: {  	v15 =	vmul.f32 $1.442695020e+00, v15;
	v12 =	vld [tilespmem:s23+$0x8300];
	v14 =	vmul.f32 $1.442695020e+00, v14;
	[tilespmem:s21+$0x10220] =	vst v16;
	v16 =	vpop (erf)  }
0x1e5: {  	v17 =	vld [tilespmem:s23+$0x82A0];
	v11 =	vmul.f32 $1.442695020e+00, v11;
	(erf) = vpow2.f32 v6;
	[tilespmem:s21+$0x10390] =	vst v16  }
0x1e6: {  	v6 =	vld [tilespmem:s23+$0x82B0];
	v10 =	vmul.f32 $5.000000000e-01, v10;
	(erf) = vpow2.f32 v8;
	v8 =	vpop (erf)  }
0x1e7: {  	v0 =	vmul.f32 $5.000000000e-01, v0;
	v16 =	vld [tilespmem:s23+$0x8330];
	(erf) = vpow2.f32 v3;
	[tilespmem:s21+$0x103B0] =	vst v8;
	s21 =	smov.u32 s20;
	s20 =	smov.u32 s23  }
0x1e8: {  	v8 =	vld [tilespmem:s20+$0x8280];
	v10 =	vmul.f32 $1.442695020e+00, v10;
	(erf) = vpow2.f32 v13  }
0x1e9: {  	v18 =	vmul.f32 $1.442695020e+00, v0;
	v13 =	vld [tilespmem:s20+$0x8200];
	(erf) = vpow2.f32 v15  }
0x1ea: {  	v3 =	vmul.f32 $1.442695020e+00, v7;
	v0 =	vld [tilespmem:s20+$0x8390];
	(erf) = vpow2.f32 v5  }
0x1eb: {  	v6 =	vmul.f32 $5.000000000e-01, v6;
	v15 =	vld [tilespmem:s20+$0x8310];
	v5 =	vpop (erf);
	(erf) = vpow2.f32 v9  }
0x1ec: {  	v9 =	vmul.f32 $5.000000000e-01, v17;
	v7 =	vld [tilespmem:s20+$0x8290];
	[tilespmem:s21+$0x10200] =	vst v5;
	(erf) = vpow2.f32 v3  }
0x1ed: {  	v3 =	vmul.f32 $5.000000000e-01, v12;
	v17 =	vld [tilespmem:s20+$0x8230];
	(erf) = vpow2.f32 v1  }
0x1ee: {  	v12 =	vmul.f32 $5.000000000e-01, v16;
	v16 =	vld [tilespmem:s20+$0x83A0];
	v1 =	vpop (erf);
	(erf) = vpow2.f32 v14  }
0x1ef: {  	v3 =	vmul.f32 $1.442695020e+00, v3;
	[tilespmem:s21+$0x102B0] =	vst v1;
	v1 =	vpop (erf);
	(erf) = vpow2.f32 v4  }
0x1f0: {  	v5 =	vmul.f32 $5.000000000e-01, v8;
	v4 =	vld [tilespmem:s20+$0x8210];
	[tilespmem:s21+$0x10330] =	vst v1;
	v8 =	vpop (erf);
	(erf) = vpow2.f32 v11  }
0x1f1: {  	v1 =	vmul.f32 $1.442695020e+00, v9;
	[tilespmem:s21+$0x10300] =	vst v8;
	(erf) = vpow2.f32 v10;
	v8 =	vpop (erf)  }
0x1f2: {  	v6 =	vmul.f32 $1.442695020e+00, v6;
	v5 =	vmul.f32 $1.442695020e+00, v5;
	v9 =	vld [tilespmem:s20+$0x83B0];
	[tilespmem:s21+$0x10230] =	vst v8;
	v8 =	vpop (erf)  }
0x1f3: {  	v10 =	vmul.f32 $5.000000000e-01, v16;
	[tilespmem:s21+$0x10310] =	vst v8;
	v11 =	vpop (erf);
	(erf) = vpow2.f32 v18  }
0x1f4: {  	v14 =	vmul.f32 $5.000000000e-01, v13;
	v8 =	vmul.f32 $1.442695020e+00, v12;
	[tilespmem:s21+$0x10280] =	vst v11;
	v11 =	vpop (erf)  }
0x1f5: {  	v16 =	vmul.f32 $5.000000000e-01, v4;
	v18 =	vld [tilespmem:s20+$0x8320];
	[tilespmem:s21+$0x10210] =	vst v11;
	v12 =	vpop (erf);
	(erf) = vpow2.f32 v2  }
.Ltmp3:
0x1f6: {  	v7 =	vmul.f32 $5.000000000e-01, v7;
	v4 =	vmul.f32 $1.442695020e+00, v10;
	v11 =	vld [tilespmem:s20+$0x8380];
	[tilespmem:s21+$0x10290] =	vst v12;
	v2 =	vpop (erf);
	(pc) =	sbr.rel @p0 .LBB2_8-.Ltmp3, $4  }
0x1f7: {  	v13 =	vmul.f32 $5.000000000e-01, v17;
	v17 =	vmul.f32 $5.000000000e-01, v9;
	[tilespmem:s21+$0x102A0] =	vst v2;
	v12 =	vpop (erf)  }
0x1f8: {  	v19 =	vmul.f32 $1.442695020e+00, v14;
	v9 =	vmul.f32 $1.442695020e+00, v16;
	v14 =	vpop (erf)  }
0x1f9: {  	v15 =	vmul.f32 $5.000000000e-01, v15;
	v10 =	vld [tilespmem:s20+$0x8220];
	v2 =	vmul.f32 $1.442695020e+00, v17;
	[tilespmem:s21+$0x103A0] =	vst v14;
	v16 =	vpop (erf)  }
0x1fa: {  	v14 =	vmul.f32 $5.000000000e-01, v18;
	(erf) = vpow2.f32 v19;
	[tilespmem:s21+$0x10380] =	vst v16;
	v16 =	vpop (erf)  }
0x1fb: {  	(erf) = vpow2.f32 v6  }
0x1fc: {  	v39 =	vmul.f32 $1.442695020e+00, v13;
	(erf) = vpow2.f32 v8  }
0x1fd: {  	v40 =	vmul.f32 $1.442695020e+00, v15;
	(erf) = vpow2.f32 v3  }
0x1fe: {  	(erf) = vpow2.f32 v39  }
0x1ff: {  	(erf) = vpow2.f32 v40  }
0x200: {  	(erf) = vpow2.f32 v5  }
0x201: {  	v41 =	vmul.f32 $1.442695020e+00, v7;
	[tilespmem:s21+$0x10320] =	vst v12;
	v43 =	vpop (erf);
	(erf) = vpow2.f32 v9  }
0x202: {  	v42 =	vmul.f32 $5.000000000e-01, v11;
	[tilespmem:s21+$0x10220] =	vst v16;
	v0 =	vmul.f32 $5.000000000e-01, v0;
	v45 =	vpop (erf)  }
0x203: {  	v44 =	vmul.f32 $1.442695020e+00, v14;
	[tilespmem:s21+$0x10390] =	vst v43;
	(erf) = vpow2.f32 v41;
	v47 =	vpop (erf)  }
0x204: {  	v48 =	vmul.f32 $5.000000000e-01, v10;
	[tilespmem:s21+$0x103B0] =	vst v45;
	(erf) = vpow2.f32 v1;
	v49 =	vpop (erf)  }
0x205: {  	v46 =	vmul.f32 $1.442695020e+00, v42;
	(erf) = vpow2.f32 v44;
	[tilespmem:s20+$0x10200] =	vst v47;
	v50 =	vpop (erf)  }
0x206: {  	v1 =	vmul.f32 $1.442695020e+00, v48;
	(erf) = vpow2.f32 v4;
	[tilespmem:s20+$0x102B0] =	vst v49;
	v51 =	vpop (erf)  }
0x207: {  	v0 =	vmul.f32 $1.442695020e+00, v0;
	(erf) = vpow2.f32 v46;
	[tilespmem:s20+$0x10330] =	vst v50;
	v52 =	vpop (erf)  }
0x208: {  	[tilespmem:s20+$0x10300] =	vst v51;
	(erf) = vpow2.f32 v1;
	v53 =	vpop (erf)  }
0x209: {  	[tilespmem:s20+$0x10230] =	vst v52;
	(erf) = vpow2.f32 v0;
	v54 =	vpop (erf)  }
0x20a: {  	[tilespmem:s20+$0x10310] =	vst v53;
	v55 =	vpop (erf);
	(erf) = vpow2.f32 v2  }
0x20b: {  	[tilespmem:s20+$0x10280] =	vst v54  }
0x20c: {  	v56 =	vpop (erf);
	[tilespmem:s20+$0x10210] =	vst v55  }
0x20d: {  	v57 =	vpop (erf);
	[tilespmem:s20+$0x10290] =	vst v56  }
0x20e: {  	v58 =	vpop (erf);
	[tilespmem:s20+$0x102A0] =	vst v57  }
0x20f: {  	v59 =	vpop (erf);
	[tilespmem:s20+$0x10320] =	vst v58  }
0x210: {  	[tilespmem:s20+$0x103A0] =	vst v59;
	v60 =	vpop (erf)  }
0x211: {  	[tilespmem:s20+$0x10380] =	vst v60;
	v61 =	vpop (erf)  }
0x212: {  	[tilespmem:s20+$0x10220] =	vst v61;
	v62 =	vpop (erf)  }
0x213: {  	[tilespmem:s20+$0x10390] =	vst v62;
	v63 =	vpop (erf)  }
0x214: {  	[tilespmem:s20+$0x103B0] =	vst v63  }
0x215: {  	[hbm4b:s9+s1] =	stream.linear.scatter [tilespmem:s16], [sflag:$0x3], $0x8000, $0x38;
	[tilespmem:$0x18200] =	vst v63  }
0x216: {  	_ =	swait.ge [sflag:s13], $0x8000  }
0x217: {  	[sflag:s13] =	ssyncset.done $0x0  }
0x218: {  	[sflag:s13] =	ssyncadd.s32 $0xFFFF8000  }
0x219: {  	[hbm4b:s10+s1] =	stream.linear.scatter [tilespmem:s17], [sflag:$0x3], $0x8000, $0x38;
	[tilespmem:$0x18200] =	vst v63  }
0x21a: {  	s19 =	sadd.s32 $0x1, s19;
	_ =	swait.ge [sflag:s13], $0x8000  }
0x21b: {  	p0 =	sne.s32 s19, s12;
	[sflag:s13] =	ssyncset.done $0x0  }
.Ltmp4:
0x21c: {  	[sflag:s13] =	ssyncadd.s32 $0xFFFF8000;
	(pc) =	sbr.rel @p0 .LBB2_1-.Ltmp4, $4  }
0x21d: {  	[hbm4b:s11+s1] =	stream.linear.scatter [tilespmem:s18], [sflag:$0x3], $0x8000, $0x38;
	[tilespmem:$0x18200] =	vst v63  }
0x21e: {  	_ =	swait.ge [sflag:s13], $0x8000  }
0x21f: {  	[sflag:s13] =	ssyncset.done $0x0  }
0x220: {  	[sflag:s13] =	ssyncadd.s32 $0xFFFF8000  }
0x221: {  	_ =	sfence.sel $0x180000  }
0x222: {  	[bflag:$0x0] =	sbarrier.arrive $0xFFFF  }
0x223: {  	p0 =	sne.s32 s2, $0x0;
	_ =	strace $0x90000047  }
0x224: {  	s0 =	sadd.s32 @!p0 $0x100000, s0;
	[bflag:$0x2] =	sbarrier.arrive $0xFFFF  }
0x225: {  	[sflag:s0] =	ssyncadd.tile.s32 @!p0 $0x1;
	_ =	shalt  }
.Lfunc_end2:
_tile_overlayer_lowered:
.L_overlay_start_2:
0x226: {  	(tag) =	ssettag $0x2  }
0x227: {  	s0 =	rddreg [dreg:$0x0];
	s2 =	stileid.u32  }
0x228: {  	s1 =	rddreg [dreg:$0x1];
	p0 =	sne.s32 s2, $0x0  }
0x229: {  	s3 =	rddreg [dreg:$0x2];
	[bflag:$0x3] =	sbarrier.arrive $0xFFFF;
	s2 =	simm.s32 @!p0 $0x1C03  }
0x22a: {  	[timem:s3], [sflag:s2] =	dma.local @!p0 [hbm:s0], s1  }
0x22b: {  	s0 =	simm.s32 @!p0 $0x3  }
0x22c: {  	_ =	swait.ge @!p0 [sflag:s0], s1  }
0x22d: {  	s1 =	ssub.s32 @!p0 $0x0, s1;
	[sflag:s0] =	ssyncset.done @!p0 $0x0  }
0x22e: {  	[sflag:s0] =	ssyncadd.s32 @!p0 s1  }
0x22f: {  	[bflag:$0x3] =	sbarrier.arrive $0xFFFF  }
0x230: {  	_ =	shalt  }

</sc_bundles>
